<compile_context>
chip_gen: v7x
topology: tpu7x:2x2x1
jax: 0.10.2.dev20260603
libtpu: 0.0.44.dev20260713+nightly
codegen_flags: <defaults>
</compile_context>

<pallas_src>
import functools

import jax
import jax.numpy as jnp
from jax.experimental import pallas as pl
from jax.experimental.pallas import tpu as pltpu
from jax.experimental.pallas import tpu_sc as plsc

N_NODES = 10000
N_EDGES = 320000
D_NODE = 128
D_EDGE = 16
D_OUT = 128
D_HID = 256

NC = 2
NS = 16
NW = NC * NS

E_PER_W = N_EDGES // NW
CHUNK = 80
N_CHUNKS = E_PER_W // CHUNK

N_PAD = 10240
ROWS_PER_SUB = N_PAD // NS
ZROWS = 128

_vector_mesh = plsc.VectorSubcoreMesh(core_axis_name="c", subcore_axis_name="s")


GRP = 5
K_SPLIT = 5
E_SPLIT = N_EDGES // K_SPLIT
CE_PER_W = E_SPLIT // NW
CN_CHUNKS = CE_PER_W // CHUNK
CN_GRP = CN_CHUNKS // GRP


def _gather_body(nodes_hbm, senders_hbm, receivers_hbm, sr_out,
                 idx_all, *rest):
    bufs = (rest[0:GRP], rest[GRP:2 * GRP])
    gsem = rest[2 * GRP:2 * GRP + 2]
    wsem = rest[2 * GRP + 2:2 * GRP + 4]
    wid = jax.lax.axis_index("s") * NC + jax.lax.axis_index("c")
    base = wid * CE_PER_W

    def phase(src_hbm, col):
        pltpu.sync_copy(src_hbm.at[pl.ds(base, CE_PER_W)], idx_all)

        def fire_g(g, h):
            for b in range(GRP):
                idx = idx_all.at[pl.ds((g * GRP + b) * CHUNK, CHUNK)]
                pltpu.async_copy(nodes_hbm.at[idx], bufs[h][b], gsem[h])

        def drain_g(h):
            for b in range(GRP):
                pltpu.make_async_copy(
                    nodes_hbm.at[pl.ds(0, CHUNK)], bufs[h][b], gsem[h]).wait()

        def fire_w(g, h):
            for b in range(GRP):
                dst = sr_out.at[pl.ds(base + (g * GRP + b) * CHUNK, CHUNK),
                                pl.ds(col, D_NODE)]
                pltpu.async_copy(bufs[h][b], dst, wsem[h])

        def drain_w(h):
            for b in range(GRP):
                pltpu.make_async_copy(
                    bufs[h][b],
                    sr_out.at[pl.ds(base, CHUNK), pl.ds(col, D_NODE)],
                    wsem[h]).wait()

        fire_g(0, 0)
        fire_g(1, 1); drain_g(0); fire_w(0, 0)

        @pl.loop(0, (CN_GRP - 3) // 2)
        def _(u):
            t1 = 2 * u + 1
            drain_w(0); fire_g(t1 + 1, 0); drain_g(1); fire_w(t1, 1)
            t2 = 2 * u + 2
            drain_w(1); fire_g(t2 + 1, 1); drain_g(0); fire_w(t2, 0)

        drain_w(0); fire_g(CN_GRP - 1, 0); drain_g(1); fire_w(CN_GRP - 2, 1)
        drain_w(1); drain_g(0); fire_w(CN_GRP - 1, 0)
        drain_w(0)

    phase(senders_hbm, 0)
    phase(receivers_hbm, D_NODE)


@jax.jit
def _sc_gather(nodes, senders, receivers):
    feat = jax.ShapeDtypeStruct((E_SPLIT, 2 * D_NODE), jnp.float32)
    k = pl.kernel(
        _gather_body,
        out_type=feat,
        mesh=_vector_mesh,
        scratch_types=[
            pltpu.VMEM((CE_PER_W,), jnp.int32),
            *[pltpu.VMEM((CHUNK, D_NODE), jnp.float32) for _ in range(2 * GRP)],
            pltpu.SemaphoreType.DMA,
            pltpu.SemaphoreType.DMA,
            pltpu.SemaphoreType.DMA,
            pltpu.SemaphoreType.DMA,
        ],
    )
    return k(nodes, senders, receivers)


SCAT_RING = 3


def _make_scatter_body(ks):
    def _scatter_body(*refs):
        msg_arrays = refs[:len(ks)]
        recv4_hbm = refs[len(ks)]
        p0_out, p1_out = refs[len(ks) + 1:len(ks) + 3]
        acc_sh, idx2_v = refs[len(ks) + 3:len(ks) + 5]
        rest = refs[len(ks) + 5:]
        _scatter_impl(ks, msg_arrays, recv4_hbm, p0_out, p1_out,
                      acc_sh, idx2_v, rest)
    return _scatter_body


def _scatter_impl(ks, msg_arrays, recv4_hbm, p0_out, p1_out,
                  acc_sh, idx2_v, rest):
    bufs = rest[0:SCAT_RING]
    lsem = rest[SCAT_RING:2 * SCAT_RING]
    cid = jax.lax.axis_index("c")
    sid = jax.lax.axis_index("s")
    wid = sid * NC + cid
    base = wid * CE_PER_W

    zb = bufs[0]

    @pl.loop(0, CHUNK)
    def _(r):
        @pl.loop(0, D_NODE // 16)
        def _(cc):
            zb[r, pl.ds(cc * 16, 16)] = jnp.zeros((16,), jnp.float32)

    @pl.loop(0, ROWS_PER_SUB // CHUNK)
    def _(t):
        pltpu.sync_copy(zb, acc_sh.at[pl.ds(sid * ROWS_PER_SUB + t * CHUNK, CHUNK)])

    plsc.subcore_barrier()

    for seg, k in enumerate(ks):
        mk = msg_arrays[seg]
        pltpu.sync_copy(recv4_hbm.at[k, wid], idx2_v)

        def fire_l(j, b, mk=mk):
            src = mk.at[pl.ds(base + j * CHUNK, CHUNK)]
            pltpu.async_copy(src, bufs[b], lsem[b])

        def drain_l(b, mk=mk):
            pltpu.make_async_copy(
                mk.at[pl.ds(0, CHUNK)], bufs[b], lsem[b]).wait()

        def scat(j, b):
            pltpu.sync_copy(bufs[b], acc_sh.at[idx2_v.at[j]], add=True)

        for b in range(SCAT_RING):
            fire_l(b, b)

        @pl.loop(0, (CN_CHUNKS - 7) // SCAT_RING)
        def _(g):
            for b in range(SCAT_RING):
                j = g * SCAT_RING + b
                drain_l(b)
                scat(j, b)
                fire_l(j + SCAT_RING, b)

        for j in range(CN_CHUNKS - 7, CN_CHUNKS):
            b = j % SCAT_RING
            drain_l(b)
            scat(j, b)
            if j + SCAT_RING < CN_CHUNKS:
                fire_l(j + SCAT_RING, b)

    plsc.subcore_barrier()

    rb = sid * ROWS_PER_SUB

    @pl.when(cid == 0)
    def _():
        pltpu.sync_copy(acc_sh.at[pl.ds(rb, ROWS_PER_SUB)], p0_out.at[pl.ds(rb, ROWS_PER_SUB)])

    @pl.when(cid == 1)
    def _():
        pltpu.sync_copy(acc_sh.at[pl.ds(rb, ROWS_PER_SUB)], p1_out.at[pl.ds(rb, ROWS_PER_SUB)])


def _sc_scatter(msgs, receivers, ks):
    part = jax.ShapeDtypeStruct((N_PAD, D_NODE), jnp.float32)
    recv4 = receivers.reshape(K_SPLIT, NW, CN_CHUNKS, CHUNK)
    k = pl.kernel(
        _make_scatter_body(ks),
        out_type=(part, part),
        mesh=_vector_mesh,
        scratch_types=[
            pltpu.VMEM_SHARED((N_PAD, D_NODE), jnp.float32),
            pltpu.VMEM((CN_CHUNKS, CHUNK), jnp.int32),
            *[pltpu.VMEM((CHUNK, D_NODE), jnp.float32) for _ in range(SCAT_RING)],
            *[pltpu.SemaphoreType.DMA for _ in range(SCAT_RING)],
        ],
    )
    return k(*msgs, recv4)


E_BLK = 2000


D_EEXT = 32


def _mlp_body(sr_ref, e_ref, w1sr_ref, w1e_ref, w2_ref, b2_ref, o_ref):
    x = sr_ref[...].astype(jnp.bfloat16)
    h = jnp.dot(x, w1sr_ref[...], preferred_element_type=jnp.float32)
    h += jnp.dot(e_ref[...], w1e_ref[...], preferred_element_type=jnp.float32)
    h = jnp.maximum(h, 0.0).astype(jnp.bfloat16)
    o_ref[...] = jnp.dot(h, w2_ref[...], preferred_element_type=jnp.float32) + b2_ref[...]


def _mlp_chunk(k, sr_feat, e_ext, w1sr, w1e_ext, w2, b2r):
    grid = (E_SPLIT // E_BLK,)
    blocks_per_split = E_SPLIT // E_BLK
    in_specs = [
        pl.BlockSpec((E_BLK, 2 * D_NODE), lambda i: (i, 0)),
        pl.BlockSpec((E_BLK, D_EEXT), lambda i: (i + k * blocks_per_split, 0)),
        pl.BlockSpec((2 * D_NODE, D_HID), lambda i: (0, 0)),
        pl.BlockSpec((D_EEXT, D_HID), lambda i: (0, 0)),
        pl.BlockSpec((D_HID, D_OUT), lambda i: (0, 0)),
        pl.BlockSpec((1, D_OUT), lambda i: (0, 0)),
    ]
    out_spec = pl.BlockSpec((E_BLK, D_OUT), lambda i: (i, 0))
    out_shape = jax.ShapeDtypeStruct((E_SPLIT, D_OUT), jnp.float32)
    return pl.pallas_call(
        _mlp_body, grid=grid, in_specs=in_specs,
        out_specs=out_spec, out_shape=out_shape,
    )(sr_feat, e_ext, w1sr, w1e_ext, w2, b2r)


N_BLK = 2000


def _update_body(p0_ref, p1_ref, p2_ref, p3_ref, n_ref, wn_ref, bn_ref, o_ref):
    proj = jnp.dot(n_ref[...].astype(jnp.bfloat16), wn_ref[...],
                   preferred_element_type=jnp.float32)
    o_ref[...] = ((p0_ref[...] + p1_ref[...]) + (p2_ref[...] + p3_ref[...])
                  + proj + bn_ref[...])


def _update(parts, nodes, Wn, bn):
    wn = Wn.astype(jnp.bfloat16)
    bnr = bn.reshape(1, D_OUT)
    return pl.pallas_call(
        _update_body,
        grid=(N_NODES // N_BLK,),
        in_specs=[
            pl.BlockSpec((N_BLK, D_OUT), lambda i: (i, 0)),
            pl.BlockSpec((N_BLK, D_OUT), lambda i: (i, 0)),
            pl.BlockSpec((N_BLK, D_OUT), lambda i: (i, 0)),
            pl.BlockSpec((N_BLK, D_OUT), lambda i: (i, 0)),
            pl.BlockSpec((N_BLK, D_NODE), lambda i: (i, 0)),
            pl.BlockSpec((D_NODE, D_OUT), lambda i: (0, 0)),
            pl.BlockSpec((1, D_OUT), lambda i: (0, 0)),
        ],
        out_specs=pl.BlockSpec((N_BLK, D_OUT), lambda i: (i, 0)),
        out_shape=jax.ShapeDtypeStruct((N_NODES, D_OUT), jnp.float32),
    )(*parts, nodes, wn, bnr)


def kernel(nodes, edges, senders, receivers, W1, b1, W2, b2, Wn, bn):
    w1sr = W1[:2 * D_NODE].astype(jnp.bfloat16)
    w1e_ext = jnp.concatenate(
        [W1[2 * D_NODE:], b1.reshape(1, D_HID),
         jnp.zeros((D_EEXT - D_EDGE - 1, D_HID), W1.dtype)],
        axis=0).astype(jnp.bfloat16)
    e_ext = jnp.concatenate(
        [edges, jnp.ones((N_EDGES, 1), edges.dtype),
         jnp.zeros((N_EDGES, D_EEXT - D_EDGE - 1), edges.dtype)],
        axis=1).astype(jnp.bfloat16)
    w2 = W2.astype(jnp.bfloat16)
    b2r = b2.reshape(1, D_OUT)
    msgs = []
    for k in range(K_SPLIT):
        sl = slice(k * E_SPLIT, (k + 1) * E_SPLIT)
        sr_feat = _sc_gather(nodes, senders[sl], receivers[sl])
        msgs.append(_mlp_chunk(k, sr_feat, e_ext, w1sr, w1e_ext, w2, b2r))
    p0, p1 = _sc_scatter(msgs[:4], receivers, ks=(0, 1, 2, 3))
    p2, p3 = _sc_scatter(msgs[4:], receivers, ks=(4,))
    return _update((p0, p1, p2, p3), nodes, Wn, bn)

# --- scband reference (transcript-rebuilt; emitter-appended) ---
"""Pipeline reference for scband-message-passing-layer-43001212567950 (READ-ONLY COPY).

The authoritative reference and input builder live on the scoring server;
editing this copy changes nothing except your own understanding.
"""

import jax, jax.numpy as jnp
import numpy as np

N_NODES = 10000
N_EDGES = 320000
D_NODE = 128
D_EDGE = 16
D_OUT = 128
D_HID = 2 * D_OUT  # 256
D_IN = 2 * D_NODE + D_EDGE  # 272


def setup_inputs(seed: int = 0) -> dict:
    key = jax.random.key(seed)
    ks = jax.random.split(key, 12)
    nodes = jax.random.normal(ks[0], (N_NODES, D_NODE), dtype=jnp.float32)
    edges = jax.random.normal(ks[1], (N_EDGES, D_EDGE), dtype=jnp.float32)
    senders = jax.random.randint(ks[2], (N_EDGES,), 0, N_NODES, dtype=jnp.int32)
    receivers = jax.random.randint(ks[3], (N_EDGES,), 0, N_NODES, dtype=jnp.int32)
    # MessageFunction params (Linear: x @ W + b, lecun-normal-ish init)
    W1 = jax.random.normal(ks[4], (D_IN, D_HID), dtype=jnp.float32) / np.sqrt(D_IN)
    b1 = jnp.zeros((D_HID,), dtype=jnp.float32)
    W2 = jax.random.normal(ks[5], (D_HID, D_OUT), dtype=jnp.float32) / np.sqrt(D_HID)
    b2 = jnp.zeros((D_OUT,), dtype=jnp.float32)
    # node_update params
    Wn = jax.random.normal(ks[6], (D_NODE, D_OUT), dtype=jnp.float32) / np.sqrt(D_NODE)
    bn = jnp.zeros((D_OUT,), dtype=jnp.float32)
    return {
        "nodes": nodes,
        "edges": edges,
        "senders": senders,
        "receivers": receivers,
        "W1": W1,
        "b1": b1,
        "W2": W2,
        "b2": b2,
        "Wn": Wn,
        "bn": bn,
    }


def reference(nodes, edges, senders, receivers, W1, b1, W2, b2, Wn, bn):
    n_nodes = nodes.shape[0]
    # 1. gather sender/receiver features
    sender_features = jnp.take(nodes, senders, axis=0)
    receiver_features = jnp.take(nodes, receivers, axis=0)
    # 2. message MLP: m_ij = W2 @ relu(W1 @ [h_s || h_r || e_ij])
    concat_features = jnp.concatenate([sender_features, receiver_features, edges], axis=-1)
    h = jnp.maximum(concat_features @ W1 + b1, 0.0)
    messages = h @ W2 + b2
    # 3. aggregation == 'sum'
    aggregated = jax.ops.segment_sum(messages, receivers, num_segments=n_nodes)
    # 4. node update with residual projection
    node_projection = nodes @ Wn + bn
    new_nodes = aggregated + node_projection
    return new_nodes

if __name__ == "__main__":
    import jax
    _d = setup_inputs()
    print(jax.jit(kernel)(*tuple(_d.values())))

</pallas_src>

<mosaic_0001>
#map = affine_map<(d0, d1) -> (0, 0)>
#map1 = affine_map<(d0, d1) -> (0)>
module attributes {stable_mosaic.version = 14 : i64} {
  func.func @_gather_body(%arg0: i32, %arg1: i32, %arg2: memref<10000x128xf32, #tpu.memory_space<hbm>>, %arg3: memref<64000xi32, #tpu.memory_space<hbm>>, %arg4: memref<64000xi32, #tpu.memory_space<hbm>>, %arg5: memref<64000x256xf32, #tpu.memory_space<hbm>>, %arg6: memref<2000xi32, #tpu.memory_space<vmem>>, %arg7: memref<80x128xf32, #tpu.memory_space<vmem>>, %arg8: memref<80x128xf32, #tpu.memory_space<vmem>>, %arg9: memref<80x128xf32, #tpu.memory_space<vmem>>, %arg10: memref<80x128xf32, #tpu.memory_space<vmem>>, %arg11: memref<80x128xf32, #tpu.memory_space<vmem>>, %arg12: memref<80x128xf32, #tpu.memory_space<vmem>>, %arg13: memref<80x128xf32, #tpu.memory_space<vmem>>, %arg14: memref<80x128xf32, #tpu.memory_space<vmem>>, %arg15: memref<80x128xf32, #tpu.memory_space<vmem>>, %arg16: memref<80x128xf32, #tpu.memory_space<vmem>>, %arg17: memref<!tpu.dma_semaphore, #tpu.memory_space<semaphore_mem>>, %arg18: memref<!tpu.dma_semaphore, #tpu.memory_space<semaphore_mem>>, %arg19: memref<!tpu.dma_semaphore, #tpu.memory_space<semaphore_mem>>, %arg20: memref<!tpu.dma_semaphore, #tpu.memory_space<semaphore_mem>>) attributes {dimension_semantics = [#tpu.dimension_semantics<core_parallel>, #tpu.dimension_semantics<subcore_parallel>], iteration_bounds = array<i64: 2, 16>, scalar_prefetch = 0 : i64, scratch_operands = 15 : i64, tpu.core_type = #tpu.core_type<sc_vector_subcore>, window_params = [{transform_indices = #map}, {transform_indices = #map1}, {transform_indices = #map1}, {transform_indices = #map}]} {
    %mul3A = arith.constant 2 : i32
    %mul3A_0 = arith.muli %arg1, %mul3A : i32
    %add3A = arith.addi %mul3A_0, %arg0 : i32
    %mul3A_1 = arith.constant 2000 : i32
    %mul3A_2 = arith.muli %add3A, %mul3A_1 : i32
    "tpu.region"() ({
      %run_scoped3A = tpu.sem_alloc : memref<!tpu.dma_semaphore, #tpu.memory_space<semaphore_mem>>
      %dma_start3A_1286 = tpu.memref_slice %arg3[%mul3A_2] : memref<64000xi32, #tpu.memory_space<hbm>> -> memref<2000xi32, #tpu.memory_space<hbm>>
      %dma_start3A_1287 = tpu.memref_slice %arg3[%mul3A_2] : memref<64000xi32, #tpu.memory_space<hbm>> -> memref<2000xi32, #tpu.memory_space<hbm>>
      tpu.enqueue_dma source(%dma_start3A_1287 : memref<2000xi32, #tpu.memory_space<hbm>>) target(%arg6 : memref<2000xi32, #tpu.memory_space<vmem>>) target_semaphore(%run_scoped3A : memref<!tpu.dma_semaphore, #tpu.memory_space<semaphore_mem>>)
      %dma_wait3A_1288 = tpu.memref_slice %arg3[%mul3A_2] : memref<64000xi32, #tpu.memory_space<hbm>> -> memref<2000xi32, #tpu.memory_space<hbm>>
      %dma_wait3A_1289 = tpu.memref_slice %arg3[%mul3A_2] : memref<64000xi32, #tpu.memory_space<hbm>> -> memref<2000xi32, #tpu.memory_space<hbm>>
      tpu.wait_dma2 semaphore(%run_scoped3A : memref<!tpu.dma_semaphore, #tpu.memory_space<semaphore_mem>>) src(%dma_wait3A_1289 : memref<2000xi32, #tpu.memory_space<hbm>>) dst(%arg6 : memref<2000xi32, #tpu.memory_space<vmem>>)
      tpu.yield
    }) : () -> ()
    %dma_start3A = arith.constant 0 : i32
    %dma_start3A_3 = tpu.memref_slice %arg6[%dma_start3A] : memref<2000xi32, #tpu.memory_space<vmem>> -> memref<80xi32, #tpu.memory_space<vmem>>
    %dma_start3A_4 = arith.constant 0 : i32
    %dma_start3A_5 = arith.constant 0 : i32
    %dma_start3A_6 = tpu.memref_slice %arg2[%dma_start3A_4, %dma_start3A_5] : memref<10000x128xf32, #tpu.memory_space<hbm>> -> memref<10000x128xf32, #tpu.memory_space<hbm>>
    tpu.enqueue_indirect_dma source(%dma_start3A_6 : memref<10000x128xf32, #tpu.memory_space<hbm>>) target(%arg7 : memref<80x128xf32, #tpu.memory_space<vmem>>) offsets(%dma_start3A_3 : memref<80xi32, #tpu.memory_space<vmem>>) semaphore(%arg17 : memref<!tpu.dma_semaphore, #tpu.memory_space<semaphore_mem>>)
    %dma_start3A_7 = arith.constant 80 : i32
    %dma_start3A_8 = tpu.memref_slice %arg6[%dma_start3A_7] : memref<2000xi32, #tpu.memory_space<vmem>> -> memref<80xi32, #tpu.memory_space<vmem>>
    %dma_start3A_9 = arith.constant 0 : i32
    %dma_start3A_10 = arith.constant 0 : i32
    %dma_start3A_11 = tpu.memref_slice %arg2[%dma_start3A_9, %dma_start3A_10] : memref<10000x128xf32, #tpu.memory_space<hbm>> -> memref<10000x128xf32, #tpu.memory_space<hbm>>
    tpu.enqueue_indirect_dma source(%dma_start3A_11 : memref<10000x128xf32, #tpu.memory_space<hbm>>) target(%arg8 : memref<80x128xf32, #tpu.memory_space<vmem>>) offsets(%dma_start3A_8 : memref<80xi32, #tpu.memory_space<vmem>>) semaphore(%arg17 : memref<!tpu.dma_semaphore, #tpu.memory_space<semaphore_mem>>)
    %dma_start3A_12 = arith.constant 160 : i32
    %dma_start3A_13 = tpu.memref_slice %arg6[%dma_start3A_12] : memref<2000xi32, #tpu.memory_space<vmem>> -> memref<80xi32, #tpu.memory_space<vmem>>
    %dma_start3A_14 = arith.constant 0 : i32
    %dma_start3A_15 = arith.constant 0 : i32
    %dma_start3A_16 = tpu.memref_slice %arg2[%dma_start3A_14, %dma_start3A_15] : memref<10000x128xf32, #tpu.memory_space<hbm>> -> memref<10000x128xf32, #tpu.memory_space<hbm>>
    tpu.enqueue_indirect_dma source(%dma_start3A_16 : memref<10000x128xf32, #tpu.memory_space<hbm>>) target(%arg9 : memref<80x128xf32, #tpu.memory_space<vmem>>) offsets(%dma_start3A_13 : memref<80xi32, #tpu.memory_space<vmem>>) semaphore(%arg17 : memref<!tpu.dma_semaphore, #tpu.memory_space<semaphore_mem>>)
    %dma_start3A_17 = arith.constant 240 : i32
    %dma_start3A_18 = tpu.memref_slice %arg6[%dma_start3A_17] : memref<2000xi32, #tpu.memory_space<vmem>> -> memref<80xi32, #tpu.memory_space<vmem>>
    %dma_start3A_19 = arith.constant 0 : i32
    %dma_start3A_20 = arith.constant 0 : i32
    %dma_start3A_21 = tpu.memref_slice %arg2[%dma_start3A_19, %dma_start3A_20] : memref<10000x128xf32, #tpu.memory_space<hbm>> -> memref<10000x128xf32, #tpu.memory_space<hbm>>
    tpu.enqueue_indirect_dma source(%dma_start3A_21 : memref<10000x128xf32, #tpu.memory_space<hbm>>) target(%arg10 : memref<80x128xf32, #tpu.memory_space<vmem>>) offsets(%dma_start3A_18 : memref<80xi32, #tpu.memory_space<vmem>>) semaphore(%arg17 : memref<!tpu.dma_semaphore, #tpu.memory_space<semaphore_mem>>)
    %dma_start3A_22 = arith.constant 320 : i32
    %dma_start3A_23 = tpu.memref_slice %arg6[%dma_start3A_22] : memref<2000xi32, #tpu.memory_space<vmem>> -> memref<80xi32, #tpu.memory_space<vmem>>
    %dma_start3A_24 = arith.constant 0 : i32
    %dma_start3A_25 = arith.constant 0 : i32
    %dma_start3A_26 = tpu.memref_slice %arg2[%dma_start3A_24, %dma_start3A_25] : memref<10000x128xf32, #tpu.memory_space<hbm>> -> memref<10000x128xf32, #tpu.memory_space<hbm>>
    tpu.enqueue_indirect_dma source(%dma_start3A_26 : memref<10000x128xf32, #tpu.memory_space<hbm>>) target(%arg11 : memref<80x128xf32, #tpu.memory_space<vmem>>) offsets(%dma_start3A_23 : memref<80xi32, #tpu.memory_space<vmem>>) semaphore(%arg17 : memref<!tpu.dma_semaphore, #tpu.memory_space<semaphore_mem>>)
    %dma_start3A_27 = arith.constant 400 : i32
    %dma_start3A_28 = tpu.memref_slice %arg6[%dma_start3A_27] : memref<2000xi32, #tpu.memory_space<vmem>> -> memref<80xi32, #tpu.memory_space<vmem>>
    %dma_start3A_29 = arith.constant 0 : i32
    %dma_start3A_30 = arith.constant 0 : i32
    %dma_start3A_31 = tpu.memref_slice %arg2[%dma_start3A_29, %dma_start3A_30] : memref<10000x128xf32, #tpu.memory_space<hbm>> -> memref<10000x128xf32, #tpu.memory_space<hbm>>
    tpu.enqueue_indirect_dma source(%dma_start3A_31 : memref<10000x128xf32, #tpu.memory_space<hbm>>) target(%arg12 : memref<80x128xf32, #tpu.memory_space<vmem>>) offsets(%dma_start3A_28 : memref<80xi32, #tpu.memory_space<vmem>>) semaphore(%arg18 : memref<!tpu.dma_semaphore, #tpu.memory_space<semaphore_mem>>)
    %dma_start3A_32 = arith.constant 480 : i32
    %dma_start3A_33 = tpu.memref_slice %arg6[%dma_start3A_32] : memref<2000xi32, #tpu.memory_space<vmem>> -> memref<80xi32, #tpu.memory_space<vmem>>
    %dma_start3A_34 = arith.constant 0 : i32
    %dma_start3A_35 = arith.constant 0 : i32
    %dma_start3A_36 = tpu.memref_slice %arg2[%dma_start3A_34, %dma_start3A_35] : memref<10000x128xf32, #tpu.memory_space<hbm>> -> memref<10000x128xf32, #tpu.memory_space<hbm>>
    tpu.enqueue_indirect_dma source(%dma_start3A_36 : memref<10000x128xf32, #tpu.memory_space<hbm>>) target(%arg13 : memref<80x128xf32, #tpu.memory_space<vmem>>) offsets(%dma_start3A_33 : memref<80xi32, #tpu.memory_space<vmem>>) semaphore(%arg18 : memref<!tpu.dma_semaphore, #tpu.memory_space<semaphore_mem>>)
    %dma_start3A_37 = arith.constant 560 : i32
    %dma_start3A_38 = tpu.memref_slice %arg6[%dma_start3A_37] : memref<2000xi32, #tpu.memory_space<vmem>> -> memref<80xi32, #tpu.memory_space<vmem>>
    %dma_start3A_39 = arith.constant 0 : i32
    %dma_start3A_40 = arith.constant 0 : i32
    %dma_start3A_41 = tpu.memref_slice %arg2[%dma_start3A_39, %dma_start3A_40] : memref<10000x128xf32, #tpu.memory_space<hbm>> -> memref<10000x128xf32, #tpu.memory_space<hbm>>
    tpu.enqueue_indirect_dma source(%dma_start3A_41 : memref<10000x128xf32, #tpu.memory_space<hbm>>) target(%arg14 : memref<80x128xf32, #tpu.memory_space<vmem>>) offsets(%dma_start3A_38 : memref<80xi32, #tpu.memory_space<vmem>>) semaphore(%arg18 : memref<!tpu.dma_semaphore, #tpu.memory_space<semaphore_mem>>)
    %dma_start3A_42 = arith.constant 640 : i32
    %dma_start3A_43 = tpu.memref_slice %arg6[%dma_start3A_42] : memref<2000xi32, #tpu.memory_space<vmem>> -> memref<80xi32, #tpu.memory_space<vmem>>
    %dma_start3A_44 = arith.constant 0 : i32
    %dma_start3A_45 = arith.constant 0 : i32
    %dma_start3A_46 = tpu.memref_slice %arg2[%dma_start3A_44, %dma_start3A_45] : memref<10000x128xf32, #tpu.memory_space<hbm>> -> memref<10000x128xf32, #tpu.memory_space<hbm>>
    tpu.enqueue_indirect_dma source(%dma_start3A_46 : memref<10000x128xf32, #tpu.memory_space<hbm>>) target(%arg15 : memref<80x128xf32, #tpu.memory_space<vmem>>) offsets(%dma_start3A_43 : memref<80xi32, #tpu.memory_space<vmem>>) semaphore(%arg18 : memref<!tpu.dma_semaphore, #tpu.memory_space<semaphore_mem>>)
    %dma_start3A_47 = arith.constant 720 : i32
    %dma_start3A_48 = tpu.memref_slice %arg6[%dma_start3A_47] : memref<2000xi32, #tpu.memory_space<vmem>> -> memref<80xi32, #tpu.memory_space<vmem>>
    %dma_start3A_49 = arith.constant 0 : i32
    %dma_start3A_50 = arith.constant 0 : i32
    %dma_start3A_51 = tpu.memref_slice %arg2[%dma_start3A_49, %dma_start3A_50] : memref<10000x128xf32, #tpu.memory_space<hbm>> -> memref<10000x128xf32, #tpu.memory_space<hbm>>
    tpu.enqueue_indirect_dma source(%dma_start3A_51 : memref<10000x128xf32, #tpu.memory_space<hbm>>) target(%arg16 : memref<80x128xf32, #tpu.memory_space<vmem>>) offsets(%dma_start3A_48 : memref<80xi32, #tpu.memory_space<vmem>>) semaphore(%arg18 : memref<!tpu.dma_semaphore, #tpu.memory_space<semaphore_mem>>)
    %dma_wait3A = arith.constant 0 : i32
    %dma_wait3A_52 = arith.constant 0 : i32
    %dma_wait3A_53 = tpu.memref_slice %arg2[%dma_wait3A, %dma_wait3A_52] : memref<10000x128xf32, #tpu.memory_space<hbm>> -> memref<80x128xf32, #tpu.memory_space<hbm>>
    %dma_wait3A_54 = arith.constant 0 : i32
    %dma_wait3A_55 = arith.constant 0 : i32
    %dma_wait3A_56 = tpu.memref_slice %arg2[%dma_wait3A_54, %dma_wait3A_55] : memref<10000x128xf32, #tpu.memory_space<hbm>> -> memref<80x128xf32, #tpu.memory_space<hbm>>
    tpu.wait_dma2 semaphore(%arg17 : memref<!tpu.dma_semaphore, #tpu.memory_space<semaphore_mem>>) src(%dma_wait3A_56 : memref<80x128xf32, #tpu.memory_space<hbm>>) dst(%arg7 : memref<80x128xf32, #tpu.memory_space<vmem>>)
    %dma_wait3A_57 = arith.constant 0 : i32
    %dma_wait3A_58 = arith.constant 0 : i32
    %dma_wait3A_59 = tpu.memref_slice %arg2[%dma_wait3A_57, %dma_wait3A_58] : memref<10000x128xf32, #tpu.memory_space<hbm>> -> memref<80x128xf32, #tpu.memory_space<hbm>>
    %dma_wait3A_60 = arith.constant 0 : i32
    %dma_wait3A_61 = arith.constant 0 : i32
    %dma_wait3A_62 = tpu.memref_slice %arg2[%dma_wait3A_60, %dma_wait3A_61] : memref<10000x128xf32, #tpu.memory_space<hbm>> -> memref<80x128xf32, #tpu.memory_space<hbm>>
    tpu.wait_dma2 semaphore(%arg17 : memref<!tpu.dma_semaphore, #tpu.memory_space<semaphore_mem>>) src(%dma_wait3A_62 : memref<80x128xf32, #tpu.memory_space<hbm>>) dst(%arg8 : memref<80x128xf32, #tpu.memory_space<vmem>>)
    %dma_wait3A_63 = arith.constant 0 : i32
    %dma_wait3A_64 = arith.constant 0 : i32
    %dma_wait3A_65 = tpu.memref_slice %arg2[%dma_wait3A_63, %dma_wait3A_64] : memref<10000x128xf32, #tpu.memory_space<hbm>> -> memref<80x128xf32, #tpu.memory_space<hbm>>
    %dma_wait3A_66 = arith.constant 0 : i32
    %dma_wait3A_67 = arith.constant 0 : i32
    %dma_wait3A_68 = tpu.memref_slice %arg2[%dma_wait3A_66, %dma_wait3A_67] : memref<10000x128xf32, #tpu.memory_space<hbm>> -> memref<80x128xf32, #tpu.memory_space<hbm>>
    tpu.wait_dma2 semaphore(%arg17 : memref<!tpu.dma_semaphore, #tpu.memory_space<semaphore_mem>>) src(%dma_wait3A_68 : memref<80x128xf32, #tpu.memory_space<hbm>>) dst(%arg9 : memref<80x128xf32, #tpu.memory_space<vmem>>)
    %dma_wait3A_69 = arith.constant 0 : i32
    %dma_wait3A_70 = arith.constant 0 : i32
    %dma_wait3A_71 = tpu.memref_slice %arg2[%dma_wait3A_69, %dma_wait3A_70] : memref<10000x128xf32, #tpu.memory_space<hbm>> -> memref<80x128xf32, #tpu.memory_space<hbm>>
    %dma_wait3A_72 = arith.constant 0 : i32
    %dma_wait3A_73 = arith.constant 0 : i32
    %dma_wait3A_74 = tpu.memref_slice %arg2[%dma_wait3A_72, %dma_wait3A_73] : memref<10000x128xf32, #tpu.memory_space<hbm>> -> memref<80x128xf32, #tpu.memory_space<hbm>>
    tpu.wait_dma2 semaphore(%arg17 : memref<!tpu.dma_semaphore, #tpu.memory_space<semaphore_mem>>) src(%dma_wait3A_74 : memref<80x128xf32, #tpu.memory_space<hbm>>) dst(%arg10 : memref<80x128xf32, #tpu.memory_space<vmem>>)
    %dma_wait3A_75 = arith.constant 0 : i32
    %dma_wait3A_76 = arith.constant 0 : i32
    %dma_wait3A_77 = tpu.memref_slice %arg2[%dma_wait3A_75, %dma_wait3A_76] : memref<10000x128xf32, #tpu.memory_space<hbm>> -> memref<80x128xf32, #tpu.memory_space<hbm>>
    %dma_wait3A_78 = arith.constant 0 : i32
    %dma_wait3A_79 = arith.constant 0 : i32
    %dma_wait3A_80 = tpu.memref_slice %arg2[%dma_wait3A_78, %dma_wait3A_79] : memref<10000x128xf32, #tpu.memory_space<hbm>> -> memref<80x128xf32, #tpu.memory_space<hbm>>
    tpu.wait_dma2 semaphore(%arg17 : memref<!tpu.dma_semaphore, #tpu.memory_space<semaphore_mem>>) src(%dma_wait3A_80 : memref<80x128xf32, #tpu.memory_space<hbm>>) dst(%arg11 : memref<80x128xf32, #tpu.memory_space<vmem>>)
    %add3A_81 = arith.constant 0 : i32
    %add3A_82 = arith.addi %mul3A_2, %add3A_81 : i32
    %dma_start3A_83 = arith.constant 0 : i32
    %dma_start3A_84 = tpu.memref_slice %arg5[%add3A_82, %dma_start3A_83] : memref<64000x256xf32, #tpu.memory_space<hbm>> -> memref<80x128xf32, #tpu.memory_space<hbm>>
    %dma_start3A_85 = arith.constant 0 : i32
    %dma_start3A_86 = tpu.memref_slice %arg5[%add3A_82, %dma_start3A_85] : memref<64000x256xf32, #tpu.memory_space<hbm>> -> memref<80x128xf32, #tpu.memory_space<hbm>>
    tpu.enqueue_dma source(%arg7 : memref<80x128xf32, #tpu.memory_space<vmem>>) target(%dma_start3A_86 : memref<80x128xf32, #tpu.memory_space<hbm>>) target_semaphore(%arg19 : memref<!tpu.dma_semaphore, #tpu.memory_space<semaphore_mem>>)
    %add3A_87 = arith.constant 80 : i32
    %add3A_88 = arith.addi %mul3A_2, %add3A_87 : i32
    %dma_start3A_89 = arith.constant 0 : i32
    %dma_start3A_90 = tpu.memref_slice %arg5[%add3A_88, %dma_start3A_89] : memref<64000x256xf32, #tpu.memory_space<hbm>> -> memref<80x128xf32, #tpu.memory_space<hbm>>
    %dma_start3A_91 = arith.constant 0 : i32
    %dma_start3A_92 = tpu.memref_slice %arg5[%add3A_88, %dma_start3A_91] : memref<64000x256xf32, #tpu.memory_space<hbm>> -> memref<80x128xf32, #tpu.memory_space<hbm>>
    tpu.enqueue_dma source(%arg8 : memref<80x128xf32, #tpu.memory_space<vmem>>) target(%dma_start3A_92 : memref<80x128xf32, #tpu.memory_space<hbm>>) target_semaphore(%arg19 : memref<!tpu.dma_semaphore, #tpu.memory_space<semaphore_mem>>)
    %add3A_93 = arith.constant 160 : i32
    %add3A_94 = arith.addi %mul3A_2, %add3A_93 : i32
    %dma_start3A_95 = arith.constant 0 : i32
    %dma_start3A_96 = tpu.memref_slice %arg5[%add3A_94, %dma_start3A_95] : memref<64000x256xf32, #tpu.memory_space<hbm>> -> memref<80x128xf32, #tpu.memory_space<hbm>>
    %dma_start3A_97 = arith.constant 0 : i32
    %dma_start3A_98 = tpu.memref_slice %arg5[%add3A_94, %dma_start3A_97] : memref<64000x256xf32, #tpu.memory_space<hbm>> -> memref<80x128xf32, #tpu.memory_space<hbm>>
    tpu.enqueue_dma source(%arg9 : memref<80x128xf32, #tpu.memory_space<vmem>>) target(%dma_start3A_98 : memref<80x128xf32, #tpu.memory_space<hbm>>) target_semaphore(%arg19 : memref<!tpu.dma_semaphore, #tpu.memory_space<semaphore_mem>>)
    %add3A_99 = arith.constant 240 : i32
    %add3A_100 = arith.addi %mul3A_2, %add3A_99 : i32
    %dma_start3A_101 = arith.constant 0 : i32
    %dma_start3A_102 = tpu.memref_slice %arg5[%add3A_100, %dma_start3A_101] : memref<64000x256xf32, #tpu.memory_space<hbm>> -> memref<80x128xf32, #tpu.memory_space<hbm>>
    %dma_start3A_103 = arith.constant 0 : i32
    %dma_start3A_104 = tpu.memref_slice %arg5[%add3A_100, %dma_start3A_103] : memref<64000x256xf32, #tpu.memory_space<hbm>> -> memref<80x128xf32, #tpu.memory_space<hbm>>
    tpu.enqueue_dma source(%arg10 : memref<80x128xf32, #tpu.memory_space<vmem>>) target(%dma_start3A_104 : memref<80x128xf32, #tpu.memory_space<hbm>>) target_semaphore(%arg19 : memref<!tpu.dma_semaphore, #tpu.memory_space<semaphore_mem>>)
    %add3A_105 = arith.constant 320 : i32
    %add3A_106 = arith.addi %mul3A_2, %add3A_105 : i32
    %dma_start3A_107 = arith.constant 0 : i32
    %dma_start3A_108 = tpu.memref_slice %arg5[%add3A_106, %dma_start3A_107] : memref<64000x256xf32, #tpu.memory_space<hbm>> -> memref<80x128xf32, #tpu.memory_space<hbm>>
    %dma_start3A_109 = arith.constant 0 : i32
    %dma_start3A_110 = tpu.memref_slice %arg5[%add3A_106, %dma_start3A_109] : memref<64000x256xf32, #tpu.memory_space<hbm>> -> memref<80x128xf32, #tpu.memory_space<hbm>>
    tpu.enqueue_dma source(%arg11 : memref<80x128xf32, #tpu.memory_space<vmem>>) target(%dma_start3A_110 : memref<80x128xf32, #tpu.memory_space<hbm>>) target_semaphore(%arg19 : memref<!tpu.dma_semaphore, #tpu.memory_space<semaphore_mem>>)
    %scan3A = arith.constant 0 : i32
    %mul3A_111 = arith.constant 1 : i32
    %mul3A_112 = arith.muli %scan3A, %mul3A_111 : i32
    %add3A_113 = arith.constant 0 : i32
    %add3A_114 = arith.addi %add3A_113, %mul3A_112 : i32
    %mul3A_115 = arith.constant 2 : i32
    %mul3A_116 = arith.muli %mul3A_115, %add3A_114 : i32
    %add3A_117 = arith.constant 1 : i32
    %add3A_118 = arith.addi %mul3A_116, %add3A_117 : i32
    %dma_wait3A_119 = arith.constant 0 : i32
    %dma_wait3A_120 = tpu.memref_slice %arg5[%mul3A_2, %dma_wait3A_119] : memref<64000x256xf32, #tpu.memory_space<hbm>> -> memref<80x128xf32, #tpu.memory_space<hbm>>
    %dma_wait3A_121 = arith.constant 0 : i32
    %dma_wait3A_122 = tpu.memref_slice %arg5[%mul3A_2, %dma_wait3A_121] : memref<64000x256xf32, #tpu.memory_space<hbm>> -> memref<80x128xf32, #tpu.memory_space<hbm>>
    tpu.wait_dma2 semaphore(%arg19 : memref<!tpu.dma_semaphore, #tpu.memory_space<semaphore_mem>>) src(%arg7 : memref<80x128xf32, #tpu.memory_space<vmem>>) dst(%dma_wait3A_122 : memref<80x128xf32, #tpu.memory_space<hbm>>)
    %dma_wait3A_123 = arith.constant 0 : i32
    %dma_wait3A_124 = tpu.memref_slice %arg5[%mul3A_2, %dma_wait3A_123] : memref<64000x256xf32, #tpu.memory_space<hbm>> -> memref<80x128xf32, #tpu.memory_space<hbm>>
    %dma_wait3A_125 = arith.constant 0 : i32
    %dma_wait3A_126 = tpu.memref_slice %arg5[%mul3A_2, %dma_wait3A_125] : memref<64000x256xf32, #tpu.memory_space<hbm>> -> memref<80x128xf32, #tpu.memory_space<hbm>>
    tpu.wait_dma2 semaphore(%arg19 : memref<!tpu.dma_semaphore, #tpu.memory_space<semaphore_mem>>) src(%arg8 : memref<80x128xf32, #tpu.memory_space<vmem>>) dst(%dma_wait3A_126 : memref<80x128xf32, #tpu.memory_space<hbm>>)
    %dma_wait3A_127 = arith.constant 0 : i32
    %dma_wait3A_128 = tpu.memref_slice %arg5[%mul3A_2, %dma_wait3A_127] : memref<64000x256xf32, #tpu.memory_space<hbm>> -> memref<80x128xf32, #tpu.memory_space<hbm>>
    %dma_wait3A_129 = arith.constant 0 : i32
    %dma_wait3A_130 = tpu.memref_slice %arg5[%mul3A_2, %dma_wait3A_129] : memref<64000x256xf32, #tpu.memory_space<hbm>> -> memref<80x128xf32, #tpu.memory_space<hbm>>
    tpu.wait_dma2 semaphore(%arg19 : memref<!tpu.dma_semaphore, #tpu.memory_space<semaphore_mem>>) src(%arg9 : memref<80x128xf32, #tpu.memory_space<vmem>>) dst(%dma_wait3A_130 : memref<80x128xf32, #tpu.memory_space<hbm>>)
    %dma_wait3A_131 = arith.constant 0 : i32
    %dma_wait3A_132 = tpu.memref_slice %arg5[%mul3A_2, %dma_wait3A_131] : memref<64000x256xf32, #tpu.memory_space<hbm>> -> memref<80x128xf32, #tpu.memory_space<hbm>>
    %dma_wait3A_133 = arith.constant 0 : i32
    %dma_wait3A_134 = tpu.memref_slice %arg5[%mul3A_2, %dma_wait3A_133] : memref<64000x256xf32, #tpu.memory_space<hbm>> -> memref<80x128xf32, #tpu.memory_space<hbm>>
    tpu.wait_dma2 semaphore(%arg19 : memref<!tpu.dma_semaphore, #tpu.memory_space<semaphore_mem>>) src(%arg10 : memref<80x128xf32, #tpu.memory_space<vmem>>) dst(%dma_wait3A_134 : memref<80x128xf32, #tpu.memory_space<hbm>>)
    %dma_wait3A_135 = arith.constant 0 : i32
    %dma_wait3A_136 = tpu.memref_slice %arg5[%mul3A_2, %dma_wait3A_135] : memref<64000x256xf32, #tpu.memory_space<hbm>> -> memref<80x128xf32, #tpu.memory_space<hbm>>
    %dma_wait3A_137 = arith.constant 0 : i32
    %dma_wait3A_138 = tpu.memref_slice %arg5[%mul3A_2, %dma_wait3A_137] : memref<64000x256xf32, #tpu.memory_space<hbm>> -> memref<80x128xf32, #tpu.memory_space<hbm>>
    tpu.wait_dma2 semaphore(%arg19 : memref<!tpu.dma_semaphore, #tpu.memory_space<semaphore_mem>>) src(%arg11 : memref<80x128xf32, #tpu.memory_space<vmem>>) dst(%dma_wait3A_138 : memref<80x128xf32, #tpu.memory_space<hbm>>)
    %add3A_139 = arith.constant 1 : i32
    %add3A_140 = arith.addi %add3A_118, %add3A_139 : i32
    %mul3A_141 = arith.constant 5 : i32
    %mul3A_142 = arith.muli %add3A_140, %mul3A_141 : i32
    %add3A_143 = arith.constant 0 : i32
    %add3A_144 = arith.addi %mul3A_142, %add3A_143 : i32
    %mul3A_145 = arith.constant 80 : i32
    %mul3A_146 = arith.muli %add3A_144, %mul3A_145 : i32
    %dma_start3A_147 = tpu.memref_slice %arg6[%mul3A_146] : memref<2000xi32, #tpu.memory_space<vmem>> -> memref<80xi32, #tpu.memory_space<vmem>>
    %dma_start3A_148 = arith.constant 0 : i32
    %dma_start3A_149 = arith.constant 0 : i32
    %dma_start3A_150 = tpu.memref_slice %arg2[%dma_start3A_148, %dma_start3A_149] : memref<10000x128xf32, #tpu.memory_space<hbm>> -> memref<10000x128xf32, #tpu.memory_space<hbm>>
    tpu.enqueue_indirect_dma source(%dma_start3A_150 : memref<10000x128xf32, #tpu.memory_space<hbm>>) target(%arg7 : memref<80x128xf32, #tpu.memory_space<vmem>>) offsets(%dma_start3A_147 : memref<80xi32, #tpu.memory_space<vmem>>) semaphore(%arg17 : memref<!tpu.dma_semaphore, #tpu.memory_space<semaphore_mem>>)
    %mul3A_151 = arith.constant 5 : i32
    %mul3A_152 = arith.muli %add3A_140, %mul3A_151 : i32
    %add3A_153 = arith.constant 1 : i32
    %add3A_154 = arith.addi %mul3A_152, %add3A_153 : i32
    %mul3A_155 = arith.constant 80 : i32
    %mul3A_156 = arith.muli %add3A_154, %mul3A_155 : i32
    %dma_start3A_157 = tpu.memref_slice %arg6[%mul3A_156] : memref<2000xi32, #tpu.memory_space<vmem>> -> memref<80xi32, #tpu.memory_space<vmem>>
    %dma_start3A_158 = arith.constant 0 : i32
    %dma_start3A_159 = arith.constant 0 : i32
    %dma_start3A_160 = tpu.memref_slice %arg2[%dma_start3A_158, %dma_start3A_159] : memref<10000x128xf32, #tpu.memory_space<hbm>> -> memref<10000x128xf32, #tpu.memory_space<hbm>>
    tpu.enqueue_indirect_dma source(%dma_start3A_160 : memref<10000x128xf32, #tpu.memory_space<hbm>>) target(%arg8 : memref<80x128xf32, #tpu.memory_space<vmem>>) offsets(%dma_start3A_157 : memref<80xi32, #tpu.memory_space<vmem>>) semaphore(%arg17 : memref<!tpu.dma_semaphore, #tpu.memory_space<semaphore_mem>>)
    %mul3A_161 = arith.constant 5 : i32
    %mul3A_162 = arith.muli %add3A_140, %mul3A_161 : i32
    %add3A_163 = arith.constant 2 : i32
    %add3A_164 = arith.addi %mul3A_162, %add3A_163 : i32
    %mul3A_165 = arith.constant 80 : i32
    %mul3A_166 = arith.muli %add3A_164, %mul3A_165 : i32
    %dma_start3A_167 = tpu.memref_slice %arg6[%mul3A_166] : memref<2000xi32, #tpu.memory_space<vmem>> -> memref<80xi32, #tpu.memory_space<vmem>>
    %dma_start3A_168 = arith.constant 0 : i32
    %dma_start3A_169 = arith.constant 0 : i32
    %dma_start3A_170 = tpu.memref_slice %arg2[%dma_start3A_168, %dma_start3A_169] : memref<10000x128xf32, #tpu.memory_space<hbm>> -> memref<10000x128xf32, #tpu.memory_space<hbm>>
    tpu.enqueue_indirect_dma source(%dma_start3A_170 : memref<10000x128xf32, #tpu.memory_space<hbm>>) target(%arg9 : memref<80x128xf32, #tpu.memory_space<vmem>>) offsets(%dma_start3A_167 : memref<80xi32, #tpu.memory_space<vmem>>) semaphore(%arg17 : memref<!tpu.dma_semaphore, #tpu.memory_space<semaphore_mem>>)
    %mul3A_171 = arith.constant 5 : i32
    %mul3A_172 = arith.muli %add3A_140, %mul3A_171 : i32
    %add3A_173 = arith.constant 3 : i32
    %add3A_174 = arith.addi %mul3A_172, %add3A_173 : i32
    %mul3A_175 = arith.constant 80 : i32
    %mul3A_176 = arith.muli %add3A_174, %mul3A_175 : i32
    %dma_start3A_177 = tpu.memref_slice %arg6[%mul3A_176] : memref<2000xi32, #tpu.memory_space<vmem>> -> memref<80xi32, #tpu.memory_space<vmem>>
    %dma_start3A_178 = arith.constant 0 : i32
    %dma_start3A_179 = arith.constant 0 : i32
    %dma_start3A_180 = tpu.memref_slice %arg2[%dma_start3A_178, %dma_start3A_179] : memref<10000x128xf32, #tpu.memory_space<hbm>> -> memref<10000x128xf32, #tpu.memory_space<hbm>>
    tpu.enqueue_indirect_dma source(%dma_start3A_180 : memref<10000x128xf32, #tpu.memory_space<hbm>>) target(%arg10 : memref<80x128xf32, #tpu.memory_space<vmem>>) offsets(%dma_start3A_177 : memref<80xi32, #tpu.memory_space<vmem>>) semaphore(%arg17 : memref<!tpu.dma_semaphore, #tpu.memory_space<semaphore_mem>>)
    %mul3A_181 = arith.constant 5 : i32
    %mul3A_182 = arith.muli %add3A_140, %mul3A_181 : i32
    %add3A_183 = arith.constant 4 : i32
    %add3A_184 = arith.addi %mul3A_182, %add3A_183 : i32
    %mul3A_185 = arith.constant 80 : i32
    %mul3A_186 = arith.muli %add3A_184, %mul3A_185 : i32
    %dma_start3A_187 = tpu.memref_slice %arg6[%mul3A_186] : memref<2000xi32, #tpu.memory_space<vmem>> -> memref<80xi32, #tpu.memory_space<vmem>>
    %dma_start3A_188 = arith.constant 0 : i32
    %dma_start3A_189 = arith.constant 0 : i32
    %dma_start3A_190 = tpu.memref_slice %arg2[%dma_start3A_188, %dma_start3A_189] : memref<10000x128xf32, #tpu.memory_space<hbm>> -> memref<10000x128xf32, #tpu.memory_space<hbm>>
    tpu.enqueue_indirect_dma source(%dma_start3A_190 : memref<10000x128xf32, #tpu.memory_space<hbm>>) target(%arg11 : memref<80x128xf32, #tpu.memory_space<vmem>>) offsets(%dma_start3A_187 : memref<80xi32, #tpu.memory_space<vmem>>) semaphore(%arg17 : memref<!tpu.dma_semaphore, #tpu.memory_space<semaphore_mem>>)
    %dma_wait3A_191 = arith.constant 0 : i32
    %dma_wait3A_192 = arith.constant 0 : i32
    %dma_wait3A_193 = tpu.memref_slice %arg2[%dma_wait3A_191, %dma_wait3A_192] : memref<10000x128xf32, #tpu.memory_space<hbm>> -> memref<80x128xf32, #tpu.memory_space<hbm>>
    %dma_wait3A_194 = arith.constant 0 : i32
    %dma_wait3A_195 = arith.constant 0 : i32
    %dma_wait3A_196 = tpu.memref_slice %arg2[%dma_wait3A_194, %dma_wait3A_195] : memref<10000x128xf32, #tpu.memory_space<hbm>> -> memref<80x128xf32, #tpu.memory_space<hbm>>
    tpu.wait_dma2 semaphore(%arg18 : memref<!tpu.dma_semaphore, #tpu.memory_space<semaphore_mem>>) src(%dma_wait3A_196 : memref<80x128xf32, #tpu.memory_space<hbm>>) dst(%arg12 : memref<80x128xf32, #tpu.memory_space<vmem>>)
    %dma_wait3A_197 = arith.constant 0 : i32
    %dma_wait3A_198 = arith.constant 0 : i32
    %dma_wait3A_199 = tpu.memref_slice %arg2[%dma_wait3A_197, %dma_wait3A_198] : memref<10000x128xf32, #tpu.memory_space<hbm>> -> memref<80x128xf32, #tpu.memory_space<hbm>>
    %dma_wait3A_200 = arith.constant 0 : i32
    %dma_wait3A_201 = arith.constant 0 : i32
    %dma_wait3A_202 = tpu.memref_slice %arg2[%dma_wait3A_200, %dma_wait3A_201] : memref<10000x128xf32, #tpu.memory_space<hbm>> -> memref<80x128xf32, #tpu.memory_space<hbm>>
    tpu.wait_dma2 semaphore(%arg18 : memref<!tpu.dma_semaphore, #tpu.memory_space<semaphore_mem>>) src(%dma_wait3A_202 : memref<80x128xf32, #tpu.memory_space<hbm>>) dst(%arg13 : memref<80x128xf32, #tpu.memory_space<vmem>>)
    %dma_wait3A_203 = arith.constant 0 : i32
    %dma_wait3A_204 = arith.constant 0 : i32
    %dma_wait3A_205 = tpu.memref_slice %arg2[%dma_wait3A_203, %dma_wait3A_204] : memref<10000x128xf32, #tpu.memory_space<hbm>> -> memref<80x128xf32, #tpu.memory_space<hbm>>
    %dma_wait3A_206 = arith.constant 0 : i32
    %dma_wait3A_207 = arith.constant 0 : i32
    %dma_wait3A_208 = tpu.memref_slice %arg2[%dma_wait3A_206, %dma_wait3A_207] : memref<10000x128xf32, #tpu.memory_space<hbm>> -> memref<80x128xf32, #tpu.memory_space<hbm>>
    tpu.wait_dma2 semaphore(%arg18 : memref<!tpu.dma_semaphore, #tpu.memory_space<semaphore_mem>>) src(%dma_wait3A_208 : memref<80x128xf32, #tpu.memory_space<hbm>>) dst(%arg14 : memref<80x128xf32, #tpu.memory_space<vmem>>)
    %dma_wait3A_209 = arith.constant 0 : i32
    %dma_wait3A_210 = arith.constant 0 : i32
    %dma_wait3A_211 = tpu.memref_slice %arg2[%dma_wait3A_209, %dma_wait3A_210] : memref<10000x128xf32, #tpu.memory_space<hbm>> -> memref<80x128xf32, #tpu.memory_space<hbm>>
    %dma_wait3A_212 = arith.constant 0 : i32
    %dma_wait3A_213 = arith.constant 0 : i32
    %dma_wait3A_214 = tpu.memref_slice %arg2[%dma_wait3A_212, %dma_wait3A_213] : memref<10000x128xf32, #tpu.memory_space<hbm>> -> memref<80x128xf32, #tpu.memory_space<hbm>>
    tpu.wait_dma2 semaphore(%arg18 : memref<!tpu.dma_semaphore, #tpu.memory_space<semaphore_mem>>) src(%dma_wait3A_214 : memref<80x128xf32, #tpu.memory_space<hbm>>) dst(%arg15 : memref<80x128xf32, #tpu.memory_space<vmem>>)
    %dma_wait3A_215 = arith.constant 0 : i32
    %dma_wait3A_216 = arith.constant 0 : i32
    %dma_wait3A_217 = tpu.memref_slice %arg2[%dma_wait3A_215, %dma_wait3A_216] : memref<10000x128xf32, #tpu.memory_space<hbm>> -> memref<80x128xf32, #tpu.memory_space<hbm>>
    %dma_wait3A_218 = arith.constant 0 : i32
    %dma_wait3A_219 = arith.constant 0 : i32
    %dma_wait3A_220 = tpu.memref_slice %arg2[%dma_wait3A_218, %dma_wait3A_219] : memref<10000x128xf32, #tpu.memory_space<hbm>> -> memref<80x128xf32, #tpu.memory_space<hbm>>
    tpu.wait_dma2 semaphore(%arg18 : memref<!tpu.dma_semaphore, #tpu.memory_space<semaphore_mem>>) src(%dma_wait3A_220 : memref<80x128xf32, #tpu.memory_space<hbm>>) dst(%arg16 : memref<80x128xf32, #tpu.memory_space<vmem>>)
    %mul3A_221 = arith.constant 5 : i32
    %mul3A_222 = arith.muli %add3A_118, %mul3A_221 : i32
    %add3A_223 = arith.constant 0 : i32
    %add3A_224 = arith.addi %mul3A_222, %add3A_223 : i32
    %mul3A_225 = arith.constant 80 : i32
    %mul3A_226 = arith.muli %add3A_224, %mul3A_225 : i32
    %add3A_227 = arith.addi %mul3A_2, %mul3A_226 : i32
    %dma_start3A_228 = arith.constant 0 : i32
    %dma_start3A_229 = tpu.memref_slice %arg5[%add3A_227, %dma_start3A_228] : memref<64000x256xf32, #tpu.memory_space<hbm>> -> memref<80x128xf32, #tpu.memory_space<hbm>>
    %dma_start3A_230 = arith.constant 0 : i32
    %dma_start3A_231 = tpu.memref_slice %arg5[%add3A_227, %dma_start3A_230] : memref<64000x256xf32, #tpu.memory_space<hbm>> -> memref<80x128xf32, #tpu.memory_space<hbm>>
    tpu.enqueue_dma source(%arg12 : memref<80x128xf32, #tpu.memory_space<vmem>>) target(%dma_start3A_231 : memref<80x128xf32, #tpu.memory_space<hbm>>) target_semaphore(%arg20 : memref<!tpu.dma_semaphore, #tpu.memory_space<semaphore_mem>>)
    %mul3A_232 = arith.constant 5 : i32
    %mul3A_233 = arith.muli %add3A_118, %mul3A_232 : i32
    %add3A_234 = arith.constant 1 : i32
    %add3A_235 = arith.addi %mul3A_233, %add3A_234 : i32
    %mul3A_236 = arith.constant 80 : i32
    %mul3A_237 = arith.muli %add3A_235, %mul3A_236 : i32
    %add3A_238 = arith.addi %mul3A_2, %mul3A_237 : i32
    %dma_start3A_239 = arith.constant 0 : i32
    %dma_start3A_240 = tpu.memref_slice %arg5[%add3A_238, %dma_start3A_239] : memref<64000x256xf32, #tpu.memory_space<hbm>> -> memref<80x128xf32, #tpu.memory_space<hbm>>
    %dma_start3A_241 = arith.constant 0 : i32
    %dma_start3A_242 = tpu.memref_slice %arg5[%add3A_238, %dma_start3A_241] : memref<64000x256xf32, #tpu.memory_space<hbm>> -> memref<80x128xf32, #tpu.memory_space<hbm>>
    tpu.enqueue_dma source(%arg13 : memref<80x128xf32, #tpu.memory_space<vmem>>) target(%dma_start3A_242 : memref<80x128xf32, #tpu.memory_space<hbm>>) target_semaphore(%arg20 : memref<!tpu.dma_semaphore, #tpu.memory_space<semaphore_mem>>)
    %mul3A_243 = arith.constant 5 : i32
    %mul3A_244 = arith.muli %add3A_118, %mul3A_243 : i32
    %add3A_245 = arith.constant 2 : i32
    %add3A_246 = arith.addi %mul3A_244, %add3A_245 : i32
    %mul3A_247 = arith.constant 80 : i32
    %mul3A_248 = arith.muli %add3A_246, %mul3A_247 : i32
    %add3A_249 = arith.addi %mul3A_2, %mul3A_248 : i32
    %dma_start3A_250 = arith.constant 0 : i32
    %dma_start3A_251 = tpu.memref_slice %arg5[%add3A_249, %dma_start3A_250] : memref<64000x256xf32, #tpu.memory_space<hbm>> -> memref<80x128xf32, #tpu.memory_space<hbm>>
    %dma_start3A_252 = arith.constant 0 : i32
    %dma_start3A_253 = tpu.memref_slice %arg5[%add3A_249, %dma_start3A_252] : memref<64000x256xf32, #tpu.memory_space<hbm>> -> memref<80x128xf32, #tpu.memory_space<hbm>>
    tpu.enqueue_dma source(%arg14 : memref<80x128xf32, #tpu.memory_space<vmem>>) target(%dma_start3A_253 : memref<80x128xf32, #tpu.memory_space<hbm>>) target_semaphore(%arg20 : memref<!tpu.dma_semaphore, #tpu.memory_space<semaphore_mem>>)
    %mul3A_254 = arith.constant 5 : i32
    %mul3A_255 = arith.muli %add3A_118, %mul3A_254 : i32
    %add3A_256 = arith.constant 3 : i32
    %add3A_257 = arith.addi %mul3A_255, %add3A_256 : i32
    %mul3A_258 = arith.constant 80 : i32
    %mul3A_259 = arith.muli %add3A_257, %mul3A_258 : i32
    %add3A_260 = arith.addi %mul3A_2, %mul3A_259 : i32
    %dma_start3A_261 = arith.constant 0 : i32
    %dma_start3A_262 = tpu.memref_slice %arg5[%add3A_260, %dma_start3A_261] : memref<64000x256xf32, #tpu.memory_space<hbm>> -> memref<80x128xf32, #tpu.memory_space<hbm>>
    %dma_start3A_263 = arith.constant 0 : i32
    %dma_start3A_264 = tpu.memref_slice %arg5[%add3A_260, %dma_start3A_263] : memref<64000x256xf32, #tpu.memory_space<hbm>> -> memref<80x128xf32, #tpu.memory_space<hbm>>
    tpu.enqueue_dma source(%arg15 : memref<80x128xf32, #tpu.memory_space<vmem>>) target(%dma_start3A_264 : memref<80x128xf32, #tpu.memory_space<hbm>>) target_semaphore(%arg20 : memref<!tpu.dma_semaphore, #tpu.memory_space<semaphore_mem>>)
    %mul3A_265 = arith.constant 5 : i32
    %mul3A_266 = arith.muli %add3A_118, %mul3A_265 : i32
    %add3A_267 = arith.constant 4 : i32
    %add3A_268 = arith.addi %mul3A_266, %add3A_267 : i32
    %mul3A_269 = arith.constant 80 : i32
    %mul3A_270 = arith.muli %add3A_268, %mul3A_269 : i32
    %add3A_271 = arith.addi %mul3A_2, %mul3A_270 : i32
    %dma_start3A_272 = arith.constant 0 : i32
    %dma_start3A_273 = tpu.memref_slice %arg5[%add3A_271, %dma_start3A_272] : memref<64000x256xf32, #tpu.memory_space<hbm>> -> memref<80x128xf32, #tpu.memory_space<hbm>>
    %dma_start3A_274 = arith.constant 0 : i32
    %dma_start3A_275 = tpu.memref_slice %arg5[%add3A_271, %dma_start3A_274] : memref<64000x256xf32, #tpu.memory_space<hbm>> -> memref<80x128xf32, #tpu.memory_space<hbm>>
    tpu.enqueue_dma source(%arg16 : memref<80x128xf32, #tpu.memory_space<vmem>>) target(%dma_start3A_275 : memref<80x128xf32, #tpu.memory_space<hbm>>) target_semaphore(%arg20 : memref<!tpu.dma_semaphore, #tpu.memory_space<semaphore_mem>>)
    %mul3A_276 = arith.constant 2 : i32
    %mul3A_277 = arith.muli %mul3A_276, %add3A_114 : i32
    %add3A_278 = arith.constant 2 : i32
    %add3A_279 = arith.addi %mul3A_277, %add3A_278 : i32
    %dma_wait3A_280 = arith.constant 0 : i32
    %dma_wait3A_281 = tpu.memref_slice %arg5[%mul3A_2, %dma_wait3A_280] : memref<64000x256xf32, #tpu.memory_space<hbm>> -> memref<80x128xf32, #tpu.memory_space<hbm>>
    %dma_wait3A_282 = arith.constant 0 : i32
    %dma_wait3A_283 = tpu.memref_slice %arg5[%mul3A_2, %dma_wait3A_282] : memref<64000x256xf32, #tpu.memory_space<hbm>> -> memref<80x128xf32, #tpu.memory_space<hbm>>
    tpu.wait_dma2 semaphore(%arg20 : memref<!tpu.dma_semaphore, #tpu.memory_space<semaphore_mem>>) src(%arg12 : memref<80x128xf32, #tpu.memory_space<vmem>>) dst(%dma_wait3A_283 : memref<80x128xf32, #tpu.memory_space<hbm>>)
    %dma_wait3A_284 = arith.constant 0 : i32
    %dma_wait3A_285 = tpu.memref_slice %arg5[%mul3A_2, %dma_wait3A_284] : memref<64000x256xf32, #tpu.memory_space<hbm>> -> memref<80x128xf32, #tpu.memory_space<hbm>>
    %dma_wait3A_286 = arith.constant 0 : i32
    %dma_wait3A_287 = tpu.memref_slice %arg5[%mul3A_2, %dma_wait3A_286] : memref<64000x256xf32, #tpu.memory_space<hbm>> -> memref<80x128xf32, #tpu.memory_space<hbm>>
    tpu.wait_dma2 semaphore(%arg20 : memref<!tpu.dma_semaphore, #tpu.memory_space<semaphore_mem>>) src(%arg13 : memref<80x128xf32, #tpu.memory_space<vmem>>) dst(%dma_wait3A_287 : memref<80x128xf32, #tpu.memory_space<hbm>>)
    %dma_wait3A_288 = arith.constant 0 : i32
    %dma_wait3A_289 = tpu.memref_slice %arg5[%mul3A_2, %dma_wait3A_288] : memref<64000x256xf32, #tpu.memory_space<hbm>> -> memref<80x128xf32, #tpu.memory_space<hbm>>
    %dma_wait3A_290 = arith.constant 0 : i32
    %dma_wait3A_291 = tpu.memref_slice %arg5[%mul3A_2, %dma_wait3A_290] : memref<64000x256xf32, #tpu.memory_space<hbm>> -> memref<80x128xf32, #tpu.memory_space<hbm>>
    tpu.wait_dma2 semaphore(%arg20 : memref<!tpu.dma_semaphore, #tpu.memory_space<semaphore_mem>>) src(%arg14 : memref<80x128xf32, #tpu.memory_space<vmem>>) dst(%dma_wait3A_291 : memref<80x128xf32, #tpu.memory_space<hbm>>)
    %dma_wait3A_292 = arith.constant 0 : i32
    %dma_wait3A_293 = tpu.memref_slice %arg5[%mul3A_2, %dma_wait3A_292] : memref<64000x256xf32, #tpu.memory_space<hbm>> -> memref<80x128xf32, #tpu.memory_space<hbm>>
    %dma_wait3A_294 = arith.constant 0 : i32
    %dma_wait3A_295 = tpu.memref_slice %arg5[%mul3A_2, %dma_wait3A_294] : memref<64000x256xf32, #tpu.memory_space<hbm>> -> memref<80x128xf32, #tpu.memory_space<hbm>>
    tpu.wait_dma2 semaphore(%arg20 : memref<!tpu.dma_semaphore, #tpu.memory_space<semaphore_mem>>) src(%arg15 : memref<80x128xf32, #tpu.memory_space<vmem>>) dst(%dma_wait3A_295 : memref<80x128xf32, #tpu.memory_space<hbm>>)
    %dma_wait3A_296 = arith.constant 0 : i32
    %dma_wait3A_297 = tpu.memref_slice %arg5[%mul3A_2, %dma_wait3A_296] : memref<64000x256xf32, #tpu.memory_space<hbm>> -> memref<80x128xf32, #tpu.memory_space<hbm>>
    %dma_wait3A_298 = arith.constant 0 : i32
    %dma_wait3A_299 = tpu.memref_slice %arg5[%mul3A_2, %dma_wait3A_298] : memref<64000x256xf32, #tpu.memory_space<hbm>> -> memref<80x128xf32, #tpu.memory_space<hbm>>
    tpu.wait_dma2 semaphore(%arg20 : memref<!tpu.dma_semaphore, #tpu.memory_space<semaphore_mem>>) src(%arg16 : memref<80x128xf32, #tpu.memory_space<vmem>>) dst(%dma_wait3A_299 : memref<80x128xf32, #tpu.memory_space<hbm>>)
    %add3A_300 = arith.constant 1 : i32
    %add3A_301 = arith.addi %add3A_279, %add3A_300 : i32
    %mul3A_302 = arith.constant 5 : i32
    %mul3A_303 = arith.muli %add3A_301, %mul3A_302 : i32
    %add3A_304 = arith.constant 0 : i32
    %add3A_305 = arith.addi %mul3A_303, %add3A_304 : i32
    %mul3A_306 = arith.constant 80 : i32
    %mul3A_307 = arith.muli %add3A_305, %mul3A_306 : i32
    %dma_start3A_308 = tpu.memref_slice %arg6[%mul3A_307] : memref<2000xi32, #tpu.memory_space<vmem>> -> memref<80xi32, #tpu.memory_space<vmem>>
    %dma_start3A_309 = arith.constant 0 : i32
    %dma_start3A_310 = arith.constant 0 : i32
    %dma_start3A_311 = tpu.memref_slice %arg2[%dma_start3A_309, %dma_start3A_310] : memref<10000x128xf32, #tpu.memory_space<hbm>> -> memref<10000x128xf32, #tpu.memory_space<hbm>>
    tpu.enqueue_indirect_dma source(%dma_start3A_311 : memref<10000x128xf32, #tpu.memory_space<hbm>>) target(%arg12 : memref<80x128xf32, #tpu.memory_space<vmem>>) offsets(%dma_start3A_308 : memref<80xi32, #tpu.memory_space<vmem>>) semaphore(%arg18 : memref<!tpu.dma_semaphore, #tpu.memory_space<semaphore_mem>>)
    %mul3A_312 = arith.constant 5 : i32
    %mul3A_313 = arith.muli %add3A_301, %mul3A_312 : i32
    %add3A_314 = arith.constant 1 : i32
    %add3A_315 = arith.addi %mul3A_313, %add3A_314 : i32
    %mul3A_316 = arith.constant 80 : i32
    %mul3A_317 = arith.muli %add3A_315, %mul3A_316 : i32
    %dma_start3A_318 = tpu.memref_slice %arg6[%mul3A_317] : memref<2000xi32, #tpu.memory_space<vmem>> -> memref<80xi32, #tpu.memory_space<vmem>>
    %dma_start3A_319 = arith.constant 0 : i32
    %dma_start3A_320 = arith.constant 0 : i32
    %dma_start3A_321 = tpu.memref_slice %arg2[%dma_start3A_319, %dma_start3A_320] : memref<10000x128xf32, #tpu.memory_space<hbm>> -> memref<10000x128xf32, #tpu.memory_space<hbm>>
    tpu.enqueue_indirect_dma source(%dma_start3A_321 : memref<10000x128xf32, #tpu.memory_space<hbm>>) target(%arg13 : memref<80x128xf32, #tpu.memory_space<vmem>>) offsets(%dma_start3A_318 : memref<80xi32, #tpu.memory_space<vmem>>) semaphore(%arg18 : memref<!tpu.dma_semaphore, #tpu.memory_space<semaphore_mem>>)
    %mul3A_322 = arith.constant 5 : i32
    %mul3A_323 = arith.muli %add3A_301, %mul3A_322 : i32
    %add3A_324 = arith.constant 2 : i32
    %add3A_325 = arith.addi %mul3A_323, %add3A_324 : i32
    %mul3A_326 = arith.constant 80 : i32
    %mul3A_327 = arith.muli %add3A_325, %mul3A_326 : i32
    %dma_start3A_328 = tpu.memref_slice %arg6[%mul3A_327] : memref<2000xi32, #tpu.memory_space<vmem>> -> memref<80xi32, #tpu.memory_space<vmem>>
    %dma_start3A_329 = arith.constant 0 : i32
    %dma_start3A_330 = arith.constant 0 : i32
    %dma_start3A_331 = tpu.memref_slice %arg2[%dma_start3A_329, %dma_start3A_330] : memref<10000x128xf32, #tpu.memory_space<hbm>> -> memref<10000x128xf32, #tpu.memory_space<hbm>>
    tpu.enqueue_indirect_dma source(%dma_start3A_331 : memref<10000x128xf32, #tpu.memory_space<hbm>>) target(%arg14 : memref<80x128xf32, #tpu.memory_space<vmem>>) offsets(%dma_start3A_328 : memref<80xi32, #tpu.memory_space<vmem>>) semaphore(%arg18 : memref<!tpu.dma_semaphore, #tpu.memory_space<semaphore_mem>>)
    %mul3A_332 = arith.constant 5 : i32
    %mul3A_333 = arith.muli %add3A_301, %mul3A_332 : i32
    %add3A_334 = arith.constant 3 : i32
    %add3A_335 = arith.addi %mul3A_333, %add3A_334 : i32
    %mul3A_336 = arith.constant 80 : i32
    %mul3A_337 = arith.muli %add3A_335, %mul3A_336 : i32
    %dma_start3A_338 = tpu.memref_slice %arg6[%mul3A_337] : memref<2000xi32, #tpu.memory_space<vmem>> -> memref<80xi32, #tpu.memory_space<vmem>>
    %dma_start3A_339 = arith.constant 0 : i32
    %dma_start3A_340 = arith.constant 0 : i32
    %dma_start3A_341 = tpu.memref_slice %arg2[%dma_start3A_339, %dma_start3A_340] : memref<10000x128xf32, #tpu.memory_space<hbm>> -> memref<10000x128xf32, #tpu.memory_space<hbm>>
    tpu.enqueue_indirect_dma source(%dma_start3A_341 : memref<10000x128xf32, #tpu.memory_space<hbm>>) target(%arg15 : memref<80x128xf32, #tpu.memory_space<vmem>>) offsets(%dma_start3A_338 : memref<80xi32, #tpu.memory_space<vmem>>) semaphore(%arg18 : memref<!tpu.dma_semaphore, #tpu.memory_space<semaphore_mem>>)
    %mul3A_342 = arith.constant 5 : i32
    %mul3A_343 = arith.muli %add3A_301, %mul3A_342 : i32
    %add3A_344 = arith.constant 4 : i32
    %add3A_345 = arith.addi %mul3A_343, %add3A_344 : i32
    %mul3A_346 = arith.constant 80 : i32
    %mul3A_347 = arith.muli %add3A_345, %mul3A_346 : i32
    %dma_start3A_348 = tpu.memref_slice %arg6[%mul3A_347] : memref<2000xi32, #tpu.memory_space<vmem>> -> memref<80xi32, #tpu.memory_space<vmem>>
    %dma_start3A_349 = arith.constant 0 : i32
    %dma_start3A_350 = arith.constant 0 : i32
    %dma_start3A_351 = tpu.memref_slice %arg2[%dma_start3A_349, %dma_start3A_350] : memref<10000x128xf32, #tpu.memory_space<hbm>> -> memref<10000x128xf32, #tpu.memory_space<hbm>>
    tpu.enqueue_indirect_dma source(%dma_start3A_351 : memref<10000x128xf32, #tpu.memory_space<hbm>>) target(%arg16 : memref<80x128xf32, #tpu.memory_space<vmem>>) offsets(%dma_start3A_348 : memref<80xi32, #tpu.memory_space<vmem>>) semaphore(%arg18 : memref<!tpu.dma_semaphore, #tpu.memory_space<semaphore_mem>>)
    %dma_wait3A_352 = arith.constant 0 : i32
    %dma_wait3A_353 = arith.constant 0 : i32
    %dma_wait3A_354 = tpu.memref_slice %arg2[%dma_wait3A_352, %dma_wait3A_353] : memref<10000x128xf32, #tpu.memory_space<hbm>> -> memref<80x128xf32, #tpu.memory_space<hbm>>
    %dma_wait3A_355 = arith.constant 0 : i32
    %dma_wait3A_356 = arith.constant 0 : i32
    %dma_wait3A_357 = tpu.memref_slice %arg2[%dma_wait3A_355, %dma_wait3A_356] : memref<10000x128xf32, #tpu.memory_space<hbm>> -> memref<80x128xf32, #tpu.memory_space<hbm>>
    tpu.wait_dma2 semaphore(%arg17 : memref<!tpu.dma_semaphore, #tpu.memory_space<semaphore_mem>>) src(%dma_wait3A_357 : memref<80x128xf32, #tpu.memory_space<hbm>>) dst(%arg7 : memref<80x128xf32, #tpu.memory_space<vmem>>)
    %dma_wait3A_358 = arith.constant 0 : i32
    %dma_wait3A_359 = arith.constant 0 : i32
    %dma_wait3A_360 = tpu.memref_slice %arg2[%dma_wait3A_358, %dma_wait3A_359] : memref<10000x128xf32, #tpu.memory_space<hbm>> -> memref<80x128xf32, #tpu.memory_space<hbm>>
    %dma_wait3A_361 = arith.constant 0 : i32
    %dma_wait3A_362 = arith.constant 0 : i32
    %dma_wait3A_363 = tpu.memref_slice %arg2[%dma_wait3A_361, %dma_wait3A_362] : memref<10000x128xf32, #tpu.memory_space<hbm>> -> memref<80x128xf32, #tpu.memory_space<hbm>>
    tpu.wait_dma2 semaphore(%arg17 : memref<!tpu.dma_semaphore, #tpu.memory_space<semaphore_mem>>) src(%dma_wait3A_363 : memref<80x128xf32, #tpu.memory_space<hbm>>) dst(%arg8 : memref<80x128xf32, #tpu.memory_space<vmem>>)
    %dma_wait3A_364 = arith.constant 0 : i32
    %dma_wait3A_365 = arith.constant 0 : i32
    %dma_wait3A_366 = tpu.memref_slice %arg2[%dma_wait3A_364, %dma_wait3A_365] : memref<10000x128xf32, #tpu.memory_space<hbm>> -> memref<80x128xf32, #tpu.memory_space<hbm>>
    %dma_wait3A_367 = arith.constant 0 : i32
    %dma_wait3A_368 = arith.constant 0 : i32
    %dma_wait3A_369 = tpu.memref_slice %arg2[%dma_wait3A_367, %dma_wait3A_368] : memref<10000x128xf32, #tpu.memory_space<hbm>> -> memref<80x128xf32, #tpu.memory_space<hbm>>
    tpu.wait_dma2 semaphore(%arg17 : memref<!tpu.dma_semaphore, #tpu.memory_space<semaphore_mem>>) src(%dma_wait3A_369 : memref<80x128xf32, #tpu.memory_space<hbm>>) dst(%arg9 : memref<80x128xf32, #tpu.memory_space<vmem>>)
    %dma_wait3A_370 = arith.constant 0 : i32
    %dma_wait3A_371 = arith.constant 0 : i32
    %dma_wait3A_372 = tpu.memref_slice %arg2[%dma_wait3A_370, %dma_wait3A_371] : memref<10000x128xf32, #tpu.memory_space<hbm>> -> memref<80x128xf32, #tpu.memory_space<hbm>>
    %dma_wait3A_373 = arith.constant 0 : i32
    %dma_wait3A_374 = arith.constant 0 : i32
    %dma_wait3A_375 = tpu.memref_slice %arg2[%dma_wait3A_373, %dma_wait3A_374] : memref<10000x128xf32, #tpu.memory_space<hbm>> -> memref<80x128xf32, #tpu.memory_space<hbm>>
    tpu.wait_dma2 semaphore(%arg17 : memref<!tpu.dma_semaphore, #tpu.memory_space<semaphore_mem>>) src(%dma_wait3A_375 : memref<80x128xf32, #tpu.memory_space<hbm>>) dst(%arg10 : memref<80x128xf32, #tpu.memory_space<vmem>>)
    %dma_wait3A_376 = arith.constant 0 : i32
    %dma_wait3A_377 = arith.constant 0 : i32
    %dma_wait3A_378 = tpu.memref_slice %arg2[%dma_wait3A_376, %dma_wait3A_377] : memref<10000x128xf32, #tpu.memory_space<hbm>> -> memref<80x128xf32, #tpu.memory_space<hbm>>
    %dma_wait3A_379 = arith.constant 0 : i32
    %dma_wait3A_380 = arith.constant 0 : i32
    %dma_wait3A_381 = tpu.memref_slice %arg2[%dma_wait3A_379, %dma_wait3A_380] : memref<10000x128xf32, #tpu.memory_space<hbm>> -> memref<80x128xf32, #tpu.memory_space<hbm>>
    tpu.wait_dma2 semaphore(%arg17 : memref<!tpu.dma_semaphore, #tpu.memory_space<semaphore_mem>>) src(%dma_wait3A_381 : memref<80x128xf32, #tpu.memory_space<hbm>>) dst(%arg11 : memref<80x128xf32, #tpu.memory_space<vmem>>)
    %mul3A_382 = arith.constant 5 : i32
    %mul3A_383 = arith.muli %add3A_279, %mul3A_382 : i32
    %add3A_384 = arith.constant 0 : i32
    %add3A_385 = arith.addi %mul3A_383, %add3A_384 : i32
    %mul3A_386 = arith.constant 80 : i32
    %mul3A_387 = arith.muli %add3A_385, %mul3A_386 : i32
    %add3A_388 = arith.addi %mul3A_2, %mul3A_387 : i32
    %dma_start3A_389 = arith.constant 0 : i32
    %dma_start3A_390 = tpu.memref_slice %arg5[%add3A_388, %dma_start3A_389] : memref<64000x256xf32, #tpu.memory_space<hbm>> -> memref<80x128xf32, #tpu.memory_space<hbm>>
    %dma_start3A_391 = arith.constant 0 : i32
    %dma_start3A_392 = tpu.memref_slice %arg5[%add3A_388, %dma_start3A_391] : memref<64000x256xf32, #tpu.memory_space<hbm>> -> memref<80x128xf32, #tpu.memory_space<hbm>>
    tpu.enqueue_dma source(%arg7 : memref<80x128xf32, #tpu.memory_space<vmem>>) target(%dma_start3A_392 : memref<80x128xf32, #tpu.memory_space<hbm>>) target_semaphore(%arg19 : memref<!tpu.dma_semaphore, #tpu.memory_space<semaphore_mem>>)
    %mul3A_393 = arith.constant 5 : i32
    %mul3A_394 = arith.muli %add3A_279, %mul3A_393 : i32
    %add3A_395 = arith.constant 1 : i32
    %add3A_396 = arith.addi %mul3A_394, %add3A_395 : i32
    %mul3A_397 = arith.constant 80 : i32
    %mul3A_398 = arith.muli %add3A_396, %mul3A_397 : i32
    %add3A_399 = arith.addi %mul3A_2, %mul3A_398 : i32
    %dma_start3A_400 = arith.constant 0 : i32
    %dma_start3A_401 = tpu.memref_slice %arg5[%add3A_399, %dma_start3A_400] : memref<64000x256xf32, #tpu.memory_space<hbm>> -> memref<80x128xf32, #tpu.memory_space<hbm>>
    %dma_start3A_402 = arith.constant 0 : i32
    %dma_start3A_403 = tpu.memref_slice %arg5[%add3A_399, %dma_start3A_402] : memref<64000x256xf32, #tpu.memory_space<hbm>> -> memref<80x128xf32, #tpu.memory_space<hbm>>
    tpu.enqueue_dma source(%arg8 : memref<80x128xf32, #tpu.memory_space<vmem>>) target(%dma_start3A_403 : memref<80x128xf32, #tpu.memory_space<hbm>>) target_semaphore(%arg19 : memref<!tpu.dma_semaphore, #tpu.memory_space<semaphore_mem>>)
    %mul3A_404 = arith.constant 5 : i32
    %mul3A_405 = arith.muli %add3A_279, %mul3A_404 : i32
    %add3A_406 = arith.constant 2 : i32
    %add3A_407 = arith.addi %mul3A_405, %add3A_406 : i32
    %mul3A_408 = arith.constant 80 : i32
    %mul3A_409 = arith.muli %add3A_407, %mul3A_408 : i32
    %add3A_410 = arith.addi %mul3A_2, %mul3A_409 : i32
    %dma_start3A_411 = arith.constant 0 : i32
    %dma_start3A_412 = tpu.memref_slice %arg5[%add3A_410, %dma_start3A_411] : memref<64000x256xf32, #tpu.memory_space<hbm>> -> memref<80x128xf32, #tpu.memory_space<hbm>>
    %dma_start3A_413 = arith.constant 0 : i32
    %dma_start3A_414 = tpu.memref_slice %arg5[%add3A_410, %dma_start3A_413] : memref<64000x256xf32, #tpu.memory_space<hbm>> -> memref<80x128xf32, #tpu.memory_space<hbm>>
    tpu.enqueue_dma source(%arg9 : memref<80x128xf32, #tpu.memory_space<vmem>>) target(%dma_start3A_414 : memref<80x128xf32, #tpu.memory_space<hbm>>) target_semaphore(%arg19 : memref<!tpu.dma_semaphore, #tpu.memory_space<semaphore_mem>>)
    %mul3A_415 = arith.constant 5 : i32
    %mul3A_416 = arith.muli %add3A_279, %mul3A_415 : i32
    %add3A_417 = arith.constant 3 : i32
    %add3A_418 = arith.addi %mul3A_416, %add3A_417 : i32
    %mul3A_419 = arith.constant 80 : i32
    %mul3A_420 = arith.muli %add3A_418, %mul3A_419 : i32
    %add3A_421 = arith.addi %mul3A_2, %mul3A_420 : i32
    %dma_start3A_422 = arith.constant 0 : i32
    %dma_start3A_423 = tpu.memref_slice %arg5[%add3A_421, %dma_start3A_422] : memref<64000x256xf32, #tpu.memory_space<hbm>> -> memref<80x128xf32, #tpu.memory_space<hbm>>
    %dma_start3A_424 = arith.constant 0 : i32
    %dma_start3A_425 = tpu.memref_slice %arg5[%add3A_421, %dma_start3A_424] : memref<64000x256xf32, #tpu.memory_space<hbm>> -> memref<80x128xf32, #tpu.memory_space<hbm>>
    tpu.enqueue_dma source(%arg10 : memref<80x128xf32, #tpu.memory_space<vmem>>) target(%dma_start3A_425 : memref<80x128xf32, #tpu.memory_space<hbm>>) target_semaphore(%arg19 : memref<!tpu.dma_semaphore, #tpu.memory_space<semaphore_mem>>)
    %mul3A_426 = arith.constant 5 : i32
    %mul3A_427 = arith.muli %add3A_279, %mul3A_426 : i32
    %add3A_428 = arith.constant 4 : i32
    %add3A_429 = arith.addi %mul3A_427, %add3A_428 : i32
    %mul3A_430 = arith.constant 80 : i32
    %mul3A_431 = arith.muli %add3A_429, %mul3A_430 : i32
    %add3A_432 = arith.addi %mul3A_2, %mul3A_431 : i32
    %dma_start3A_433 = arith.constant 0 : i32
    %dma_start3A_434 = tpu.memref_slice %arg5[%add3A_432, %dma_start3A_433] : memref<64000x256xf32, #tpu.memory_space<hbm>> -> memref<80x128xf32, #tpu.memory_space<hbm>>
    %dma_start3A_435 = arith.constant 0 : i32
    %dma_start3A_436 = tpu.memref_slice %arg5[%add3A_432, %dma_start3A_435] : memref<64000x256xf32, #tpu.memory_space<hbm>> -> memref<80x128xf32, #tpu.memory_space<hbm>>
    tpu.enqueue_dma source(%arg11 : memref<80x128xf32, #tpu.memory_space<vmem>>) target(%dma_start3A_436 : memref<80x128xf32, #tpu.memory_space<hbm>>) target_semaphore(%arg19 : memref<!tpu.dma_semaphore, #tpu.memory_space<semaphore_mem>>)
    %scan3A_437 = arith.constant 1 : i32
    %dma_wait3A_438 = arith.constant 0 : i32
    %dma_wait3A_439 = tpu.memref_slice %arg5[%mul3A_2, %dma_wait3A_438] : memref<64000x256xf32, #tpu.memory_space<hbm>> -> memref<80x128xf32, #tpu.memory_space<hbm>>
    %dma_wait3A_440 = arith.constant 0 : i32
    %dma_wait3A_441 = tpu.memref_slice %arg5[%mul3A_2, %dma_wait3A_440] : memref<64000x256xf32, #tpu.memory_space<hbm>> -> memref<80x128xf32, #tpu.memory_space<hbm>>
    tpu.wait_dma2 semaphore(%arg19 : memref<!tpu.dma_semaphore, #tpu.memory_space<semaphore_mem>>) src(%arg7 : memref<80x128xf32, #tpu.memory_space<vmem>>) dst(%dma_wait3A_441 : memref<80x128xf32, #tpu.memory_space<hbm>>)
    %dma_wait3A_442 = arith.constant 0 : i32
    %dma_wait3A_443 = tpu.memref_slice %arg5[%mul3A_2, %dma_wait3A_442] : memref<64000x256xf32, #tpu.memory_space<hbm>> -> memref<80x128xf32, #tpu.memory_space<hbm>>
    %dma_wait3A_444 = arith.constant 0 : i32
    %dma_wait3A_445 = tpu.memref_slice %arg5[%mul3A_2, %dma_wait3A_444] : memref<64000x256xf32, #tpu.memory_space<hbm>> -> memref<80x128xf32, #tpu.memory_space<hbm>>
    tpu.wait_dma2 semaphore(%arg19 : memref<!tpu.dma_semaphore, #tpu.memory_space<semaphore_mem>>) src(%arg8 : memref<80x128xf32, #tpu.memory_space<vmem>>) dst(%dma_wait3A_445 : memref<80x128xf32, #tpu.memory_space<hbm>>)
    %dma_wait3A_446 = arith.constant 0 : i32
    %dma_wait3A_447 = tpu.memref_slice %arg5[%mul3A_2, %dma_wait3A_446] : memref<64000x256xf32, #tpu.memory_space<hbm>> -> memref<80x128xf32, #tpu.memory_space<hbm>>
    %dma_wait3A_448 = arith.constant 0 : i32
    %dma_wait3A_449 = tpu.memref_slice %arg5[%mul3A_2, %dma_wait3A_448] : memref<64000x256xf32, #tpu.memory_space<hbm>> -> memref<80x128xf32, #tpu.memory_space<hbm>>
    tpu.wait_dma2 semaphore(%arg19 : memref<!tpu.dma_semaphore, #tpu.memory_space<semaphore_mem>>) src(%arg9 : memref<80x128xf32, #tpu.memory_space<vmem>>) dst(%dma_wait3A_449 : memref<80x128xf32, #tpu.memory_space<hbm>>)
    %dma_wait3A_450 = arith.constant 0 : i32
    %dma_wait3A_451 = tpu.memref_slice %arg5[%mul3A_2, %dma_wait3A_450] : memref<64000x256xf32, #tpu.memory_space<hbm>> -> memref<80x128xf32, #tpu.memory_space<hbm>>
    %dma_wait3A_452 = arith.constant 0 : i32
    %dma_wait3A_453 = tpu.memref_slice %arg5[%mul3A_2, %dma_wait3A_452] : memref<64000x256xf32, #tpu.memory_space<hbm>> -> memref<80x128xf32, #tpu.memory_space<hbm>>
    tpu.wait_dma2 semaphore(%arg19 : memref<!tpu.dma_semaphore, #tpu.memory_space<semaphore_mem>>) src(%arg10 : memref<80x128xf32, #tpu.memory_space<vmem>>) dst(%dma_wait3A_453 : memref<80x128xf32, #tpu.memory_space<hbm>>)
    %dma_wait3A_454 = arith.constant 0 : i32
    %dma_wait3A_455 = tpu.memref_slice %arg5[%mul3A_2, %dma_wait3A_454] : memref<64000x256xf32, #tpu.memory_space<hbm>> -> memref<80x128xf32, #tpu.memory_space<hbm>>
    %dma_wait3A_456 = arith.constant 0 : i32
    %dma_wait3A_457 = tpu.memref_slice %arg5[%mul3A_2, %dma_wait3A_456] : memref<64000x256xf32, #tpu.memory_space<hbm>> -> memref<80x128xf32, #tpu.memory_space<hbm>>
    tpu.wait_dma2 semaphore(%arg19 : memref<!tpu.dma_semaphore, #tpu.memory_space<semaphore_mem>>) src(%arg11 : memref<80x128xf32, #tpu.memory_space<vmem>>) dst(%dma_wait3A_457 : memref<80x128xf32, #tpu.memory_space<hbm>>)
    %dma_start3A_458 = arith.constant 1600 : i32
    %dma_start3A_459 = tpu.memref_slice %arg6[%dma_start3A_458] : memref<2000xi32, #tpu.memory_space<vmem>> -> memref<80xi32, #tpu.memory_space<vmem>>
    %dma_start3A_460 = arith.constant 0 : i32
    %dma_start3A_461 = arith.constant 0 : i32
    %dma_start3A_462 = tpu.memref_slice %arg2[%dma_start3A_460, %dma_start3A_461] : memref<10000x128xf32, #tpu.memory_space<hbm>> -> memref<10000x128xf32, #tpu.memory_space<hbm>>
    tpu.enqueue_indirect_dma source(%dma_start3A_462 : memref<10000x128xf32, #tpu.memory_space<hbm>>) target(%arg7 : memref<80x128xf32, #tpu.memory_space<vmem>>) offsets(%dma_start3A_459 : memref<80xi32, #tpu.memory_space<vmem>>) semaphore(%arg17 : memref<!tpu.dma_semaphore, #tpu.memory_space<semaphore_mem>>)
    %dma_start3A_463 = arith.constant 1680 : i32
    %dma_start3A_464 = tpu.memref_slice %arg6[%dma_start3A_463] : memref<2000xi32, #tpu.memory_space<vmem>> -> memref<80xi32, #tpu.memory_space<vmem>>
    %dma_start3A_465 = arith.constant 0 : i32
    %dma_start3A_466 = arith.constant 0 : i32
    %dma_start3A_467 = tpu.memref_slice %arg2[%dma_start3A_465, %dma_start3A_466] : memref<10000x128xf32, #tpu.memory_space<hbm>> -> memref<10000x128xf32, #tpu.memory_space<hbm>>
    tpu.enqueue_indirect_dma source(%dma_start3A_467 : memref<10000x128xf32, #tpu.memory_space<hbm>>) target(%arg8 : memref<80x128xf32, #tpu.memory_space<vmem>>) offsets(%dma_start3A_464 : memref<80xi32, #tpu.memory_space<vmem>>) semaphore(%arg17 : memref<!tpu.dma_semaphore, #tpu.memory_space<semaphore_mem>>)
    %dma_start3A_468 = arith.constant 1760 : i32
    %dma_start3A_469 = tpu.memref_slice %arg6[%dma_start3A_468] : memref<2000xi32, #tpu.memory_space<vmem>> -> memref<80xi32, #tpu.memory_space<vmem>>
    %dma_start3A_470 = arith.constant 0 : i32
    %dma_start3A_471 = arith.constant 0 : i32
    %dma_start3A_472 = tpu.memref_slice %arg2[%dma_start3A_470, %dma_start3A_471] : memref<10000x128xf32, #tpu.memory_space<hbm>> -> memref<10000x128xf32, #tpu.memory_space<hbm>>
    tpu.enqueue_indirect_dma source(%dma_start3A_472 : memref<10000x128xf32, #tpu.memory_space<hbm>>) target(%arg9 : memref<80x128xf32, #tpu.memory_space<vmem>>) offsets(%dma_start3A_469 : memref<80xi32, #tpu.memory_space<vmem>>) semaphore(%arg17 : memref<!tpu.dma_semaphore, #tpu.memory_space<semaphore_mem>>)
    %dma_start3A_473 = arith.constant 1840 : i32
    %dma_start3A_474 = tpu.memref_slice %arg6[%dma_start3A_473] : memref<2000xi32, #tpu.memory_space<vmem>> -> memref<80xi32, #tpu.memory_space<vmem>>
    %dma_start3A_475 = arith.constant 0 : i32
    %dma_start3A_476 = arith.constant 0 : i32
    %dma_start3A_477 = tpu.memref_slice %arg2[%dma_start3A_475, %dma_start3A_476] : memref<10000x128xf32, #tpu.memory_space<hbm>> -> memref<10000x128xf32, #tpu.memory_space<hbm>>
    tpu.enqueue_indirect_dma source(%dma_start3A_477 : memref<10000x128xf32, #tpu.memory_space<hbm>>) target(%arg10 : memref<80x128xf32, #tpu.memory_space<vmem>>) offsets(%dma_start3A_474 : memref<80xi32, #tpu.memory_space<vmem>>) semaphore(%arg17 : memref<!tpu.dma_semaphore, #tpu.memory_space<semaphore_mem>>)
    %dma_start3A_478 = arith.constant 1920 : i32
    %dma_start3A_479 = tpu.memref_slice %arg6[%dma_start3A_478] : memref<2000xi32, #tpu.memory_space<vmem>> -> memref<80xi32, #tpu.memory_space<vmem>>
    %dma_start3A_480 = arith.constant 0 : i32
    %dma_start3A_481 = arith.constant 0 : i32
    %dma_start3A_482 = tpu.memref_slice %arg2[%dma_start3A_480, %dma_start3A_481] : memref<10000x128xf32, #tpu.memory_space<hbm>> -> memref<10000x128xf32, #tpu.memory_space<hbm>>
    tpu.enqueue_indirect_dma source(%dma_start3A_482 : memref<10000x128xf32, #tpu.memory_space<hbm>>) target(%arg11 : memref<80x128xf32, #tpu.memory_space<vmem>>) offsets(%dma_start3A_479 : memref<80xi32, #tpu.memory_space<vmem>>) semaphore(%arg17 : memref<!tpu.dma_semaphore, #tpu.memory_space<semaphore_mem>>)
    %dma_wait3A_483 = arith.constant 0 : i32
    %dma_wait3A_484 = arith.constant 0 : i32
    %dma_wait3A_485 = tpu.memref_slice %arg2[%dma_wait3A_483, %dma_wait3A_484] : memref<10000x128xf32, #tpu.memory_space<hbm>> -> memref<80x128xf32, #tpu.memory_space<hbm>>
    %dma_wait3A_486 = arith.constant 0 : i32
    %dma_wait3A_487 = arith.constant 0 : i32
    %dma_wait3A_488 = tpu.memref_slice %arg2[%dma_wait3A_486, %dma_wait3A_487] : memref<10000x128xf32, #tpu.memory_space<hbm>> -> memref<80x128xf32, #tpu.memory_space<hbm>>
    tpu.wait_dma2 semaphore(%arg18 : memref<!tpu.dma_semaphore, #tpu.memory_space<semaphore_mem>>) src(%dma_wait3A_488 : memref<80x128xf32, #tpu.memory_space<hbm>>) dst(%arg12 : memref<80x128xf32, #tpu.memory_space<vmem>>)
    %dma_wait3A_489 = arith.constant 0 : i32
    %dma_wait3A_490 = arith.constant 0 : i32
    %dma_wait3A_491 = tpu.memref_slice %arg2[%dma_wait3A_489, %dma_wait3A_490] : memref<10000x128xf32, #tpu.memory_space<hbm>> -> memref<80x128xf32, #tpu.memory_space<hbm>>
    %dma_wait3A_492 = arith.constant 0 : i32
    %dma_wait3A_493 = arith.constant 0 : i32
    %dma_wait3A_494 = tpu.memref_slice %arg2[%dma_wait3A_492, %dma_wait3A_493] : memref<10000x128xf32, #tpu.memory_space<hbm>> -> memref<80x128xf32, #tpu.memory_space<hbm>>
    tpu.wait_dma2 semaphore(%arg18 : memref<!tpu.dma_semaphore, #tpu.memory_space<semaphore_mem>>) src(%dma_wait3A_494 : memref<80x128xf32, #tpu.memory_space<hbm>>) dst(%arg13 : memref<80x128xf32, #tpu.memory_space<vmem>>)
    %dma_wait3A_495 = arith.constant 0 : i32
    %dma_wait3A_496 = arith.constant 0 : i32
    %dma_wait3A_497 = tpu.memref_slice %arg2[%dma_wait3A_495, %dma_wait3A_496] : memref<10000x128xf32, #tpu.memory_space<hbm>> -> memref<80x128xf32, #tpu.memory_space<hbm>>
    %dma_wait3A_498 = arith.constant 0 : i32
    %dma_wait3A_499 = arith.constant 0 : i32
    %dma_wait3A_500 = tpu.memref_slice %arg2[%dma_wait3A_498, %dma_wait3A_499] : memref<10000x128xf32, #tpu.memory_space<hbm>> -> memref<80x128xf32, #tpu.memory_space<hbm>>
    tpu.wait_dma2 semaphore(%arg18 : memref<!tpu.dma_semaphore, #tpu.memory_space<semaphore_mem>>) src(%dma_wait3A_500 : memref<80x128xf32, #tpu.memory_space<hbm>>) dst(%arg14 : memref<80x128xf32, #tpu.memory_space<vmem>>)
    %dma_wait3A_501 = arith.constant 0 : i32
    %dma_wait3A_502 = arith.constant 0 : i32
    %dma_wait3A_503 = tpu.memref_slice %arg2[%dma_wait3A_501, %dma_wait3A_502] : memref<10000x128xf32, #tpu.memory_space<hbm>> -> memref<80x128xf32, #tpu.memory_space<hbm>>
    %dma_wait3A_504 = arith.constant 0 : i32
    %dma_wait3A_505 = arith.constant 0 : i32
    %dma_wait3A_506 = tpu.memref_slice %arg2[%dma_wait3A_504, %dma_wait3A_505] : memref<10000x128xf32, #tpu.memory_space<hbm>> -> memref<80x128xf32, #tpu.memory_space<hbm>>
    tpu.wait_dma2 semaphore(%arg18 : memref<!tpu.dma_semaphore, #tpu.memory_space<semaphore_mem>>) src(%dma_wait3A_506 : memref<80x128xf32, #tpu.memory_space<hbm>>) dst(%arg15 : memref<80x128xf32, #tpu.memory_space<vmem>>)
    %dma_wait3A_507 = arith.constant 0 : i32
    %dma_wait3A_508 = arith.constant 0 : i32
    %dma_wait3A_509 = tpu.memref_slice %arg2[%dma_wait3A_507, %dma_wait3A_508] : memref<10000x128xf32, #tpu.memory_space<hbm>> -> memref<80x128xf32, #tpu.memory_space<hbm>>
    %dma_wait3A_510 = arith.constant 0 : i32
    %dma_wait3A_511 = arith.constant 0 : i32
    %dma_wait3A_512 = tpu.memref_slice %arg2[%dma_wait3A_510, %dma_wait3A_511] : memref<10000x128xf32, #tpu.memory_space<hbm>> -> memref<80x128xf32, #tpu.memory_space<hbm>>
    tpu.wait_dma2 semaphore(%arg18 : memref<!tpu.dma_semaphore, #tpu.memory_space<semaphore_mem>>) src(%dma_wait3A_512 : memref<80x128xf32, #tpu.memory_space<hbm>>) dst(%arg16 : memref<80x128xf32, #tpu.memory_space<vmem>>)
    %add3A_513 = arith.constant 1200 : i32
    %add3A_514 = arith.addi %mul3A_2, %add3A_513 : i32
    %dma_start3A_515 = arith.constant 0 : i32
    %dma_start3A_516 = tpu.memref_slice %arg5[%add3A_514, %dma_start3A_515] : memref<64000x256xf32, #tpu.memory_space<hbm>> -> memref<80x128xf32, #tpu.memory_space<hbm>>
    %dma_start3A_517 = arith.constant 0 : i32
    %dma_start3A_518 = tpu.memref_slice %arg5[%add3A_514, %dma_start3A_517] : memref<64000x256xf32, #tpu.memory_space<hbm>> -> memref<80x128xf32, #tpu.memory_space<hbm>>
    tpu.enqueue_dma source(%arg12 : memref<80x128xf32, #tpu.memory_space<vmem>>) target(%dma_start3A_518 : memref<80x128xf32, #tpu.memory_space<hbm>>) target_semaphore(%arg20 : memref<!tpu.dma_semaphore, #tpu.memory_space<semaphore_mem>>)
    %add3A_519 = arith.constant 1280 : i32
    %add3A_520 = arith.addi %mul3A_2, %add3A_519 : i32
    %dma_start3A_521 = arith.constant 0 : i32
    %dma_start3A_522 = tpu.memref_slice %arg5[%add3A_520, %dma_start3A_521] : memref<64000x256xf32, #tpu.memory_space<hbm>> -> memref<80x128xf32, #tpu.memory_space<hbm>>
    %dma_start3A_523 = arith.constant 0 : i32
    %dma_start3A_524 = tpu.memref_slice %arg5[%add3A_520, %dma_start3A_523] : memref<64000x256xf32, #tpu.memory_space<hbm>> -> memref<80x128xf32, #tpu.memory_space<hbm>>
    tpu.enqueue_dma source(%arg13 : memref<80x128xf32, #tpu.memory_space<vmem>>) target(%dma_start3A_524 : memref<80x128xf32, #tpu.memory_space<hbm>>) target_semaphore(%arg20 : memref<!tpu.dma_semaphore, #tpu.memory_space<semaphore_mem>>)
    %add3A_525 = arith.constant 1360 : i32
    %add3A_526 = arith.addi %mul3A_2, %add3A_525 : i32
    %dma_start3A_527 = arith.constant 0 : i32
    %dma_start3A_528 = tpu.memref_slice %arg5[%add3A_526, %dma_start3A_527] : memref<64000x256xf32, #tpu.memory_space<hbm>> -> memref<80x128xf32, #tpu.memory_space<hbm>>
    %dma_start3A_529 = arith.constant 0 : i32
    %dma_start3A_530 = tpu.memref_slice %arg5[%add3A_526, %dma_start3A_529] : memref<64000x256xf32, #tpu.memory_space<hbm>> -> memref<80x128xf32, #tpu.memory_space<hbm>>
    tpu.enqueue_dma source(%arg14 : memref<80x128xf32, #tpu.memory_space<vmem>>) target(%dma_start3A_530 : memref<80x128xf32, #tpu.memory_space<hbm>>) target_semaphore(%arg20 : memref<!tpu.dma_semaphore, #tpu.memory_space<semaphore_mem>>)
    %add3A_531 = arith.constant 1440 : i32
    %add3A_532 = arith.addi %mul3A_2, %add3A_531 : i32
    %dma_start3A_533 = arith.constant 0 : i32
    %dma_start3A_534 = tpu.memref_slice %arg5[%add3A_532, %dma_start3A_533] : memref<64000x256xf32, #tpu.memory_space<hbm>> -> memref<80x128xf32, #tpu.memory_space<hbm>>
    %dma_start3A_535 = arith.constant 0 : i32
    %dma_start3A_536 = tpu.memref_slice %arg5[%add3A_532, %dma_start3A_535] : memref<64000x256xf32, #tpu.memory_space<hbm>> -> memref<80x128xf32, #tpu.memory_space<hbm>>
    tpu.enqueue_dma source(%arg15 : memref<80x128xf32, #tpu.memory_space<vmem>>) target(%dma_start3A_536 : memref<80x128xf32, #tpu.memory_space<hbm>>) target_semaphore(%arg20 : memref<!tpu.dma_semaphore, #tpu.memory_space<semaphore_mem>>)
    %add3A_537 = arith.constant 1520 : i32
    %add3A_538 = arith.addi %mul3A_2, %add3A_537 : i32
    %dma_start3A_539 = arith.constant 0 : i32
    %dma_start3A_540 = tpu.memref_slice %arg5[%add3A_538, %dma_start3A_539] : memref<64000x256xf32, #tpu.memory_space<hbm>> -> memref<80x128xf32, #tpu.memory_space<hbm>>
    %dma_start3A_541 = arith.constant 0 : i32
    %dma_start3A_542 = tpu.memref_slice %arg5[%add3A_538, %dma_start3A_541] : memref<64000x256xf32, #tpu.memory_space<hbm>> -> memref<80x128xf32, #tpu.memory_space<hbm>>
    tpu.enqueue_dma source(%arg16 : memref<80x128xf32, #tpu.memory_space<vmem>>) target(%dma_start3A_542 : memref<80x128xf32, #tpu.memory_space<hbm>>) target_semaphore(%arg20 : memref<!tpu.dma_semaphore, #tpu.memory_space<semaphore_mem>>)
    %dma_wait3A_543 = arith.constant 0 : i32
    %dma_wait3A_544 = tpu.memref_slice %arg5[%mul3A_2, %dma_wait3A_543] : memref<64000x256xf32, #tpu.memory_space<hbm>> -> memref<80x128xf32, #tpu.memory_space<hbm>>
    %dma_wait3A_545 = arith.constant 0 : i32
    %dma_wait3A_546 = tpu.memref_slice %arg5[%mul3A_2, %dma_wait3A_545] : memref<64000x256xf32, #tpu.memory_space<hbm>> -> memref<80x128xf32, #tpu.memory_space<hbm>>
    tpu.wait_dma2 semaphore(%arg20 : memref<!tpu.dma_semaphore, #tpu.memory_space<semaphore_mem>>) src(%arg12 : memref<80x128xf32, #tpu.memory_space<vmem>>) dst(%dma_wait3A_546 : memref<80x128xf32, #tpu.memory_space<hbm>>)
    %dma_wait3A_547 = arith.constant 0 : i32
    %dma_wait3A_548 = tpu.memref_slice %arg5[%mul3A_2, %dma_wait3A_547] : memref<64000x256xf32, #tpu.memory_space<hbm>> -> memref<80x128xf32, #tpu.memory_space<hbm>>
    %dma_wait3A_549 = arith.constant 0 : i32
    %dma_wait3A_550 = tpu.memref_slice %arg5[%mul3A_2, %dma_wait3A_549] : memref<64000x256xf32, #tpu.memory_space<hbm>> -> memref<80x128xf32, #tpu.memory_space<hbm>>
    tpu.wait_dma2 semaphore(%arg20 : memref<!tpu.dma_semaphore, #tpu.memory_space<semaphore_mem>>) src(%arg13 : memref<80x128xf32, #tpu.memory_space<vmem>>) dst(%dma_wait3A_550 : memref<80x128xf32, #tpu.memory_space<hbm>>)
    %dma_wait3A_551 = arith.constant 0 : i32
    %dma_wait3A_552 = tpu.memref_slice %arg5[%mul3A_2, %dma_wait3A_551] : memref<64000x256xf32, #tpu.memory_space<hbm>> -> memref<80x128xf32, #tpu.memory_space<hbm>>
    %dma_wait3A_553 = arith.constant 0 : i32
    %dma_wait3A_554 = tpu.memref_slice %arg5[%mul3A_2, %dma_wait3A_553] : memref<64000x256xf32, #tpu.memory_space<hbm>> -> memref<80x128xf32, #tpu.memory_space<hbm>>
    tpu.wait_dma2 semaphore(%arg20 : memref<!tpu.dma_semaphore, #tpu.memory_space<semaphore_mem>>) src(%arg14 : memref<80x128xf32, #tpu.memory_space<vmem>>) dst(%dma_wait3A_554 : memref<80x128xf32, #tpu.memory_space<hbm>>)
    %dma_wait3A_555 = arith.constant 0 : i32
    %dma_wait3A_556 = tpu.memref_slice %arg5[%mul3A_2, %dma_wait3A_555] : memref<64000x256xf32, #tpu.memory_space<hbm>> -> memref<80x128xf32, #tpu.memory_space<hbm>>
    %dma_wait3A_557 = arith.constant 0 : i32
    %dma_wait3A_558 = tpu.memref_slice %arg5[%mul3A_2, %dma_wait3A_557] : memref<64000x256xf32, #tpu.memory_space<hbm>> -> memref<80x128xf32, #tpu.memory_space<hbm>>
    tpu.wait_dma2 semaphore(%arg20 : memref<!tpu.dma_semaphore, #tpu.memory_space<semaphore_mem>>) src(%arg15 : memref<80x128xf32, #tpu.memory_space<vmem>>) dst(%dma_wait3A_558 : memref<80x128xf32, #tpu.memory_space<hbm>>)
    %dma_wait3A_559 = arith.constant 0 : i32
    %dma_wait3A_560 = tpu.memref_slice %arg5[%mul3A_2, %dma_wait3A_559] : memref<64000x256xf32, #tpu.memory_space<hbm>> -> memref<80x128xf32, #tpu.memory_space<hbm>>
    %dma_wait3A_561 = arith.constant 0 : i32
    %dma_wait3A_562 = tpu.memref_slice %arg5[%mul3A_2, %dma_wait3A_561] : memref<64000x256xf32, #tpu.memory_space<hbm>> -> memref<80x128xf32, #tpu.memory_space<hbm>>
    tpu.wait_dma2 semaphore(%arg20 : memref<!tpu.dma_semaphore, #tpu.memory_space<semaphore_mem>>) src(%arg16 : memref<80x128xf32, #tpu.memory_space<vmem>>) dst(%dma_wait3A_562 : memref<80x128xf32, #tpu.memory_space<hbm>>)
    %dma_wait3A_563 = arith.constant 0 : i32
    %dma_wait3A_564 = arith.constant 0 : i32
    %dma_wait3A_565 = tpu.memref_slice %arg2[%dma_wait3A_563, %dma_wait3A_564] : memref<10000x128xf32, #tpu.memory_space<hbm>> -> memref<80x128xf32, #tpu.memory_space<hbm>>
    %dma_wait3A_566 = arith.constant 0 : i32
    %dma_wait3A_567 = arith.constant 0 : i32
    %dma_wait3A_568 = tpu.memref_slice %arg2[%dma_wait3A_566, %dma_wait3A_567] : memref<10000x128xf32, #tpu.memory_space<hbm>> -> memref<80x128xf32, #tpu.memory_space<hbm>>
    tpu.wait_dma2 semaphore(%arg17 : memref<!tpu.dma_semaphore, #tpu.memory_space<semaphore_mem>>) src(%dma_wait3A_568 : memref<80x128xf32, #tpu.memory_space<hbm>>) dst(%arg7 : memref<80x128xf32, #tpu.memory_space<vmem>>)
    %dma_wait3A_569 = arith.constant 0 : i32
    %dma_wait3A_570 = arith.constant 0 : i32
    %dma_wait3A_571 = tpu.memref_slice %arg2[%dma_wait3A_569, %dma_wait3A_570] : memref<10000x128xf32, #tpu.memory_space<hbm>> -> memref<80x128xf32, #tpu.memory_space<hbm>>
    %dma_wait3A_572 = arith.constant 0 : i32
    %dma_wait3A_573 = arith.constant 0 : i32
    %dma_wait3A_574 = tpu.memref_slice %arg2[%dma_wait3A_572, %dma_wait3A_573] : memref<10000x128xf32, #tpu.memory_space<hbm>> -> memref<80x128xf32, #tpu.memory_space<hbm>>
    tpu.wait_dma2 semaphore(%arg17 : memref<!tpu.dma_semaphore, #tpu.memory_space<semaphore_mem>>) src(%dma_wait3A_574 : memref<80x128xf32, #tpu.memory_space<hbm>>) dst(%arg8 : memref<80x128xf32, #tpu.memory_space<vmem>>)
    %dma_wait3A_575 = arith.constant 0 : i32
    %dma_wait3A_576 = arith.constant 0 : i32
    %dma_wait3A_577 = tpu.memref_slice %arg2[%dma_wait3A_575, %dma_wait3A_576] : memref<10000x128xf32, #tpu.memory_space<hbm>> -> memref<80x128xf32, #tpu.memory_space<hbm>>
    %dma_wait3A_578 = arith.constant 0 : i32
    %dma_wait3A_579 = arith.constant 0 : i32
    %dma_wait3A_580 = tpu.memref_slice %arg2[%dma_wait3A_578, %dma_wait3A_579] : memref<10000x128xf32, #tpu.memory_space<hbm>> -> memref<80x128xf32, #tpu.memory_space<hbm>>
    tpu.wait_dma2 semaphore(%arg17 : memref<!tpu.dma_semaphore, #tpu.memory_space<semaphore_mem>>) src(%dma_wait3A_580 : memref<80x128xf32, #tpu.memory_space<hbm>>) dst(%arg9 : memref<80x128xf32, #tpu.memory_space<vmem>>)
    %dma_wait3A_581 = arith.constant 0 : i32
    %dma_wait3A_582 = arith.constant 0 : i32
    %dma_wait3A_583 = tpu.memref_slice %arg2[%dma_wait3A_581, %dma_wait3A_582] : memref<10000x128xf32, #tpu.memory_space<hbm>> -> memref<80x128xf32, #tpu.memory_space<hbm>>
    %dma_wait3A_584 = arith.constant 0 : i32
    %dma_wait3A_585 = arith.constant 0 : i32
    %dma_wait3A_586 = tpu.memref_slice %arg2[%dma_wait3A_584, %dma_wait3A_585] : memref<10000x128xf32, #tpu.memory_space<hbm>> -> memref<80x128xf32, #tpu.memory_space<hbm>>
    tpu.wait_dma2 semaphore(%arg17 : memref<!tpu.dma_semaphore, #tpu.memory_space<semaphore_mem>>) src(%dma_wait3A_586 : memref<80x128xf32, #tpu.memory_space<hbm>>) dst(%arg10 : memref<80x128xf32, #tpu.memory_space<vmem>>)
    %dma_wait3A_587 = arith.constant 0 : i32
    %dma_wait3A_588 = arith.constant 0 : i32
    %dma_wait3A_589 = tpu.memref_slice %arg2[%dma_wait3A_587, %dma_wait3A_588] : memref<10000x128xf32, #tpu.memory_space<hbm>> -> memref<80x128xf32, #tpu.memory_space<hbm>>
    %dma_wait3A_590 = arith.constant 0 : i32
    %dma_wait3A_591 = arith.constant 0 : i32
    %dma_wait3A_592 = tpu.memref_slice %arg2[%dma_wait3A_590, %dma_wait3A_591] : memref<10000x128xf32, #tpu.memory_space<hbm>> -> memref<80x128xf32, #tpu.memory_space<hbm>>
    tpu.wait_dma2 semaphore(%arg17 : memref<!tpu.dma_semaphore, #tpu.memory_space<semaphore_mem>>) src(%dma_wait3A_592 : memref<80x128xf32, #tpu.memory_space<hbm>>) dst(%arg11 : memref<80x128xf32, #tpu.memory_space<vmem>>)
    %add3A_593 = arith.constant 1600 : i32
    %add3A_594 = arith.addi %mul3A_2, %add3A_593 : i32
    %dma_start3A_595 = arith.constant 0 : i32
    %dma_start3A_596 = tpu.memref_slice %arg5[%add3A_594, %dma_start3A_595] : memref<64000x256xf32, #tpu.memory_space<hbm>> -> memref<80x128xf32, #tpu.memory_space<hbm>>
    %dma_start3A_597 = arith.constant 0 : i32
    %dma_start3A_598 = tpu.memref_slice %arg5[%add3A_594, %dma_start3A_597] : memref<64000x256xf32, #tpu.memory_space<hbm>> -> memref<80x128xf32, #tpu.memory_space<hbm>>
    tpu.enqueue_dma source(%arg7 : memref<80x128xf32, #tpu.memory_space<vmem>>) target(%dma_start3A_598 : memref<80x128xf32, #tpu.memory_space<hbm>>) target_semaphore(%arg19 : memref<!tpu.dma_semaphore, #tpu.memory_space<semaphore_mem>>)
    %add3A_599 = arith.constant 1680 : i32
    %add3A_600 = arith.addi %mul3A_2, %add3A_599 : i32
    %dma_start3A_601 = arith.constant 0 : i32
    %dma_start3A_602 = tpu.memref_slice %arg5[%add3A_600, %dma_start3A_601] : memref<64000x256xf32, #tpu.memory_space<hbm>> -> memref<80x128xf32, #tpu.memory_space<hbm>>
    %dma_start3A_603 = arith.constant 0 : i32
    %dma_start3A_604 = tpu.memref_slice %arg5[%add3A_600, %dma_start3A_603] : memref<64000x256xf32, #tpu.memory_space<hbm>> -> memref<80x128xf32, #tpu.memory_space<hbm>>
    tpu.enqueue_dma source(%arg8 : memref<80x128xf32, #tpu.memory_space<vmem>>) target(%dma_start3A_604 : memref<80x128xf32, #tpu.memory_space<hbm>>) target_semaphore(%arg19 : memref<!tpu.dma_semaphore, #tpu.memory_space<semaphore_mem>>)
    %add3A_605 = arith.constant 1760 : i32
    %add3A_606 = arith.addi %mul3A_2, %add3A_605 : i32
    %dma_start3A_607 = arith.constant 0 : i32
    %dma_start3A_608 = tpu.memref_slice %arg5[%add3A_606, %dma_start3A_607] : memref<64000x256xf32, #tpu.memory_space<hbm>> -> memref<80x128xf32, #tpu.memory_space<hbm>>
    %dma_start3A_609 = arith.constant 0 : i32
    %dma_start3A_610 = tpu.memref_slice %arg5[%add3A_606, %dma_start3A_609] : memref<64000x256xf32, #tpu.memory_space<hbm>> -> memref<80x128xf32, #tpu.memory_space<hbm>>
    tpu.enqueue_dma source(%arg9 : memref<80x128xf32, #tpu.memory_space<vmem>>) target(%dma_start3A_610 : memref<80x128xf32, #tpu.memory_space<hbm>>) target_semaphore(%arg19 : memref<!tpu.dma_semaphore, #tpu.memory_space<semaphore_mem>>)
    %add3A_611 = arith.constant 1840 : i32
    %add3A_612 = arith.addi %mul3A_2, %add3A_611 : i32
    %dma_start3A_613 = arith.constant 0 : i32
    %dma_start3A_614 = tpu.memref_slice %arg5[%add3A_612, %dma_start3A_613] : memref<64000x256xf32, #tpu.memory_space<hbm>> -> memref<80x128xf32, #tpu.memory_space<hbm>>
    %dma_start3A_615 = arith.constant 0 : i32
    %dma_start3A_616 = tpu.memref_slice %arg5[%add3A_612, %dma_start3A_615] : memref<64000x256xf32, #tpu.memory_space<hbm>> -> memref<80x128xf32, #tpu.memory_space<hbm>>
    tpu.enqueue_dma source(%arg10 : memref<80x128xf32, #tpu.memory_space<vmem>>) target(%dma_start3A_616 : memref<80x128xf32, #tpu.memory_space<hbm>>) target_semaphore(%arg19 : memref<!tpu.dma_semaphore, #tpu.memory_space<semaphore_mem>>)
    %add3A_617 = arith.constant 1920 : i32
    %add3A_618 = arith.addi %mul3A_2, %add3A_617 : i32
    %dma_start3A_619 = arith.constant 0 : i32
    %dma_start3A_620 = tpu.memref_slice %arg5[%add3A_618, %dma_start3A_619] : memref<64000x256xf32, #tpu.memory_space<hbm>> -> memref<80x128xf32, #tpu.memory_space<hbm>>
    %dma_start3A_621 = arith.constant 0 : i32
    %dma_start3A_622 = tpu.memref_slice %arg5[%add3A_618, %dma_start3A_621] : memref<64000x256xf32, #tpu.memory_space<hbm>> -> memref<80x128xf32, #tpu.memory_space<hbm>>
    tpu.enqueue_dma source(%arg11 : memref<80x128xf32, #tpu.memory_space<vmem>>) target(%dma_start3A_622 : memref<80x128xf32, #tpu.memory_space<hbm>>) target_semaphore(%arg19 : memref<!tpu.dma_semaphore, #tpu.memory_space<semaphore_mem>>)
    %dma_wait3A_623 = arith.constant 0 : i32
    %dma_wait3A_624 = tpu.memref_slice %arg5[%mul3A_2, %dma_wait3A_623] : memref<64000x256xf32, #tpu.memory_space<hbm>> -> memref<80x128xf32, #tpu.memory_space<hbm>>
    %dma_wait3A_625 = arith.constant 0 : i32
    %dma_wait3A_626 = tpu.memref_slice %arg5[%mul3A_2, %dma_wait3A_625] : memref<64000x256xf32, #tpu.memory_space<hbm>> -> memref<80x128xf32, #tpu.memory_space<hbm>>
    tpu.wait_dma2 semaphore(%arg19 : memref<!tpu.dma_semaphore, #tpu.memory_space<semaphore_mem>>) src(%arg7 : memref<80x128xf32, #tpu.memory_space<vmem>>) dst(%dma_wait3A_626 : memref<80x128xf32, #tpu.memory_space<hbm>>)
    %dma_wait3A_627 = arith.constant 0 : i32
    %dma_wait3A_628 = tpu.memref_slice %arg5[%mul3A_2, %dma_wait3A_627] : memref<64000x256xf32, #tpu.memory_space<hbm>> -> memref<80x128xf32, #tpu.memory_space<hbm>>
    %dma_wait3A_629 = arith.constant 0 : i32
    %dma_wait3A_630 = tpu.memref_slice %arg5[%mul3A_2, %dma_wait3A_629] : memref<64000x256xf32, #tpu.memory_space<hbm>> -> memref<80x128xf32, #tpu.memory_space<hbm>>
    tpu.wait_dma2 semaphore(%arg19 : memref<!tpu.dma_semaphore, #tpu.memory_space<semaphore_mem>>) src(%arg8 : memref<80x128xf32, #tpu.memory_space<vmem>>) dst(%dma_wait3A_630 : memref<80x128xf32, #tpu.memory_space<hbm>>)
    %dma_wait3A_631 = arith.constant 0 : i32
    %dma_wait3A_632 = tpu.memref_slice %arg5[%mul3A_2, %dma_wait3A_631] : memref<64000x256xf32, #tpu.memory_space<hbm>> -> memref<80x128xf32, #tpu.memory_space<hbm>>
    %dma_wait3A_633 = arith.constant 0 : i32
    %dma_wait3A_634 = tpu.memref_slice %arg5[%mul3A_2, %dma_wait3A_633] : memref<64000x256xf32, #tpu.memory_space<hbm>> -> memref<80x128xf32, #tpu.memory_space<hbm>>
    tpu.wait_dma2 semaphore(%arg19 : memref<!tpu.dma_semaphore, #tpu.memory_space<semaphore_mem>>) src(%arg9 : memref<80x128xf32, #tpu.memory_space<vmem>>) dst(%dma_wait3A_634 : memref<80x128xf32, #tpu.memory_space<hbm>>)
    %dma_wait3A_635 = arith.constant 0 : i32
    %dma_wait3A_636 = tpu.memref_slice %arg5[%mul3A_2, %dma_wait3A_635] : memref<64000x256xf32, #tpu.memory_space<hbm>> -> memref<80x128xf32, #tpu.memory_space<hbm>>
    %dma_wait3A_637 = arith.constant 0 : i32
    %dma_wait3A_638 = tpu.memref_slice %arg5[%mul3A_2, %dma_wait3A_637] : memref<64000x256xf32, #tpu.memory_space<hbm>> -> memref<80x128xf32, #tpu.memory_space<hbm>>
    tpu.wait_dma2 semaphore(%arg19 : memref<!tpu.dma_semaphore, #tpu.memory_space<semaphore_mem>>) src(%arg10 : memref<80x128xf32, #tpu.memory_space<vmem>>) dst(%dma_wait3A_638 : memref<80x128xf32, #tpu.memory_space<hbm>>)
    %dma_wait3A_639 = arith.constant 0 : i32
    %dma_wait3A_640 = tpu.memref_slice %arg5[%mul3A_2, %dma_wait3A_639] : memref<64000x256xf32, #tpu.memory_space<hbm>> -> memref<80x128xf32, #tpu.memory_space<hbm>>
    %dma_wait3A_641 = arith.constant 0 : i32
    %dma_wait3A_642 = tpu.memref_slice %arg5[%mul3A_2, %dma_wait3A_641] : memref<64000x256xf32, #tpu.memory_space<hbm>> -> memref<80x128xf32, #tpu.memory_space<hbm>>
    tpu.wait_dma2 semaphore(%arg19 : memref<!tpu.dma_semaphore, #tpu.memory_space<semaphore_mem>>) src(%arg11 : memref<80x128xf32, #tpu.memory_space<vmem>>) dst(%dma_wait3A_642 : memref<80x128xf32, #tpu.memory_space<hbm>>)
    "tpu.region"() ({
      %run_scoped3A = tpu.sem_alloc : memref<!tpu.dma_semaphore, #tpu.memory_space<semaphore_mem>>
      %dma_start3A_1286 = tpu.memref_slice %arg4[%mul3A_2] : memref<64000xi32, #tpu.memory_space<hbm>> -> memref<2000xi32, #tpu.memory_space<hbm>>
      %dma_start3A_1287 = tpu.memref_slice %arg4[%mul3A_2] : memref<64000xi32, #tpu.memory_space<hbm>> -> memref<2000xi32, #tpu.memory_space<hbm>>
      tpu.enqueue_dma source(%dma_start3A_1287 : memref<2000xi32, #tpu.memory_space<hbm>>) target(%arg6 : memref<2000xi32, #tpu.memory_space<vmem>>) target_semaphore(%run_scoped3A : memref<!tpu.dma_semaphore, #tpu.memory_space<semaphore_mem>>)
      %dma_wait3A_1288 = tpu.memref_slice %arg4[%mul3A_2] : memref<64000xi32, #tpu.memory_space<hbm>> -> memref<2000xi32, #tpu.memory_space<hbm>>
      %dma_wait3A_1289 = tpu.memref_slice %arg4[%mul3A_2] : memref<64000xi32, #tpu.memory_space<hbm>> -> memref<2000xi32, #tpu.memory_space<hbm>>
      tpu.wait_dma2 semaphore(%run_scoped3A : memref<!tpu.dma_semaphore, #tpu.memory_space<semaphore_mem>>) src(%dma_wait3A_1289 : memref<2000xi32, #tpu.memory_space<hbm>>) dst(%arg6 : memref<2000xi32, #tpu.memory_space<vmem>>)
      tpu.yield
    }) : () -> ()
    %dma_start3A_643 = arith.constant 0 : i32
    %dma_start3A_644 = tpu.memref_slice %arg6[%dma_start3A_643] : memref<2000xi32, #tpu.memory_space<vmem>> -> memref<80xi32, #tpu.memory_space<vmem>>
    %dma_start3A_645 = arith.constant 0 : i32
    %dma_start3A_646 = arith.constant 0 : i32
    %dma_start3A_647 = tpu.memref_slice %arg2[%dma_start3A_645, %dma_start3A_646] : memref<10000x128xf32, #tpu.memory_space<hbm>> -> memref<10000x128xf32, #tpu.memory_space<hbm>>
    tpu.enqueue_indirect_dma source(%dma_start3A_647 : memref<10000x128xf32, #tpu.memory_space<hbm>>) target(%arg7 : memref<80x128xf32, #tpu.memory_space<vmem>>) offsets(%dma_start3A_644 : memref<80xi32, #tpu.memory_space<vmem>>) semaphore(%arg17 : memref<!tpu.dma_semaphore, #tpu.memory_space<semaphore_mem>>)
    %dma_start3A_648 = arith.constant 80 : i32
    %dma_start3A_649 = tpu.memref_slice %arg6[%dma_start3A_648] : memref<2000xi32, #tpu.memory_space<vmem>> -> memref<80xi32, #tpu.memory_space<vmem>>
    %dma_start3A_650 = arith.constant 0 : i32
    %dma_start3A_651 = arith.constant 0 : i32
    %dma_start3A_652 = tpu.memref_slice %arg2[%dma_start3A_650, %dma_start3A_651] : memref<10000x128xf32, #tpu.memory_space<hbm>> -> memref<10000x128xf32, #tpu.memory_space<hbm>>
    tpu.enqueue_indirect_dma source(%dma_start3A_652 : memref<10000x128xf32, #tpu.memory_space<hbm>>) target(%arg8 : memref<80x128xf32, #tpu.memory_space<vmem>>) offsets(%dma_start3A_649 : memref<80xi32, #tpu.memory_space<vmem>>) semaphore(%arg17 : memref<!tpu.dma_semaphore, #tpu.memory_space<semaphore_mem>>)
    %dma_start3A_653 = arith.constant 160 : i32
    %dma_start3A_654 = tpu.memref_slice %arg6[%dma_start3A_653] : memref<2000xi32, #tpu.memory_space<vmem>> -> memref<80xi32, #tpu.memory_space<vmem>>
    %dma_start3A_655 = arith.constant 0 : i32
    %dma_start3A_656 = arith.constant 0 : i32
    %dma_start3A_657 = tpu.memref_slice %arg2[%dma_start3A_655, %dma_start3A_656] : memref<10000x128xf32, #tpu.memory_space<hbm>> -> memref<10000x128xf32, #tpu.memory_space<hbm>>
    tpu.enqueue_indirect_dma source(%dma_start3A_657 : memref<10000x128xf32, #tpu.memory_space<hbm>>) target(%arg9 : memref<80x128xf32, #tpu.memory_space<vmem>>) offsets(%dma_start3A_654 : memref<80xi32, #tpu.memory_space<vmem>>) semaphore(%arg17 : memref<!tpu.dma_semaphore, #tpu.memory_space<semaphore_mem>>)
    %dma_start3A_658 = arith.constant 240 : i32
    %dma_start3A_659 = tpu.memref_slice %arg6[%dma_start3A_658] : memref<2000xi32, #tpu.memory_space<vmem>> -> memref<80xi32, #tpu.memory_space<vmem>>
    %dma_start3A_660 = arith.constant 0 : i32
    %dma_start3A_661 = arith.constant 0 : i32
    %dma_start3A_662 = tpu.memref_slice %arg2[%dma_start3A_660, %dma_start3A_661] : memref<10000x128xf32, #tpu.memory_space<hbm>> -> memref<10000x128xf32, #tpu.memory_space<hbm>>
    tpu.enqueue_indirect_dma source(%dma_start3A_662 : memref<10000x128xf32, #tpu.memory_space<hbm>>) target(%arg10 : memref<80x128xf32, #tpu.memory_space<vmem>>) offsets(%dma_start3A_659 : memref<80xi32, #tpu.memory_space<vmem>>) semaphore(%arg17 : memref<!tpu.dma_semaphore, #tpu.memory_space<semaphore_mem>>)
    %dma_start3A_663 = arith.constant 320 : i32
    %dma_start3A_664 = tpu.memref_slice %arg6[%dma_start3A_663] : memref<2000xi32, #tpu.memory_space<vmem>> -> memref<80xi32, #tpu.memory_space<vmem>>
    %dma_start3A_665 = arith.constant 0 : i32
    %dma_start3A_666 = arith.constant 0 : i32
    %dma_start3A_667 = tpu.memref_slice %arg2[%dma_start3A_665, %dma_start3A_666] : memref<10000x128xf32, #tpu.memory_space<hbm>> -> memref<10000x128xf32, #tpu.memory_space<hbm>>
    tpu.enqueue_indirect_dma source(%dma_start3A_667 : memref<10000x128xf32, #tpu.memory_space<hbm>>) target(%arg11 : memref<80x128xf32, #tpu.memory_space<vmem>>) offsets(%dma_start3A_664 : memref<80xi32, #tpu.memory_space<vmem>>) semaphore(%arg17 : memref<!tpu.dma_semaphore, #tpu.memory_space<semaphore_mem>>)
    %dma_start3A_668 = arith.constant 400 : i32
    %dma_start3A_669 = tpu.memref_slice %arg6[%dma_start3A_668] : memref<2000xi32, #tpu.memory_space<vmem>> -> memref<80xi32, #tpu.memory_space<vmem>>
    %dma_start3A_670 = arith.constant 0 : i32
    %dma_start3A_671 = arith.constant 0 : i32
    %dma_start3A_672 = tpu.memref_slice %arg2[%dma_start3A_670, %dma_start3A_671] : memref<10000x128xf32, #tpu.memory_space<hbm>> -> memref<10000x128xf32, #tpu.memory_space<hbm>>
    tpu.enqueue_indirect_dma source(%dma_start3A_672 : memref<10000x128xf32, #tpu.memory_space<hbm>>) target(%arg12 : memref<80x128xf32, #tpu.memory_space<vmem>>) offsets(%dma_start3A_669 : memref<80xi32, #tpu.memory_space<vmem>>) semaphore(%arg18 : memref<!tpu.dma_semaphore, #tpu.memory_space<semaphore_mem>>)
    %dma_start3A_673 = arith.constant 480 : i32
    %dma_start3A_674 = tpu.memref_slice %arg6[%dma_start3A_673] : memref<2000xi32, #tpu.memory_space<vmem>> -> memref<80xi32, #tpu.memory_space<vmem>>
    %dma_start3A_675 = arith.constant 0 : i32
    %dma_start3A_676 = arith.constant 0 : i32
    %dma_start3A_677 = tpu.memref_slice %arg2[%dma_start3A_675, %dma_start3A_676] : memref<10000x128xf32, #tpu.memory_space<hbm>> -> memref<10000x128xf32, #tpu.memory_space<hbm>>
    tpu.enqueue_indirect_dma source(%dma_start3A_677 : memref<10000x128xf32, #tpu.memory_space<hbm>>) target(%arg13 : memref<80x128xf32, #tpu.memory_space<vmem>>) offsets(%dma_start3A_674 : memref<80xi32, #tpu.memory_space<vmem>>) semaphore(%arg18 : memref<!tpu.dma_semaphore, #tpu.memory_space<semaphore_mem>>)
    %dma_start3A_678 = arith.constant 560 : i32
    %dma_start3A_679 = tpu.memref_slice %arg6[%dma_start3A_678] : memref<2000xi32, #tpu.memory_space<vmem>> -> memref<80xi32, #tpu.memory_space<vmem>>
    %dma_start3A_680 = arith.constant 0 : i32
    %dma_start3A_681 = arith.constant 0 : i32
    %dma_start3A_682 = tpu.memref_slice %arg2[%dma_start3A_680, %dma_start3A_681] : memref<10000x128xf32, #tpu.memory_space<hbm>> -> memref<10000x128xf32, #tpu.memory_space<hbm>>
    tpu.enqueue_indirect_dma source(%dma_start3A_682 : memref<10000x128xf32, #tpu.memory_space<hbm>>) target(%arg14 : memref<80x128xf32, #tpu.memory_space<vmem>>) offsets(%dma_start3A_679 : memref<80xi32, #tpu.memory_space<vmem>>) semaphore(%arg18 : memref<!tpu.dma_semaphore, #tpu.memory_space<semaphore_mem>>)
    %dma_start3A_683 = arith.constant 640 : i32
    %dma_start3A_684 = tpu.memref_slice %arg6[%dma_start3A_683] : memref<2000xi32, #tpu.memory_space<vmem>> -> memref<80xi32, #tpu.memory_space<vmem>>
    %dma_start3A_685 = arith.constant 0 : i32
    %dma_start3A_686 = arith.constant 0 : i32
    %dma_start3A_687 = tpu.memref_slice %arg2[%dma_start3A_685, %dma_start3A_686] : memref<10000x128xf32, #tpu.memory_space<hbm>> -> memref<10000x128xf32, #tpu.memory_space<hbm>>
    tpu.enqueue_indirect_dma source(%dma_start3A_687 : memref<10000x128xf32, #tpu.memory_space<hbm>>) target(%arg15 : memref<80x128xf32, #tpu.memory_space<vmem>>) offsets(%dma_start3A_684 : memref<80xi32, #tpu.memory_space<vmem>>) semaphore(%arg18 : memref<!tpu.dma_semaphore, #tpu.memory_space<semaphore_mem>>)
    %dma_start3A_688 = arith.constant 720 : i32
    %dma_start3A_689 = tpu.memref_slice %arg6[%dma_start3A_688] : memref<2000xi32, #tpu.memory_space<vmem>> -> memref<80xi32, #tpu.memory_space<vmem>>
    %dma_start3A_690 = arith.constant 0 : i32
    %dma_start3A_691 = arith.constant 0 : i32
    %dma_start3A_692 = tpu.memref_slice %arg2[%dma_start3A_690, %dma_start3A_691] : memref<10000x128xf32, #tpu.memory_space<hbm>> -> memref<10000x128xf32, #tpu.memory_space<hbm>>
    tpu.enqueue_indirect_dma source(%dma_start3A_692 : memref<10000x128xf32, #tpu.memory_space<hbm>>) target(%arg16 : memref<80x128xf32, #tpu.memory_space<vmem>>) offsets(%dma_start3A_689 : memref<80xi32, #tpu.memory_space<vmem>>) semaphore(%arg18 : memref<!tpu.dma_semaphore, #tpu.memory_space<semaphore_mem>>)
    %dma_wait3A_693 = arith.constant 0 : i32
    %dma_wait3A_694 = arith.constant 0 : i32
    %dma_wait3A_695 = tpu.memref_slice %arg2[%dma_wait3A_693, %dma_wait3A_694] : memref<10000x128xf32, #tpu.memory_space<hbm>> -> memref<80x128xf32, #tpu.memory_space<hbm>>
    %dma_wait3A_696 = arith.constant 0 : i32
    %dma_wait3A_697 = arith.constant 0 : i32
    %dma_wait3A_698 = tpu.memref_slice %arg2[%dma_wait3A_696, %dma_wait3A_697] : memref<10000x128xf32, #tpu.memory_space<hbm>> -> memref<80x128xf32, #tpu.memory_space<hbm>>
    tpu.wait_dma2 semaphore(%arg17 : memref<!tpu.dma_semaphore, #tpu.memory_space<semaphore_mem>>) src(%dma_wait3A_698 : memref<80x128xf32, #tpu.memory_space<hbm>>) dst(%arg7 : memref<80x128xf32, #tpu.memory_space<vmem>>)
    %dma_wait3A_699 = arith.constant 0 : i32
    %dma_wait3A_700 = arith.constant 0 : i32
    %dma_wait3A_701 = tpu.memref_slice %arg2[%dma_wait3A_699, %dma_wait3A_700] : memref<10000x128xf32, #tpu.memory_space<hbm>> -> memref<80x128xf32, #tpu.memory_space<hbm>>
    %dma_wait3A_702 = arith.constant 0 : i32
    %dma_wait3A_703 = arith.constant 0 : i32
    %dma_wait3A_704 = tpu.memref_slice %arg2[%dma_wait3A_702, %dma_wait3A_703] : memref<10000x128xf32, #tpu.memory_space<hbm>> -> memref<80x128xf32, #tpu.memory_space<hbm>>
    tpu.wait_dma2 semaphore(%arg17 : memref<!tpu.dma_semaphore, #tpu.memory_space<semaphore_mem>>) src(%dma_wait3A_704 : memref<80x128xf32, #tpu.memory_space<hbm>>) dst(%arg8 : memref<80x128xf32, #tpu.memory_space<vmem>>)
    %dma_wait3A_705 = arith.constant 0 : i32
    %dma_wait3A_706 = arith.constant 0 : i32
    %dma_wait3A_707 = tpu.memref_slice %arg2[%dma_wait3A_705, %dma_wait3A_706] : memref<10000x128xf32, #tpu.memory_space<hbm>> -> memref<80x128xf32, #tpu.memory_space<hbm>>
    %dma_wait3A_708 = arith.constant 0 : i32
    %dma_wait3A_709 = arith.constant 0 : i32
    %dma_wait3A_710 = tpu.memref_slice %arg2[%dma_wait3A_708, %dma_wait3A_709] : memref<10000x128xf32, #tpu.memory_space<hbm>> -> memref<80x128xf32, #tpu.memory_space<hbm>>
    tpu.wait_dma2 semaphore(%arg17 : memref<!tpu.dma_semaphore, #tpu.memory_space<semaphore_mem>>) src(%dma_wait3A_710 : memref<80x128xf32, #tpu.memory_space<hbm>>) dst(%arg9 : memref<80x128xf32, #tpu.memory_space<vmem>>)
    %dma_wait3A_711 = arith.constant 0 : i32
    %dma_wait3A_712 = arith.constant 0 : i32
    %dma_wait3A_713 = tpu.memref_slice %arg2[%dma_wait3A_711, %dma_wait3A_712] : memref<10000x128xf32, #tpu.memory_space<hbm>> -> memref<80x128xf32, #tpu.memory_space<hbm>>
    %dma_wait3A_714 = arith.constant 0 : i32
    %dma_wait3A_715 = arith.constant 0 : i32
    %dma_wait3A_716 = tpu.memref_slice %arg2[%dma_wait3A_714, %dma_wait3A_715] : memref<10000x128xf32, #tpu.memory_space<hbm>> -> memref<80x128xf32, #tpu.memory_space<hbm>>
    tpu.wait_dma2 semaphore(%arg17 : memref<!tpu.dma_semaphore, #tpu.memory_space<semaphore_mem>>) src(%dma_wait3A_716 : memref<80x128xf32, #tpu.memory_space<hbm>>) dst(%arg10 : memref<80x128xf32, #tpu.memory_space<vmem>>)
    %dma_wait3A_717 = arith.constant 0 : i32
    %dma_wait3A_718 = arith.constant 0 : i32
    %dma_wait3A_719 = tpu.memref_slice %arg2[%dma_wait3A_717, %dma_wait3A_718] : memref<10000x128xf32, #tpu.memory_space<hbm>> -> memref<80x128xf32, #tpu.memory_space<hbm>>
    %dma_wait3A_720 = arith.constant 0 : i32
    %dma_wait3A_721 = arith.constant 0 : i32
    %dma_wait3A_722 = tpu.memref_slice %arg2[%dma_wait3A_720, %dma_wait3A_721] : memref<10000x128xf32, #tpu.memory_space<hbm>> -> memref<80x128xf32, #tpu.memory_space<hbm>>
    tpu.wait_dma2 semaphore(%arg17 : memref<!tpu.dma_semaphore, #tpu.memory_space<semaphore_mem>>) src(%dma_wait3A_722 : memref<80x128xf32, #tpu.memory_space<hbm>>) dst(%arg11 : memref<80x128xf32, #tpu.memory_space<vmem>>)
    %add3A_723 = arith.constant 0 : i32
    %add3A_724 = arith.addi %mul3A_2, %add3A_723 : i32
    %dma_start3A_725 = arith.constant 128 : i32
    %dma_start3A_726 = tpu.memref_slice %arg5[%add3A_724, %dma_start3A_725] : memref<64000x256xf32, #tpu.memory_space<hbm>> -> memref<80x128xf32, #tpu.memory_space<hbm>>
    %dma_start3A_727 = arith.constant 128 : i32
    %dma_start3A_728 = tpu.memref_slice %arg5[%add3A_724, %dma_start3A_727] : memref<64000x256xf32, #tpu.memory_space<hbm>> -> memref<80x128xf32, #tpu.memory_space<hbm>>
    tpu.enqueue_dma source(%arg7 : memref<80x128xf32, #tpu.memory_space<vmem>>) target(%dma_start3A_728 : memref<80x128xf32, #tpu.memory_space<hbm>>) target_semaphore(%arg19 : memref<!tpu.dma_semaphore, #tpu.memory_space<semaphore_mem>>)
    %add3A_729 = arith.constant 80 : i32
    %add3A_730 = arith.addi %mul3A_2, %add3A_729 : i32
    %dma_start3A_731 = arith.constant 128 : i32
    %dma_start3A_732 = tpu.memref_slice %arg5[%add3A_730, %dma_start3A_731] : memref<64000x256xf32, #tpu.memory_space<hbm>> -> memref<80x128xf32, #tpu.memory_space<hbm>>
    %dma_start3A_733 = arith.constant 128 : i32
    %dma_start3A_734 = tpu.memref_slice %arg5[%add3A_730, %dma_start3A_733] : memref<64000x256xf32, #tpu.memory_space<hbm>> -> memref<80x128xf32, #tpu.memory_space<hbm>>
    tpu.enqueue_dma source(%arg8 : memref<80x128xf32, #tpu.memory_space<vmem>>) target(%dma_start3A_734 : memref<80x128xf32, #tpu.memory_space<hbm>>) target_semaphore(%arg19 : memref<!tpu.dma_semaphore, #tpu.memory_space<semaphore_mem>>)
    %add3A_735 = arith.constant 160 : i32
    %add3A_736 = arith.addi %mul3A_2, %add3A_735 : i32
    %dma_start3A_737 = arith.constant 128 : i32
    %dma_start3A_738 = tpu.memref_slice %arg5[%add3A_736, %dma_start3A_737] : memref<64000x256xf32, #tpu.memory_space<hbm>> -> memref<80x128xf32, #tpu.memory_space<hbm>>
    %dma_start3A_739 = arith.constant 128 : i32
    %dma_start3A_740 = tpu.memref_slice %arg5[%add3A_736, %dma_start3A_739] : memref<64000x256xf32, #tpu.memory_space<hbm>> -> memref<80x128xf32, #tpu.memory_space<hbm>>
    tpu.enqueue_dma source(%arg9 : memref<80x128xf32, #tpu.memory_space<vmem>>) target(%dma_start3A_740 : memref<80x128xf32, #tpu.memory_space<hbm>>) target_semaphore(%arg19 : memref<!tpu.dma_semaphore, #tpu.memory_space<semaphore_mem>>)
    %add3A_741 = arith.constant 240 : i32
    %add3A_742 = arith.addi %mul3A_2, %add3A_741 : i32
    %dma_start3A_743 = arith.constant 128 : i32
    %dma_start3A_744 = tpu.memref_slice %arg5[%add3A_742, %dma_start3A_743] : memref<64000x256xf32, #tpu.memory_space<hbm>> -> memref<80x128xf32, #tpu.memory_space<hbm>>
    %dma_start3A_745 = arith.constant 128 : i32
    %dma_start3A_746 = tpu.memref_slice %arg5[%add3A_742, %dma_start3A_745] : memref<64000x256xf32, #tpu.memory_space<hbm>> -> memref<80x128xf32, #tpu.memory_space<hbm>>
    tpu.enqueue_dma source(%arg10 : memref<80x128xf32, #tpu.memory_space<vmem>>) target(%dma_start3A_746 : memref<80x128xf32, #tpu.memory_space<hbm>>) target_semaphore(%arg19 : memref<!tpu.dma_semaphore, #tpu.memory_space<semaphore_mem>>)
    %add3A_747 = arith.constant 320 : i32
    %add3A_748 = arith.addi %mul3A_2, %add3A_747 : i32
    %dma_start3A_749 = arith.constant 128 : i32
    %dma_start3A_750 = tpu.memref_slice %arg5[%add3A_748, %dma_start3A_749] : memref<64000x256xf32, #tpu.memory_space<hbm>> -> memref<80x128xf32, #tpu.memory_space<hbm>>
    %dma_start3A_751 = arith.constant 128 : i32
    %dma_start3A_752 = tpu.memref_slice %arg5[%add3A_748, %dma_start3A_751] : memref<64000x256xf32, #tpu.memory_space<hbm>> -> memref<80x128xf32, #tpu.memory_space<hbm>>
    tpu.enqueue_dma source(%arg11 : memref<80x128xf32, #tpu.memory_space<vmem>>) target(%dma_start3A_752 : memref<80x128xf32, #tpu.memory_space<hbm>>) target_semaphore(%arg19 : memref<!tpu.dma_semaphore, #tpu.memory_space<semaphore_mem>>)
    %scan3A_753 = arith.constant 0 : i32
    %mul3A_754 = arith.constant 1 : i32
    %mul3A_755 = arith.muli %scan3A_753, %mul3A_754 : i32
    %add3A_756 = arith.constant 0 : i32
    %add3A_757 = arith.addi %add3A_756, %mul3A_755 : i32
    %mul3A_758 = arith.constant 2 : i32
    %mul3A_759 = arith.muli %mul3A_758, %add3A_757 : i32
    %add3A_760 = arith.constant 1 : i32
    %add3A_761 = arith.addi %mul3A_759, %add3A_760 : i32
    %dma_wait3A_762 = arith.constant 128 : i32
    %dma_wait3A_763 = tpu.memref_slice %arg5[%mul3A_2, %dma_wait3A_762] : memref<64000x256xf32, #tpu.memory_space<hbm>> -> memref<80x128xf32, #tpu.memory_space<hbm>>
    %dma_wait3A_764 = arith.constant 128 : i32
    %dma_wait3A_765 = tpu.memref_slice %arg5[%mul3A_2, %dma_wait3A_764] : memref<64000x256xf32, #tpu.memory_space<hbm>> -> memref<80x128xf32, #tpu.memory_space<hbm>>
    tpu.wait_dma2 semaphore(%arg19 : memref<!tpu.dma_semaphore, #tpu.memory_space<semaphore_mem>>) src(%arg7 : memref<80x128xf32, #tpu.memory_space<vmem>>) dst(%dma_wait3A_765 : memref<80x128xf32, #tpu.memory_space<hbm>>)
    %dma_wait3A_766 = arith.constant 128 : i32
    %dma_wait3A_767 = tpu.memref_slice %arg5[%mul3A_2, %dma_wait3A_766] : memref<64000x256xf32, #tpu.memory_space<hbm>> -> memref<80x128xf32, #tpu.memory_space<hbm>>
    %dma_wait3A_768 = arith.constant 128 : i32
    %dma_wait3A_769 = tpu.memref_slice %arg5[%mul3A_2, %dma_wait3A_768] : memref<64000x256xf32, #tpu.memory_space<hbm>> -> memref<80x128xf32, #tpu.memory_space<hbm>>
    tpu.wait_dma2 semaphore(%arg19 : memref<!tpu.dma_semaphore, #tpu.memory_space<semaphore_mem>>) src(%arg8 : memref<80x128xf32, #tpu.memory_space<vmem>>) dst(%dma_wait3A_769 : memref<80x128xf32, #tpu.memory_space<hbm>>)
    %dma_wait3A_770 = arith.constant 128 : i32
    %dma_wait3A_771 = tpu.memref_slice %arg5[%mul3A_2, %dma_wait3A_770] : memref<64000x256xf32, #tpu.memory_space<hbm>> -> memref<80x128xf32, #tpu.memory_space<hbm>>
    %dma_wait3A_772 = arith.constant 128 : i32
    %dma_wait3A_773 = tpu.memref_slice %arg5[%mul3A_2, %dma_wait3A_772] : memref<64000x256xf32, #tpu.memory_space<hbm>> -> memref<80x128xf32, #tpu.memory_space<hbm>>
    tpu.wait_dma2 semaphore(%arg19 : memref<!tpu.dma_semaphore, #tpu.memory_space<semaphore_mem>>) src(%arg9 : memref<80x128xf32, #tpu.memory_space<vmem>>) dst(%dma_wait3A_773 : memref<80x128xf32, #tpu.memory_space<hbm>>)
    %dma_wait3A_774 = arith.constant 128 : i32
    %dma_wait3A_775 = tpu.memref_slice %arg5[%mul3A_2, %dma_wait3A_774] : memref<64000x256xf32, #tpu.memory_space<hbm>> -> memref<80x128xf32, #tpu.memory_space<hbm>>
    %dma_wait3A_776 = arith.constant 128 : i32
    %dma_wait3A_777 = tpu.memref_slice %arg5[%mul3A_2, %dma_wait3A_776] : memref<64000x256xf32, #tpu.memory_space<hbm>> -> memref<80x128xf32, #tpu.memory_space<hbm>>
    tpu.wait_dma2 semaphore(%arg19 : memref<!tpu.dma_semaphore, #tpu.memory_space<semaphore_mem>>) src(%arg10 : memref<80x128xf32, #tpu.memory_space<vmem>>) dst(%dma_wait3A_777 : memref<80x128xf32, #tpu.memory_space<hbm>>)
    %dma_wait3A_778 = arith.constant 128 : i32
    %dma_wait3A_779 = tpu.memref_slice %arg5[%mul3A_2, %dma_wait3A_778] : memref<64000x256xf32, #tpu.memory_space<hbm>> -> memref<80x128xf32, #tpu.memory_space<hbm>>
    %dma_wait3A_780 = arith.constant 128 : i32
    %dma_wait3A_781 = tpu.memref_slice %arg5[%mul3A_2, %dma_wait3A_780] : memref<64000x256xf32, #tpu.memory_space<hbm>> -> memref<80x128xf32, #tpu.memory_space<hbm>>
    tpu.wait_dma2 semaphore(%arg19 : memref<!tpu.dma_semaphore, #tpu.memory_space<semaphore_mem>>) src(%arg11 : memref<80x128xf32, #tpu.memory_space<vmem>>) dst(%dma_wait3A_781 : memref<80x128xf32, #tpu.memory_space<hbm>>)
    %add3A_782 = arith.constant 1 : i32
    %add3A_783 = arith.addi %add3A_761, %add3A_782 : i32
    %mul3A_784 = arith.constant 5 : i32
    %mul3A_785 = arith.muli %add3A_783, %mul3A_784 : i32
    %add3A_786 = arith.constant 0 : i32
    %add3A_787 = arith.addi %mul3A_785, %add3A_786 : i32
    %mul3A_788 = arith.constant 80 : i32
    %mul3A_789 = arith.muli %add3A_787, %mul3A_788 : i32
    %dma_start3A_790 = tpu.memref_slice %arg6[%mul3A_789] : memref<2000xi32, #tpu.memory_space<vmem>> -> memref<80xi32, #tpu.memory_space<vmem>>
    %dma_start3A_791 = arith.constant 0 : i32
    %dma_start3A_792 = arith.constant 0 : i32
    %dma_start3A_793 = tpu.memref_slice %arg2[%dma_start3A_791, %dma_start3A_792] : memref<10000x128xf32, #tpu.memory_space<hbm>> -> memref<10000x128xf32, #tpu.memory_space<hbm>>
    tpu.enqueue_indirect_dma source(%dma_start3A_793 : memref<10000x128xf32, #tpu.memory_space<hbm>>) target(%arg7 : memref<80x128xf32, #tpu.memory_space<vmem>>) offsets(%dma_start3A_790 : memref<80xi32, #tpu.memory_space<vmem>>) semaphore(%arg17 : memref<!tpu.dma_semaphore, #tpu.memory_space<semaphore_mem>>)
    %mul3A_794 = arith.constant 5 : i32
    %mul3A_795 = arith.muli %add3A_783, %mul3A_794 : i32
    %add3A_796 = arith.constant 1 : i32
    %add3A_797 = arith.addi %mul3A_795, %add3A_796 : i32
    %mul3A_798 = arith.constant 80 : i32
    %mul3A_799 = arith.muli %add3A_797, %mul3A_798 : i32
    %dma_start3A_800 = tpu.memref_slice %arg6[%mul3A_799] : memref<2000xi32, #tpu.memory_space<vmem>> -> memref<80xi32, #tpu.memory_space<vmem>>
    %dma_start3A_801 = arith.constant 0 : i32
    %dma_start3A_802 = arith.constant 0 : i32
    %dma_start3A_803 = tpu.memref_slice %arg2[%dma_start3A_801, %dma_start3A_802] : memref<10000x128xf32, #tpu.memory_space<hbm>> -> memref<10000x128xf32, #tpu.memory_space<hbm>>
    tpu.enqueue_indirect_dma source(%dma_start3A_803 : memref<10000x128xf32, #tpu.memory_space<hbm>>) target(%arg8 : memref<80x128xf32, #tpu.memory_space<vmem>>) offsets(%dma_start3A_800 : memref<80xi32, #tpu.memory_space<vmem>>) semaphore(%arg17 : memref<!tpu.dma_semaphore, #tpu.memory_space<semaphore_mem>>)
    %mul3A_804 = arith.constant 5 : i32
    %mul3A_805 = arith.muli %add3A_783, %mul3A_804 : i32
    %add3A_806 = arith.constant 2 : i32
    %add3A_807 = arith.addi %mul3A_805, %add3A_806 : i32
    %mul3A_808 = arith.constant 80 : i32
    %mul3A_809 = arith.muli %add3A_807, %mul3A_808 : i32
    %dma_start3A_810 = tpu.memref_slice %arg6[%mul3A_809] : memref<2000xi32, #tpu.memory_space<vmem>> -> memref<80xi32, #tpu.memory_space<vmem>>
    %dma_start3A_811 = arith.constant 0 : i32
    %dma_start3A_812 = arith.constant 0 : i32
    %dma_start3A_813 = tpu.memref_slice %arg2[%dma_start3A_811, %dma_start3A_812] : memref<10000x128xf32, #tpu.memory_space<hbm>> -> memref<10000x128xf32, #tpu.memory_space<hbm>>
    tpu.enqueue_indirect_dma source(%dma_start3A_813 : memref<10000x128xf32, #tpu.memory_space<hbm>>) target(%arg9 : memref<80x128xf32, #tpu.memory_space<vmem>>) offsets(%dma_start3A_810 : memref<80xi32, #tpu.memory_space<vmem>>) semaphore(%arg17 : memref<!tpu.dma_semaphore, #tpu.memory_space<semaphore_mem>>)
    %mul3A_814 = arith.constant 5 : i32
    %mul3A_815 = arith.muli %add3A_783, %mul3A_814 : i32
    %add3A_816 = arith.constant 3 : i32
    %add3A_817 = arith.addi %mul3A_815, %add3A_816 : i32
    %mul3A_818 = arith.constant 80 : i32
    %mul3A_819 = arith.muli %add3A_817, %mul3A_818 : i32
    %dma_start3A_820 = tpu.memref_slice %arg6[%mul3A_819] : memref<2000xi32, #tpu.memory_space<vmem>> -> memref<80xi32, #tpu.memory_space<vmem>>
    %dma_start3A_821 = arith.constant 0 : i32
    %dma_start3A_822 = arith.constant 0 : i32
    %dma_start3A_823 = tpu.memref_slice %arg2[%dma_start3A_821, %dma_start3A_822] : memref<10000x128xf32, #tpu.memory_space<hbm>> -> memref<10000x128xf32, #tpu.memory_space<hbm>>
    tpu.enqueue_indirect_dma source(%dma_start3A_823 : memref<10000x128xf32, #tpu.memory_space<hbm>>) target(%arg10 : memref<80x128xf32, #tpu.memory_space<vmem>>) offsets(%dma_start3A_820 : memref<80xi32, #tpu.memory_space<vmem>>) semaphore(%arg17 : memref<!tpu.dma_semaphore, #tpu.memory_space<semaphore_mem>>)
    %mul3A_824 = arith.constant 5 : i32
    %mul3A_825 = arith.muli %add3A_783, %mul3A_824 : i32
    %add3A_826 = arith.constant 4 : i32
    %add3A_827 = arith.addi %mul3A_825, %add3A_826 : i32
    %mul3A_828 = arith.constant 80 : i32
    %mul3A_829 = arith.muli %add3A_827, %mul3A_828 : i32
    %dma_start3A_830 = tpu.memref_slice %arg6[%mul3A_829] : memref<2000xi32, #tpu.memory_space<vmem>> -> memref<80xi32, #tpu.memory_space<vmem>>
    %dma_start3A_831 = arith.constant 0 : i32
    %dma_start3A_832 = arith.constant 0 : i32
    %dma_start3A_833 = tpu.memref_slice %arg2[%dma_start3A_831, %dma_start3A_832] : memref<10000x128xf32, #tpu.memory_space<hbm>> -> memref<10000x128xf32, #tpu.memory_space<hbm>>
    tpu.enqueue_indirect_dma source(%dma_start3A_833 : memref<10000x128xf32, #tpu.memory_space<hbm>>) target(%arg11 : memref<80x128xf32, #tpu.memory_space<vmem>>) offsets(%dma_start3A_830 : memref<80xi32, #tpu.memory_space<vmem>>) semaphore(%arg17 : memref<!tpu.dma_semaphore, #tpu.memory_space<semaphore_mem>>)
    %dma_wait3A_834 = arith.constant 0 : i32
    %dma_wait3A_835 = arith.constant 0 : i32
    %dma_wait3A_836 = tpu.memref_slice %arg2[%dma_wait3A_834, %dma_wait3A_835] : memref<10000x128xf32, #tpu.memory_space<hbm>> -> memref<80x128xf32, #tpu.memory_space<hbm>>
    %dma_wait3A_837 = arith.constant 0 : i32
    %dma_wait3A_838 = arith.constant 0 : i32
    %dma_wait3A_839 = tpu.memref_slice %arg2[%dma_wait3A_837, %dma_wait3A_838] : memref<10000x128xf32, #tpu.memory_space<hbm>> -> memref<80x128xf32, #tpu.memory_space<hbm>>
    tpu.wait_dma2 semaphore(%arg18 : memref<!tpu.dma_semaphore, #tpu.memory_space<semaphore_mem>>) src(%dma_wait3A_839 : memref<80x128xf32, #tpu.memory_space<hbm>>) dst(%arg12 : memref<80x128xf32, #tpu.memory_space<vmem>>)
    %dma_wait3A_840 = arith.constant 0 : i32
    %dma_wait3A_841 = arith.constant 0 : i32
    %dma_wait3A_842 = tpu.memref_slice %arg2[%dma_wait3A_840, %dma_wait3A_841] : memref<10000x128xf32, #tpu.memory_space<hbm>> -> memref<80x128xf32, #tpu.memory_space<hbm>>
    %dma_wait3A_843 = arith.constant 0 : i32
    %dma_wait3A_844 = arith.constant 0 : i32
    %dma_wait3A_845 = tpu.memref_slice %arg2[%dma_wait3A_843, %dma_wait3A_844] : memref<10000x128xf32, #tpu.memory_space<hbm>> -> memref<80x128xf32, #tpu.memory_space<hbm>>
    tpu.wait_dma2 semaphore(%arg18 : memref<!tpu.dma_semaphore, #tpu.memory_space<semaphore_mem>>) src(%dma_wait3A_845 : memref<80x128xf32, #tpu.memory_space<hbm>>) dst(%arg13 : memref<80x128xf32, #tpu.memory_space<vmem>>)
    %dma_wait3A_846 = arith.constant 0 : i32
    %dma_wait3A_847 = arith.constant 0 : i32
    %dma_wait3A_848 = tpu.memref_slice %arg2[%dma_wait3A_846, %dma_wait3A_847] : memref<10000x128xf32, #tpu.memory_space<hbm>> -> memref<80x128xf32, #tpu.memory_space<hbm>>
    %dma_wait3A_849 = arith.constant 0 : i32
    %dma_wait3A_850 = arith.constant 0 : i32
    %dma_wait3A_851 = tpu.memref_slice %arg2[%dma_wait3A_849, %dma_wait3A_850] : memref<10000x128xf32, #tpu.memory_space<hbm>> -> memref<80x128xf32, #tpu.memory_space<hbm>>
    tpu.wait_dma2 semaphore(%arg18 : memref<!tpu.dma_semaphore, #tpu.memory_space<semaphore_mem>>) src(%dma_wait3A_851 : memref<80x128xf32, #tpu.memory_space<hbm>>) dst(%arg14 : memref<80x128xf32, #tpu.memory_space<vmem>>)
    %dma_wait3A_852 = arith.constant 0 : i32
    %dma_wait3A_853 = arith.constant 0 : i32
    %dma_wait3A_854 = tpu.memref_slice %arg2[%dma_wait3A_852, %dma_wait3A_853] : memref<10000x128xf32, #tpu.memory_space<hbm>> -> memref<80x128xf32, #tpu.memory_space<hbm>>
    %dma_wait3A_855 = arith.constant 0 : i32
    %dma_wait3A_856 = arith.constant 0 : i32
    %dma_wait3A_857 = tpu.memref_slice %arg2[%dma_wait3A_855, %dma_wait3A_856] : memref<10000x128xf32, #tpu.memory_space<hbm>> -> memref<80x128xf32, #tpu.memory_space<hbm>>
    tpu.wait_dma2 semaphore(%arg18 : memref<!tpu.dma_semaphore, #tpu.memory_space<semaphore_mem>>) src(%dma_wait3A_857 : memref<80x128xf32, #tpu.memory_space<hbm>>) dst(%arg15 : memref<80x128xf32, #tpu.memory_space<vmem>>)
    %dma_wait3A_858 = arith.constant 0 : i32
    %dma_wait3A_859 = arith.constant 0 : i32
    %dma_wait3A_860 = tpu.memref_slice %arg2[%dma_wait3A_858, %dma_wait3A_859] : memref<10000x128xf32, #tpu.memory_space<hbm>> -> memref<80x128xf32, #tpu.memory_space<hbm>>
    %dma_wait3A_861 = arith.constant 0 : i32
    %dma_wait3A_862 = arith.constant 0 : i32
    %dma_wait3A_863 = tpu.memref_slice %arg2[%dma_wait3A_861, %dma_wait3A_862] : memref<10000x128xf32, #tpu.memory_space<hbm>> -> memref<80x128xf32, #tpu.memory_space<hbm>>
    tpu.wait_dma2 semaphore(%arg18 : memref<!tpu.dma_semaphore, #tpu.memory_space<semaphore_mem>>) src(%dma_wait3A_863 : memref<80x128xf32, #tpu.memory_space<hbm>>) dst(%arg16 : memref<80x128xf32, #tpu.memory_space<vmem>>)
    %mul3A_864 = arith.constant 5 : i32
    %mul3A_865 = arith.muli %add3A_761, %mul3A_864 : i32
    %add3A_866 = arith.constant 0 : i32
    %add3A_867 = arith.addi %mul3A_865, %add3A_866 : i32
    %mul3A_868 = arith.constant 80 : i32
    %mul3A_869 = arith.muli %add3A_867, %mul3A_868 : i32
    %add3A_870 = arith.addi %mul3A_2, %mul3A_869 : i32
    %dma_start3A_871 = arith.constant 128 : i32
    %dma_start3A_872 = tpu.memref_slice %arg5[%add3A_870, %dma_start3A_871] : memref<64000x256xf32, #tpu.memory_space<hbm>> -> memref<80x128xf32, #tpu.memory_space<hbm>>
    %dma_start3A_873 = arith.constant 128 : i32
    %dma_start3A_874 = tpu.memref_slice %arg5[%add3A_870, %dma_start3A_873] : memref<64000x256xf32, #tpu.memory_space<hbm>> -> memref<80x128xf32, #tpu.memory_space<hbm>>
    tpu.enqueue_dma source(%arg12 : memref<80x128xf32, #tpu.memory_space<vmem>>) target(%dma_start3A_874 : memref<80x128xf32, #tpu.memory_space<hbm>>) target_semaphore(%arg20 : memref<!tpu.dma_semaphore, #tpu.memory_space<semaphore_mem>>)
    %mul3A_875 = arith.constant 5 : i32
    %mul3A_876 = arith.muli %add3A_761, %mul3A_875 : i32
    %add3A_877 = arith.constant 1 : i32
    %add3A_878 = arith.addi %mul3A_876, %add3A_877 : i32
    %mul3A_879 = arith.constant 80 : i32
    %mul3A_880 = arith.muli %add3A_878, %mul3A_879 : i32
    %add3A_881 = arith.addi %mul3A_2, %mul3A_880 : i32
    %dma_start3A_882 = arith.constant 128 : i32
    %dma_start3A_883 = tpu.memref_slice %arg5[%add3A_881, %dma_start3A_882] : memref<64000x256xf32, #tpu.memory_space<hbm>> -> memref<80x128xf32, #tpu.memory_space<hbm>>
    %dma_start3A_884 = arith.constant 128 : i32
    %dma_start3A_885 = tpu.memref_slice %arg5[%add3A_881, %dma_start3A_884] : memref<64000x256xf32, #tpu.memory_space<hbm>> -> memref<80x128xf32, #tpu.memory_space<hbm>>
    tpu.enqueue_dma source(%arg13 : memref<80x128xf32, #tpu.memory_space<vmem>>) target(%dma_start3A_885 : memref<80x128xf32, #tpu.memory_space<hbm>>) target_semaphore(%arg20 : memref<!tpu.dma_semaphore, #tpu.memory_space<semaphore_mem>>)
    %mul3A_886 = arith.constant 5 : i32
    %mul3A_887 = arith.muli %add3A_761, %mul3A_886 : i32
    %add3A_888 = arith.constant 2 : i32
    %add3A_889 = arith.addi %mul3A_887, %add3A_888 : i32
    %mul3A_890 = arith.constant 80 : i32
    %mul3A_891 = arith.muli %add3A_889, %mul3A_890 : i32
    %add3A_892 = arith.addi %mul3A_2, %mul3A_891 : i32
    %dma_start3A_893 = arith.constant 128 : i32
    %dma_start3A_894 = tpu.memref_slice %arg5[%add3A_892, %dma_start3A_893] : memref<64000x256xf32, #tpu.memory_space<hbm>> -> memref<80x128xf32, #tpu.memory_space<hbm>>
    %dma_start3A_895 = arith.constant 128 : i32
    %dma_start3A_896 = tpu.memref_slice %arg5[%add3A_892, %dma_start3A_895] : memref<64000x256xf32, #tpu.memory_space<hbm>> -> memref<80x128xf32, #tpu.memory_space<hbm>>
    tpu.enqueue_dma source(%arg14 : memref<80x128xf32, #tpu.memory_space<vmem>>) target(%dma_start3A_896 : memref<80x128xf32, #tpu.memory_space<hbm>>) target_semaphore(%arg20 : memref<!tpu.dma_semaphore, #tpu.memory_space<semaphore_mem>>)
    %mul3A_897 = arith.constant 5 : i32
    %mul3A_898 = arith.muli %add3A_761, %mul3A_897 : i32
    %add3A_899 = arith.constant 3 : i32
    %add3A_900 = arith.addi %mul3A_898, %add3A_899 : i32
    %mul3A_901 = arith.constant 80 : i32
    %mul3A_902 = arith.muli %add3A_900, %mul3A_901 : i32
    %add3A_903 = arith.addi %mul3A_2, %mul3A_902 : i32
    %dma_start3A_904 = arith.constant 128 : i32
    %dma_start3A_905 = tpu.memref_slice %arg5[%add3A_903, %dma_start3A_904] : memref<64000x256xf32, #tpu.memory_space<hbm>> -> memref<80x128xf32, #tpu.memory_space<hbm>>
    %dma_start3A_906 = arith.constant 128 : i32
    %dma_start3A_907 = tpu.memref_slice %arg5[%add3A_903, %dma_start3A_906] : memref<64000x256xf32, #tpu.memory_space<hbm>> -> memref<80x128xf32, #tpu.memory_space<hbm>>
    tpu.enqueue_dma source(%arg15 : memref<80x128xf32, #tpu.memory_space<vmem>>) target(%dma_start3A_907 : memref<80x128xf32, #tpu.memory_space<hbm>>) target_semaphore(%arg20 : memref<!tpu.dma_semaphore, #tpu.memory_space<semaphore_mem>>)
    %mul3A_908 = arith.constant 5 : i32
    %mul3A_909 = arith.muli %add3A_761, %mul3A_908 : i32
    %add3A_910 = arith.constant 4 : i32
    %add3A_911 = arith.addi %mul3A_909, %add3A_910 : i32
    %mul3A_912 = arith.constant 80 : i32
    %mul3A_913 = arith.muli %add3A_911, %mul3A_912 : i32
    %add3A_914 = arith.addi %mul3A_2, %mul3A_913 : i32
    %dma_start3A_915 = arith.constant 128 : i32
    %dma_start3A_916 = tpu.memref_slice %arg5[%add3A_914, %dma_start3A_915] : memref<64000x256xf32, #tpu.memory_space<hbm>> -> memref<80x128xf32, #tpu.memory_space<hbm>>
    %dma_start3A_917 = arith.constant 128 : i32
    %dma_start3A_918 = tpu.memref_slice %arg5[%add3A_914, %dma_start3A_917] : memref<64000x256xf32, #tpu.memory_space<hbm>> -> memref<80x128xf32, #tpu.memory_space<hbm>>
    tpu.enqueue_dma source(%arg16 : memref<80x128xf32, #tpu.memory_space<vmem>>) target(%dma_start3A_918 : memref<80x128xf32, #tpu.memory_space<hbm>>) target_semaphore(%arg20 : memref<!tpu.dma_semaphore, #tpu.memory_space<semaphore_mem>>)
    %mul3A_919 = arith.constant 2 : i32
    %mul3A_920 = arith.muli %mul3A_919, %add3A_757 : i32
    %add3A_921 = arith.constant 2 : i32
    %add3A_922 = arith.addi %mul3A_920, %add3A_921 : i32
    %dma_wait3A_923 = arith.constant 128 : i32
    %dma_wait3A_924 = tpu.memref_slice %arg5[%mul3A_2, %dma_wait3A_923] : memref<64000x256xf32, #tpu.memory_space<hbm>> -> memref<80x128xf32, #tpu.memory_space<hbm>>
    %dma_wait3A_925 = arith.constant 128 : i32
    %dma_wait3A_926 = tpu.memref_slice %arg5[%mul3A_2, %dma_wait3A_925] : memref<64000x256xf32, #tpu.memory_space<hbm>> -> memref<80x128xf32, #tpu.memory_space<hbm>>
    tpu.wait_dma2 semaphore(%arg20 : memref<!tpu.dma_semaphore, #tpu.memory_space<semaphore_mem>>) src(%arg12 : memref<80x128xf32, #tpu.memory_space<vmem>>) dst(%dma_wait3A_926 : memref<80x128xf32, #tpu.memory_space<hbm>>)
    %dma_wait3A_927 = arith.constant 128 : i32
    %dma_wait3A_928 = tpu.memref_slice %arg5[%mul3A_2, %dma_wait3A_927] : memref<64000x256xf32, #tpu.memory_space<hbm>> -> memref<80x128xf32, #tpu.memory_space<hbm>>
    %dma_wait3A_929 = arith.constant 128 : i32
    %dma_wait3A_930 = tpu.memref_slice %arg5[%mul3A_2, %dma_wait3A_929] : memref<64000x256xf32, #tpu.memory_space<hbm>> -> memref<80x128xf32, #tpu.memory_space<hbm>>
    tpu.wait_dma2 semaphore(%arg20 : memref<!tpu.dma_semaphore, #tpu.memory_space<semaphore_mem>>) src(%arg13 : memref<80x128xf32, #tpu.memory_space<vmem>>) dst(%dma_wait3A_930 : memref<80x128xf32, #tpu.memory_space<hbm>>)
    %dma_wait3A_931 = arith.constant 128 : i32
    %dma_wait3A_932 = tpu.memref_slice %arg5[%mul3A_2, %dma_wait3A_931] : memref<64000x256xf32, #tpu.memory_space<hbm>> -> memref<80x128xf32, #tpu.memory_space<hbm>>
    %dma_wait3A_933 = arith.constant 128 : i32
    %dma_wait3A_934 = tpu.memref_slice %arg5[%mul3A_2, %dma_wait3A_933] : memref<64000x256xf32, #tpu.memory_space<hbm>> -> memref<80x128xf32, #tpu.memory_space<hbm>>
    tpu.wait_dma2 semaphore(%arg20 : memref<!tpu.dma_semaphore, #tpu.memory_space<semaphore_mem>>) src(%arg14 : memref<80x128xf32, #tpu.memory_space<vmem>>) dst(%dma_wait3A_934 : memref<80x128xf32, #tpu.memory_space<hbm>>)
    %dma_wait3A_935 = arith.constant 128 : i32
    %dma_wait3A_936 = tpu.memref_slice %arg5[%mul3A_2, %dma_wait3A_935] : memref<64000x256xf32, #tpu.memory_space<hbm>> -> memref<80x128xf32, #tpu.memory_space<hbm>>
    %dma_wait3A_937 = arith.constant 128 : i32
    %dma_wait3A_938 = tpu.memref_slice %arg5[%mul3A_2, %dma_wait3A_937] : memref<64000x256xf32, #tpu.memory_space<hbm>> -> memref<80x128xf32, #tpu.memory_space<hbm>>
    tpu.wait_dma2 semaphore(%arg20 : memref<!tpu.dma_semaphore, #tpu.memory_space<semaphore_mem>>) src(%arg15 : memref<80x128xf32, #tpu.memory_space<vmem>>) dst(%dma_wait3A_938 : memref<80x128xf32, #tpu.memory_space<hbm>>)
    %dma_wait3A_939 = arith.constant 128 : i32
    %dma_wait3A_940 = tpu.memref_slice %arg5[%mul3A_2, %dma_wait3A_939] : memref<64000x256xf32, #tpu.memory_space<hbm>> -> memref<80x128xf32, #tpu.memory_space<hbm>>
    %dma_wait3A_941 = arith.constant 128 : i32
    %dma_wait3A_942 = tpu.memref_slice %arg5[%mul3A_2, %dma_wait3A_941] : memref<64000x256xf32, #tpu.memory_space<hbm>> -> memref<80x128xf32, #tpu.memory_space<hbm>>
    tpu.wait_dma2 semaphore(%arg20 : memref<!tpu.dma_semaphore, #tpu.memory_space<semaphore_mem>>) src(%arg16 : memref<80x128xf32, #tpu.memory_space<vmem>>) dst(%dma_wait3A_942 : memref<80x128xf32, #tpu.memory_space<hbm>>)
    %add3A_943 = arith.constant 1 : i32
    %add3A_944 = arith.addi %add3A_922, %add3A_943 : i32
    %mul3A_945 = arith.constant 5 : i32
    %mul3A_946 = arith.muli %add3A_944, %mul3A_945 : i32
    %add3A_947 = arith.constant 0 : i32
    %add3A_948 = arith.addi %mul3A_946, %add3A_947 : i32
    %mul3A_949 = arith.constant 80 : i32
    %mul3A_950 = arith.muli %add3A_948, %mul3A_949 : i32
    %dma_start3A_951 = tpu.memref_slice %arg6[%mul3A_950] : memref<2000xi32, #tpu.memory_space<vmem>> -> memref<80xi32, #tpu.memory_space<vmem>>
    %dma_start3A_952 = arith.constant 0 : i32
    %dma_start3A_953 = arith.constant 0 : i32
    %dma_start3A_954 = tpu.memref_slice %arg2[%dma_start3A_952, %dma_start3A_953] : memref<10000x128xf32, #tpu.memory_space<hbm>> -> memref<10000x128xf32, #tpu.memory_space<hbm>>
    tpu.enqueue_indirect_dma source(%dma_start3A_954 : memref<10000x128xf32, #tpu.memory_space<hbm>>) target(%arg12 : memref<80x128xf32, #tpu.memory_space<vmem>>) offsets(%dma_start3A_951 : memref<80xi32, #tpu.memory_space<vmem>>) semaphore(%arg18 : memref<!tpu.dma_semaphore, #tpu.memory_space<semaphore_mem>>)
    %mul3A_955 = arith.constant 5 : i32
    %mul3A_956 = arith.muli %add3A_944, %mul3A_955 : i32
    %add3A_957 = arith.constant 1 : i32
    %add3A_958 = arith.addi %mul3A_956, %add3A_957 : i32
    %mul3A_959 = arith.constant 80 : i32
    %mul3A_960 = arith.muli %add3A_958, %mul3A_959 : i32
    %dma_start3A_961 = tpu.memref_slice %arg6[%mul3A_960] : memref<2000xi32, #tpu.memory_space<vmem>> -> memref<80xi32, #tpu.memory_space<vmem>>
    %dma_start3A_962 = arith.constant 0 : i32
    %dma_start3A_963 = arith.constant 0 : i32
    %dma_start3A_964 = tpu.memref_slice %arg2[%dma_start3A_962, %dma_start3A_963] : memref<10000x128xf32, #tpu.memory_space<hbm>> -> memref<10000x128xf32, #tpu.memory_space<hbm>>
    tpu.enqueue_indirect_dma source(%dma_start3A_964 : memref<10000x128xf32, #tpu.memory_space<hbm>>) target(%arg13 : memref<80x128xf32, #tpu.memory_space<vmem>>) offsets(%dma_start3A_961 : memref<80xi32, #tpu.memory_space<vmem>>) semaphore(%arg18 : memref<!tpu.dma_semaphore, #tpu.memory_space<semaphore_mem>>)
    %mul3A_965 = arith.constant 5 : i32
    %mul3A_966 = arith.muli %add3A_944, %mul3A_965 : i32
    %add3A_967 = arith.constant 2 : i32
    %add3A_968 = arith.addi %mul3A_966, %add3A_967 : i32
    %mul3A_969 = arith.constant 80 : i32
    %mul3A_970 = arith.muli %add3A_968, %mul3A_969 : i32
    %dma_start3A_971 = tpu.memref_slice %arg6[%mul3A_970] : memref<2000xi32, #tpu.memory_space<vmem>> -> memref<80xi32, #tpu.memory_space<vmem>>
    %dma_start3A_972 = arith.constant 0 : i32
    %dma_start3A_973 = arith.constant 0 : i32
    %dma_start3A_974 = tpu.memref_slice %arg2[%dma_start3A_972, %dma_start3A_973] : memref<10000x128xf32, #tpu.memory_space<hbm>> -> memref<10000x128xf32, #tpu.memory_space<hbm>>
    tpu.enqueue_indirect_dma source(%dma_start3A_974 : memref<10000x128xf32, #tpu.memory_space<hbm>>) target(%arg14 : memref<80x128xf32, #tpu.memory_space<vmem>>) offsets(%dma_start3A_971 : memref<80xi32, #tpu.memory_space<vmem>>) semaphore(%arg18 : memref<!tpu.dma_semaphore, #tpu.memory_space<semaphore_mem>>)
    %mul3A_975 = arith.constant 5 : i32
    %mul3A_976 = arith.muli %add3A_944, %mul3A_975 : i32
    %add3A_977 = arith.constant 3 : i32
    %add3A_978 = arith.addi %mul3A_976, %add3A_977 : i32
    %mul3A_979 = arith.constant 80 : i32
    %mul3A_980 = arith.muli %add3A_978, %mul3A_979 : i32
    %dma_start3A_981 = tpu.memref_slice %arg6[%mul3A_980] : memref<2000xi32, #tpu.memory_space<vmem>> -> memref<80xi32, #tpu.memory_space<vmem>>
    %dma_start3A_982 = arith.constant 0 : i32
    %dma_start3A_983 = arith.constant 0 : i32
    %dma_start3A_984 = tpu.memref_slice %arg2[%dma_start3A_982, %dma_start3A_983] : memref<10000x128xf32, #tpu.memory_space<hbm>> -> memref<10000x128xf32, #tpu.memory_space<hbm>>
    tpu.enqueue_indirect_dma source(%dma_start3A_984 : memref<10000x128xf32, #tpu.memory_space<hbm>>) target(%arg15 : memref<80x128xf32, #tpu.memory_space<vmem>>) offsets(%dma_start3A_981 : memref<80xi32, #tpu.memory_space<vmem>>) semaphore(%arg18 : memref<!tpu.dma_semaphore, #tpu.memory_space<semaphore_mem>>)
    %mul3A_985 = arith.constant 5 : i32
    %mul3A_986 = arith.muli %add3A_944, %mul3A_985 : i32
    %add3A_987 = arith.constant 4 : i32
    %add3A_988 = arith.addi %mul3A_986, %add3A_987 : i32
    %mul3A_989 = arith.constant 80 : i32
    %mul3A_990 = arith.muli %add3A_988, %mul3A_989 : i32
    %dma_start3A_991 = tpu.memref_slice %arg6[%mul3A_990] : memref<2000xi32, #tpu.memory_space<vmem>> -> memref<80xi32, #tpu.memory_space<vmem>>
    %dma_start3A_992 = arith.constant 0 : i32
    %dma_start3A_993 = arith.constant 0 : i32
    %dma_start3A_994 = tpu.memref_slice %arg2[%dma_start3A_992, %dma_start3A_993] : memref<10000x128xf32, #tpu.memory_space<hbm>> -> memref<10000x128xf32, #tpu.memory_space<hbm>>
    tpu.enqueue_indirect_dma source(%dma_start3A_994 : memref<10000x128xf32, #tpu.memory_space<hbm>>) target(%arg16 : memref<80x128xf32, #tpu.memory_space<vmem>>) offsets(%dma_start3A_991 : memref<80xi32, #tpu.memory_space<vmem>>) semaphore(%arg18 : memref<!tpu.dma_semaphore, #tpu.memory_space<semaphore_mem>>)
    %dma_wait3A_995 = arith.constant 0 : i32
    %dma_wait3A_996 = arith.constant 0 : i32
    %dma_wait3A_997 = tpu.memref_slice %arg2[%dma_wait3A_995, %dma_wait3A_996] : memref<10000x128xf32, #tpu.memory_space<hbm>> -> memref<80x128xf32, #tpu.memory_space<hbm>>
    %dma_wait3A_998 = arith.constant 0 : i32
    %dma_wait3A_999 = arith.constant 0 : i32
    %dma_wait3A_1000 = tpu.memref_slice %arg2[%dma_wait3A_998, %dma_wait3A_999] : memref<10000x128xf32, #tpu.memory_space<hbm>> -> memref<80x128xf32, #tpu.memory_space<hbm>>
    tpu.wait_dma2 semaphore(%arg17 : memref<!tpu.dma_semaphore, #tpu.memory_space<semaphore_mem>>) src(%dma_wait3A_1000 : memref<80x128xf32, #tpu.memory_space<hbm>>) dst(%arg7 : memref<80x128xf32, #tpu.memory_space<vmem>>)
    %dma_wait3A_1001 = arith.constant 0 : i32
    %dma_wait3A_1002 = arith.constant 0 : i32
    %dma_wait3A_1003 = tpu.memref_slice %arg2[%dma_wait3A_1001, %dma_wait3A_1002] : memref<10000x128xf32, #tpu.memory_space<hbm>> -> memref<80x128xf32, #tpu.memory_space<hbm>>
    %dma_wait3A_1004 = arith.constant 0 : i32
    %dma_wait3A_1005 = arith.constant 0 : i32
    %dma_wait3A_1006 = tpu.memref_slice %arg2[%dma_wait3A_1004, %dma_wait3A_1005] : memref<10000x128xf32, #tpu.memory_space<hbm>> -> memref<80x128xf32, #tpu.memory_space<hbm>>
    tpu.wait_dma2 semaphore(%arg17 : memref<!tpu.dma_semaphore, #tpu.memory_space<semaphore_mem>>) src(%dma_wait3A_1006 : memref<80x128xf32, #tpu.memory_space<hbm>>) dst(%arg8 : memref<80x128xf32, #tpu.memory_space<vmem>>)
    %dma_wait3A_1007 = arith.constant 0 : i32
    %dma_wait3A_1008 = arith.constant 0 : i32
    %dma_wait3A_1009 = tpu.memref_slice %arg2[%dma_wait3A_1007, %dma_wait3A_1008] : memref<10000x128xf32, #tpu.memory_space<hbm>> -> memref<80x128xf32, #tpu.memory_space<hbm>>
    %dma_wait3A_1010 = arith.constant 0 : i32
    %dma_wait3A_1011 = arith.constant 0 : i32
    %dma_wait3A_1012 = tpu.memref_slice %arg2[%dma_wait3A_1010, %dma_wait3A_1011] : memref<10000x128xf32, #tpu.memory_space<hbm>> -> memref<80x128xf32, #tpu.memory_space<hbm>>
    tpu.wait_dma2 semaphore(%arg17 : memref<!tpu.dma_semaphore, #tpu.memory_space<semaphore_mem>>) src(%dma_wait3A_1012 : memref<80x128xf32, #tpu.memory_space<hbm>>) dst(%arg9 : memref<80x128xf32, #tpu.memory_space<vmem>>)
    %dma_wait3A_1013 = arith.constant 0 : i32
    %dma_wait3A_1014 = arith.constant 0 : i32
    %dma_wait3A_1015 = tpu.memref_slice %arg2[%dma_wait3A_1013, %dma_wait3A_1014] : memref<10000x128xf32, #tpu.memory_space<hbm>> -> memref<80x128xf32, #tpu.memory_space<hbm>>
    %dma_wait3A_1016 = arith.constant 0 : i32
    %dma_wait3A_1017 = arith.constant 0 : i32
    %dma_wait3A_1018 = tpu.memref_slice %arg2[%dma_wait3A_1016, %dma_wait3A_1017] : memref<10000x128xf32, #tpu.memory_space<hbm>> -> memref<80x128xf32, #tpu.memory_space<hbm>>
    tpu.wait_dma2 semaphore(%arg17 : memref<!tpu.dma_semaphore, #tpu.memory_space<semaphore_mem>>) src(%dma_wait3A_1018 : memref<80x128xf32, #tpu.memory_space<hbm>>) dst(%arg10 : memref<80x128xf32, #tpu.memory_space<vmem>>)
    %dma_wait3A_1019 = arith.constant 0 : i32
    %dma_wait3A_1020 = arith.constant 0 : i32
    %dma_wait3A_1021 = tpu.memref_slice %arg2[%dma_wait3A_1019, %dma_wait3A_1020] : memref<10000x128xf32, #tpu.memory_space<hbm>> -> memref<80x128xf32, #tpu.memory_space<hbm>>
    %dma_wait3A_1022 = arith.constant 0 : i32
    %dma_wait3A_1023 = arith.constant 0 : i32
    %dma_wait3A_1024 = tpu.memref_slice %arg2[%dma_wait3A_1022, %dma_wait3A_1023] : memref<10000x128xf32, #tpu.memory_space<hbm>> -> memref<80x128xf32, #tpu.memory_space<hbm>>
    tpu.wait_dma2 semaphore(%arg17 : memref<!tpu.dma_semaphore, #tpu.memory_space<semaphore_mem>>) src(%dma_wait3A_1024 : memref<80x128xf32, #tpu.memory_space<hbm>>) dst(%arg11 : memref<80x128xf32, #tpu.memory_space<vmem>>)
    %mul3A_1025 = arith.constant 5 : i32
    %mul3A_1026 = arith.muli %add3A_922, %mul3A_1025 : i32
    %add3A_1027 = arith.constant 0 : i32
    %add3A_1028 = arith.addi %mul3A_1026, %add3A_1027 : i32
    %mul3A_1029 = arith.constant 80 : i32
    %mul3A_1030 = arith.muli %add3A_1028, %mul3A_1029 : i32
    %add3A_1031 = arith.addi %mul3A_2, %mul3A_1030 : i32
    %dma_start3A_1032 = arith.constant 128 : i32
    %dma_start3A_1033 = tpu.memref_slice %arg5[%add3A_1031, %dma_start3A_1032] : memref<64000x256xf32, #tpu.memory_space<hbm>> -> memref<80x128xf32, #tpu.memory_space<hbm>>
    %dma_start3A_1034 = arith.constant 128 : i32
    %dma_start3A_1035 = tpu.memref_slice %arg5[%add3A_1031, %dma_start3A_1034] : memref<64000x256xf32, #tpu.memory_space<hbm>> -> memref<80x128xf32, #tpu.memory_space<hbm>>
    tpu.enqueue_dma source(%arg7 : memref<80x128xf32, #tpu.memory_space<vmem>>) target(%dma_start3A_1035 : memref<80x128xf32, #tpu.memory_space<hbm>>) target_semaphore(%arg19 : memref<!tpu.dma_semaphore, #tpu.memory_space<semaphore_mem>>)
    %mul3A_1036 = arith.constant 5 : i32
    %mul3A_1037 = arith.muli %add3A_922, %mul3A_1036 : i32
    %add3A_1038 = arith.constant 1 : i32
    %add3A_1039 = arith.addi %mul3A_1037, %add3A_1038 : i32
    %mul3A_1040 = arith.constant 80 : i32
    %mul3A_1041 = arith.muli %add3A_1039, %mul3A_1040 : i32
    %add3A_1042 = arith.addi %mul3A_2, %mul3A_1041 : i32
    %dma_start3A_1043 = arith.constant 128 : i32
    %dma_start3A_1044 = tpu.memref_slice %arg5[%add3A_1042, %dma_start3A_1043] : memref<64000x256xf32, #tpu.memory_space<hbm>> -> memref<80x128xf32, #tpu.memory_space<hbm>>
    %dma_start3A_1045 = arith.constant 128 : i32
    %dma_start3A_1046 = tpu.memref_slice %arg5[%add3A_1042, %dma_start3A_1045] : memref<64000x256xf32, #tpu.memory_space<hbm>> -> memref<80x128xf32, #tpu.memory_space<hbm>>
    tpu.enqueue_dma source(%arg8 : memref<80x128xf32, #tpu.memory_space<vmem>>) target(%dma_start3A_1046 : memref<80x128xf32, #tpu.memory_space<hbm>>) target_semaphore(%arg19 : memref<!tpu.dma_semaphore, #tpu.memory_space<semaphore_mem>>)
    %mul3A_1047 = arith.constant 5 : i32
    %mul3A_1048 = arith.muli %add3A_922, %mul3A_1047 : i32
    %add3A_1049 = arith.constant 2 : i32
    %add3A_1050 = arith.addi %mul3A_1048, %add3A_1049 : i32
    %mul3A_1051 = arith.constant 80 : i32
    %mul3A_1052 = arith.muli %add3A_1050, %mul3A_1051 : i32
    %add3A_1053 = arith.addi %mul3A_2, %mul3A_1052 : i32
    %dma_start3A_1054 = arith.constant 128 : i32
    %dma_start3A_1055 = tpu.memref_slice %arg5[%add3A_1053, %dma_start3A_1054] : memref<64000x256xf32, #tpu.memory_space<hbm>> -> memref<80x128xf32, #tpu.memory_space<hbm>>
    %dma_start3A_1056 = arith.constant 128 : i32
    %dma_start3A_1057 = tpu.memref_slice %arg5[%add3A_1053, %dma_start3A_1056] : memref<64000x256xf32, #tpu.memory_space<hbm>> -> memref<80x128xf32, #tpu.memory_space<hbm>>
    tpu.enqueue_dma source(%arg9 : memref<80x128xf32, #tpu.memory_space<vmem>>) target(%dma_start3A_1057 : memref<80x128xf32, #tpu.memory_space<hbm>>) target_semaphore(%arg19 : memref<!tpu.dma_semaphore, #tpu.memory_space<semaphore_mem>>)
    %mul3A_1058 = arith.constant 5 : i32
    %mul3A_1059 = arith.muli %add3A_922, %mul3A_1058 : i32
    %add3A_1060 = arith.constant 3 : i32
    %add3A_1061 = arith.addi %mul3A_1059, %add3A_1060 : i32
    %mul3A_1062 = arith.constant 80 : i32
    %mul3A_1063 = arith.muli %add3A_1061, %mul3A_1062 : i32
    %add3A_1064 = arith.addi %mul3A_2, %mul3A_1063 : i32
    %dma_start3A_1065 = arith.constant 128 : i32
    %dma_start3A_1066 = tpu.memref_slice %arg5[%add3A_1064, %dma_start3A_1065] : memref<64000x256xf32, #tpu.memory_space<hbm>> -> memref<80x128xf32, #tpu.memory_space<hbm>>
    %dma_start3A_1067 = arith.constant 128 : i32
    %dma_start3A_1068 = tpu.memref_slice %arg5[%add3A_1064, %dma_start3A_1067] : memref<64000x256xf32, #tpu.memory_space<hbm>> -> memref<80x128xf32, #tpu.memory_space<hbm>>
    tpu.enqueue_dma source(%arg10 : memref<80x128xf32, #tpu.memory_space<vmem>>) target(%dma_start3A_1068 : memref<80x128xf32, #tpu.memory_space<hbm>>) target_semaphore(%arg19 : memref<!tpu.dma_semaphore, #tpu.memory_space<semaphore_mem>>)
    %mul3A_1069 = arith.constant 5 : i32
    %mul3A_1070 = arith.muli %add3A_922, %mul3A_1069 : i32
    %add3A_1071 = arith.constant 4 : i32
    %add3A_1072 = arith.addi %mul3A_1070, %add3A_1071 : i32
    %mul3A_1073 = arith.constant 80 : i32
    %mul3A_1074 = arith.muli %add3A_1072, %mul3A_1073 : i32
    %add3A_1075 = arith.addi %mul3A_2, %mul3A_1074 : i32
    %dma_start3A_1076 = arith.constant 128 : i32
    %dma_start3A_1077 = tpu.memref_slice %arg5[%add3A_1075, %dma_start3A_1076] : memref<64000x256xf32, #tpu.memory_space<hbm>> -> memref<80x128xf32, #tpu.memory_space<hbm>>
    %dma_start3A_1078 = arith.constant 128 : i32
    %dma_start3A_1079 = tpu.memref_slice %arg5[%add3A_1075, %dma_start3A_1078] : memref<64000x256xf32, #tpu.memory_space<hbm>> -> memref<80x128xf32, #tpu.memory_space<hbm>>
    tpu.enqueue_dma source(%arg11 : memref<80x128xf32, #tpu.memory_space<vmem>>) target(%dma_start3A_1079 : memref<80x128xf32, #tpu.memory_space<hbm>>) target_semaphore(%arg19 : memref<!tpu.dma_semaphore, #tpu.memory_space<semaphore_mem>>)
    %scan3A_1080 = arith.constant 1 : i32
    %dma_wait3A_1081 = arith.constant 128 : i32
    %dma_wait3A_1082 = tpu.memref_slice %arg5[%mul3A_2, %dma_wait3A_1081] : memref<64000x256xf32, #tpu.memory_space<hbm>> -> memref<80x128xf32, #tpu.memory_space<hbm>>
    %dma_wait3A_1083 = arith.constant 128 : i32
    %dma_wait3A_1084 = tpu.memref_slice %arg5[%mul3A_2, %dma_wait3A_1083] : memref<64000x256xf32, #tpu.memory_space<hbm>> -> memref<80x128xf32, #tpu.memory_space<hbm>>
    tpu.wait_dma2 semaphore(%arg19 : memref<!tpu.dma_semaphore, #tpu.memory_space<semaphore_mem>>) src(%arg7 : memref<80x128xf32, #tpu.memory_space<vmem>>) dst(%dma_wait3A_1084 : memref<80x128xf32, #tpu.memory_space<hbm>>)
    %dma_wait3A_1085 = arith.constant 128 : i32
    %dma_wait3A_1086 = tpu.memref_slice %arg5[%mul3A_2, %dma_wait3A_1085] : memref<64000x256xf32, #tpu.memory_space<hbm>> -> memref<80x128xf32, #tpu.memory_space<hbm>>
    %dma_wait3A_1087 = arith.constant 128 : i32
    %dma_wait3A_1088 = tpu.memref_slice %arg5[%mul3A_2, %dma_wait3A_1087] : memref<64000x256xf32, #tpu.memory_space<hbm>> -> memref<80x128xf32, #tpu.memory_space<hbm>>
    tpu.wait_dma2 semaphore(%arg19 : memref<!tpu.dma_semaphore, #tpu.memory_space<semaphore_mem>>) src(%arg8 : memref<80x128xf32, #tpu.memory_space<vmem>>) dst(%dma_wait3A_1088 : memref<80x128xf32, #tpu.memory_space<hbm>>)
    %dma_wait3A_1089 = arith.constant 128 : i32
    %dma_wait3A_1090 = tpu.memref_slice %arg5[%mul3A_2, %dma_wait3A_1089] : memref<64000x256xf32, #tpu.memory_space<hbm>> -> memref<80x128xf32, #tpu.memory_space<hbm>>
    %dma_wait3A_1091 = arith.constant 128 : i32
    %dma_wait3A_1092 = tpu.memref_slice %arg5[%mul3A_2, %dma_wait3A_1091] : memref<64000x256xf32, #tpu.memory_space<hbm>> -> memref<80x128xf32, #tpu.memory_space<hbm>>
    tpu.wait_dma2 semaphore(%arg19 : memref<!tpu.dma_semaphore, #tpu.memory_space<semaphore_mem>>) src(%arg9 : memref<80x128xf32, #tpu.memory_space<vmem>>) dst(%dma_wait3A_1092 : memref<80x128xf32, #tpu.memory_space<hbm>>)
    %dma_wait3A_1093 = arith.constant 128 : i32
    %dma_wait3A_1094 = tpu.memref_slice %arg5[%mul3A_2, %dma_wait3A_1093] : memref<64000x256xf32, #tpu.memory_space<hbm>> -> memref<80x128xf32, #tpu.memory_space<hbm>>
    %dma_wait3A_1095 = arith.constant 128 : i32
    %dma_wait3A_1096 = tpu.memref_slice %arg5[%mul3A_2, %dma_wait3A_1095] : memref<64000x256xf32, #tpu.memory_space<hbm>> -> memref<80x128xf32, #tpu.memory_space<hbm>>
    tpu.wait_dma2 semaphore(%arg19 : memref<!tpu.dma_semaphore, #tpu.memory_space<semaphore_mem>>) src(%arg10 : memref<80x128xf32, #tpu.memory_space<vmem>>) dst(%dma_wait3A_1096 : memref<80x128xf32, #tpu.memory_space<hbm>>)
    %dma_wait3A_1097 = arith.constant 128 : i32
    %dma_wait3A_1098 = tpu.memref_slice %arg5[%mul3A_2, %dma_wait3A_1097] : memref<64000x256xf32, #tpu.memory_space<hbm>> -> memref<80x128xf32, #tpu.memory_space<hbm>>
    %dma_wait3A_1099 = arith.constant 128 : i32
    %dma_wait3A_1100 = tpu.memref_slice %arg5[%mul3A_2, %dma_wait3A_1099] : memref<64000x256xf32, #tpu.memory_space<hbm>> -> memref<80x128xf32, #tpu.memory_space<hbm>>
    tpu.wait_dma2 semaphore(%arg19 : memref<!tpu.dma_semaphore, #tpu.memory_space<semaphore_mem>>) src(%arg11 : memref<80x128xf32, #tpu.memory_space<vmem>>) dst(%dma_wait3A_1100 : memref<80x128xf32, #tpu.memory_space<hbm>>)
    %dma_start3A_1101 = arith.constant 1600 : i32
    %dma_start3A_1102 = tpu.memref_slice %arg6[%dma_start3A_1101] : memref<2000xi32, #tpu.memory_space<vmem>> -> memref<80xi32, #tpu.memory_space<vmem>>
    %dma_start3A_1103 = arith.constant 0 : i32
    %dma_start3A_1104 = arith.constant 0 : i32
    %dma_start3A_1105 = tpu.memref_slice %arg2[%dma_start3A_1103, %dma_start3A_1104] : memref<10000x128xf32, #tpu.memory_space<hbm>> -> memref<10000x128xf32, #tpu.memory_space<hbm>>
    tpu.enqueue_indirect_dma source(%dma_start3A_1105 : memref<10000x128xf32, #tpu.memory_space<hbm>>) target(%arg7 : memref<80x128xf32, #tpu.memory_space<vmem>>) offsets(%dma_start3A_1102 : memref<80xi32, #tpu.memory_space<vmem>>) semaphore(%arg17 : memref<!tpu.dma_semaphore, #tpu.memory_space<semaphore_mem>>)
    %dma_start3A_1106 = arith.constant 1680 : i32
    %dma_start3A_1107 = tpu.memref_slice %arg6[%dma_start3A_1106] : memref<2000xi32, #tpu.memory_space<vmem>> -> memref<80xi32, #tpu.memory_space<vmem>>
    %dma_start3A_1108 = arith.constant 0 : i32
    %dma_start3A_1109 = arith.constant 0 : i32
    %dma_start3A_1110 = tpu.memref_slice %arg2[%dma_start3A_1108, %dma_start3A_1109] : memref<10000x128xf32, #tpu.memory_space<hbm>> -> memref<10000x128xf32, #tpu.memory_space<hbm>>
    tpu.enqueue_indirect_dma source(%dma_start3A_1110 : memref<10000x128xf32, #tpu.memory_space<hbm>>) target(%arg8 : memref<80x128xf32, #tpu.memory_space<vmem>>) offsets(%dma_start3A_1107 : memref<80xi32, #tpu.memory_space<vmem>>) semaphore(%arg17 : memref<!tpu.dma_semaphore, #tpu.memory_space<semaphore_mem>>)
    %dma_start3A_1111 = arith.constant 1760 : i32
    %dma_start3A_1112 = tpu.memref_slice %arg6[%dma_start3A_1111] : memref<2000xi32, #tpu.memory_space<vmem>> -> memref<80xi32, #tpu.memory_space<vmem>>
    %dma_start3A_1113 = arith.constant 0 : i32
    %dma_start3A_1114 = arith.constant 0 : i32
    %dma_start3A_1115 = tpu.memref_slice %arg2[%dma_start3A_1113, %dma_start3A_1114] : memref<10000x128xf32, #tpu.memory_space<hbm>> -> memref<10000x128xf32, #tpu.memory_space<hbm>>
    tpu.enqueue_indirect_dma source(%dma_start3A_1115 : memref<10000x128xf32, #tpu.memory_space<hbm>>) target(%arg9 : memref<80x128xf32, #tpu.memory_space<vmem>>) offsets(%dma_start3A_1112 : memref<80xi32, #tpu.memory_space<vmem>>) semaphore(%arg17 : memref<!tpu.dma_semaphore, #tpu.memory_space<semaphore_mem>>)
    %dma_start3A_1116 = arith.constant 1840 : i32
    %dma_start3A_1117 = tpu.memref_slice %arg6[%dma_start3A_1116] : memref<2000xi32, #tpu.memory_space<vmem>> -> memref<80xi32, #tpu.memory_space<vmem>>
    %dma_start3A_1118 = arith.constant 0 : i32
    %dma_start3A_1119 = arith.constant 0 : i32
    %dma_start3A_1120 = tpu.memref_slice %arg2[%dma_start3A_1118, %dma_start3A_1119] : memref<10000x128xf32, #tpu.memory_space<hbm>> -> memref<10000x128xf32, #tpu.memory_space<hbm>>
    tpu.enqueue_indirect_dma source(%dma_start3A_1120 : memref<10000x128xf32, #tpu.memory_space<hbm>>) target(%arg10 : memref<80x128xf32, #tpu.memory_space<vmem>>) offsets(%dma_start3A_1117 : memref<80xi32, #tpu.memory_space<vmem>>) semaphore(%arg17 : memref<!tpu.dma_semaphore, #tpu.memory_space<semaphore_mem>>)
    %dma_start3A_1121 = arith.constant 1920 : i32
    %dma_start3A_1122 = tpu.memref_slice %arg6[%dma_start3A_1121] : memref<2000xi32, #tpu.memory_space<vmem>> -> memref<80xi32, #tpu.memory_space<vmem>>
    %dma_start3A_1123 = arith.constant 0 : i32
    %dma_start3A_1124 = arith.constant 0 : i32
    %dma_start3A_1125 = tpu.memref_slice %arg2[%dma_start3A_1123, %dma_start3A_1124] : memref<10000x128xf32, #tpu.memory_space<hbm>> -> memref<10000x128xf32, #tpu.memory_space<hbm>>
    tpu.enqueue_indirect_dma source(%dma_start3A_1125 : memref<10000x128xf32, #tpu.memory_space<hbm>>) target(%arg11 : memref<80x128xf32, #tpu.memory_space<vmem>>) offsets(%dma_start3A_1122 : memref<80xi32, #tpu.memory_space<vmem>>) semaphore(%arg17 : memref<!tpu.dma_semaphore, #tpu.memory_space<semaphore_mem>>)
    %dma_wait3A_1126 = arith.constant 0 : i32
    %dma_wait3A_1127 = arith.constant 0 : i32
    %dma_wait3A_1128 = tpu.memref_slice %arg2[%dma_wait3A_1126, %dma_wait3A_1127] : memref<10000x128xf32, #tpu.memory_space<hbm>> -> memref<80x128xf32, #tpu.memory_space<hbm>>
    %dma_wait3A_1129 = arith.constant 0 : i32
    %dma_wait3A_1130 = arith.constant 0 : i32
    %dma_wait3A_1131 = tpu.memref_slice %arg2[%dma_wait3A_1129, %dma_wait3A_1130] : memref<10000x128xf32, #tpu.memory_space<hbm>> -> memref<80x128xf32, #tpu.memory_space<hbm>>
    tpu.wait_dma2 semaphore(%arg18 : memref<!tpu.dma_semaphore, #tpu.memory_space<semaphore_mem>>) src(%dma_wait3A_1131 : memref<80x128xf32, #tpu.memory_space<hbm>>) dst(%arg12 : memref<80x128xf32, #tpu.memory_space<vmem>>)
    %dma_wait3A_1132 = arith.constant 0 : i32
    %dma_wait3A_1133 = arith.constant 0 : i32
    %dma_wait3A_1134 = tpu.memref_slice %arg2[%dma_wait3A_1132, %dma_wait3A_1133] : memref<10000x128xf32, #tpu.memory_space<hbm>> -> memref<80x128xf32, #tpu.memory_space<hbm>>
    %dma_wait3A_1135 = arith.constant 0 : i32
    %dma_wait3A_1136 = arith.constant 0 : i32
    %dma_wait3A_1137 = tpu.memref_slice %arg2[%dma_wait3A_1135, %dma_wait3A_1136] : memref<10000x128xf32, #tpu.memory_space<hbm>> -> memref<80x128xf32, #tpu.memory_space<hbm>>
    tpu.wait_dma2 semaphore(%arg18 : memref<!tpu.dma_semaphore, #tpu.memory_space<semaphore_mem>>) src(%dma_wait3A_1137 : memref<80x128xf32, #tpu.memory_space<hbm>>) dst(%arg13 : memref<80x128xf32, #tpu.memory_space<vmem>>)
    %dma_wait3A_1138 = arith.constant 0 : i32
    %dma_wait3A_1139 = arith.constant 0 : i32
    %dma_wait3A_1140 = tpu.memref_slice %arg2[%dma_wait3A_1138, %dma_wait3A_1139] : memref<10000x128xf32, #tpu.memory_space<hbm>> -> memref<80x128xf32, #tpu.memory_space<hbm>>
    %dma_wait3A_1141 = arith.constant 0 : i32
    %dma_wait3A_1142 = arith.constant 0 : i32
    %dma_wait3A_1143 = tpu.memref_slice %arg2[%dma_wait3A_1141, %dma_wait3A_1142] : memref<10000x128xf32, #tpu.memory_space<hbm>> -> memref<80x128xf32, #tpu.memory_space<hbm>>
    tpu.wait_dma2 semaphore(%arg18 : memref<!tpu.dma_semaphore, #tpu.memory_space<semaphore_mem>>) src(%dma_wait3A_1143 : memref<80x128xf32, #tpu.memory_space<hbm>>) dst(%arg14 : memref<80x128xf32, #tpu.memory_space<vmem>>)
    %dma_wait3A_1144 = arith.constant 0 : i32
    %dma_wait3A_1145 = arith.constant 0 : i32
    %dma_wait3A_1146 = tpu.memref_slice %arg2[%dma_wait3A_1144, %dma_wait3A_1145] : memref<10000x128xf32, #tpu.memory_space<hbm>> -> memref<80x128xf32, #tpu.memory_space<hbm>>
    %dma_wait3A_1147 = arith.constant 0 : i32
    %dma_wait3A_1148 = arith.constant 0 : i32
    %dma_wait3A_1149 = tpu.memref_slice %arg2[%dma_wait3A_1147, %dma_wait3A_1148] : memref<10000x128xf32, #tpu.memory_space<hbm>> -> memref<80x128xf32, #tpu.memory_space<hbm>>
    tpu.wait_dma2 semaphore(%arg18 : memref<!tpu.dma_semaphore, #tpu.memory_space<semaphore_mem>>) src(%dma_wait3A_1149 : memref<80x128xf32, #tpu.memory_space<hbm>>) dst(%arg15 : memref<80x128xf32, #tpu.memory_space<vmem>>)
    %dma_wait3A_1150 = arith.constant 0 : i32
    %dma_wait3A_1151 = arith.constant 0 : i32
    %dma_wait3A_1152 = tpu.memref_slice %arg2[%dma_wait3A_1150, %dma_wait3A_1151] : memref<10000x128xf32, #tpu.memory_space<hbm>> -> memref<80x128xf32, #tpu.memory_space<hbm>>
    %dma_wait3A_1153 = arith.constant 0 : i32
    %dma_wait3A_1154 = arith.constant 0 : i32
    %dma_wait3A_1155 = tpu.memref_slice %arg2[%dma_wait3A_1153, %dma_wait3A_1154] : memref<10000x128xf32, #tpu.memory_space<hbm>> -> memref<80x128xf32, #tpu.memory_space<hbm>>
    tpu.wait_dma2 semaphore(%arg18 : memref<!tpu.dma_semaphore, #tpu.memory_space<semaphore_mem>>) src(%dma_wait3A_1155 : memref<80x128xf32, #tpu.memory_space<hbm>>) dst(%arg16 : memref<80x128xf32, #tpu.memory_space<vmem>>)
    %add3A_1156 = arith.constant 1200 : i32
    %add3A_1157 = arith.addi %mul3A_2, %add3A_1156 : i32
    %dma_start3A_1158 = arith.constant 128 : i32
    %dma_start3A_1159 = tpu.memref_slice %arg5[%add3A_1157, %dma_start3A_1158] : memref<64000x256xf32, #tpu.memory_space<hbm>> -> memref<80x128xf32, #tpu.memory_space<hbm>>
    %dma_start3A_1160 = arith.constant 128 : i32
    %dma_start3A_1161 = tpu.memref_slice %arg5[%add3A_1157, %dma_start3A_1160] : memref<64000x256xf32, #tpu.memory_space<hbm>> -> memref<80x128xf32, #tpu.memory_space<hbm>>
    tpu.enqueue_dma source(%arg12 : memref<80x128xf32, #tpu.memory_space<vmem>>) target(%dma_start3A_1161 : memref<80x128xf32, #tpu.memory_space<hbm>>) target_semaphore(%arg20 : memref<!tpu.dma_semaphore, #tpu.memory_space<semaphore_mem>>)
    %add3A_1162 = arith.constant 1280 : i32
    %add3A_1163 = arith.addi %mul3A_2, %add3A_1162 : i32
    %dma_start3A_1164 = arith.constant 128 : i32
    %dma_start3A_1165 = tpu.memref_slice %arg5[%add3A_1163, %dma_start3A_1164] : memref<64000x256xf32, #tpu.memory_space<hbm>> -> memref<80x128xf32, #tpu.memory_space<hbm>>
    %dma_start3A_1166 = arith.constant 128 : i32
    %dma_start3A_1167 = tpu.memref_slice %arg5[%add3A_1163, %dma_start3A_1166] : memref<64000x256xf32, #tpu.memory_space<hbm>> -> memref<80x128xf32, #tpu.memory_space<hbm>>
    tpu.enqueue_dma source(%arg13 : memref<80x128xf32, #tpu.memory_space<vmem>>) target(%dma_start3A_1167 : memref<80x128xf32, #tpu.memory_space<hbm>>) target_semaphore(%arg20 : memref<!tpu.dma_semaphore, #tpu.memory_space<semaphore_mem>>)
    %add3A_1168 = arith.constant 1360 : i32
    %add3A_1169 = arith.addi %mul3A_2, %add3A_1168 : i32
    %dma_start3A_1170 = arith.constant 128 : i32
    %dma_start3A_1171 = tpu.memref_slice %arg5[%add3A_1169, %dma_start3A_1170] : memref<64000x256xf32, #tpu.memory_space<hbm>> -> memref<80x128xf32, #tpu.memory_space<hbm>>
    %dma_start3A_1172 = arith.constant 128 : i32
    %dma_start3A_1173 = tpu.memref_slice %arg5[%add3A_1169, %dma_start3A_1172] : memref<64000x256xf32, #tpu.memory_space<hbm>> -> memref<80x128xf32, #tpu.memory_space<hbm>>
    tpu.enqueue_dma source(%arg14 : memref<80x128xf32, #tpu.memory_space<vmem>>) target(%dma_start3A_1173 : memref<80x128xf32, #tpu.memory_space<hbm>>) target_semaphore(%arg20 : memref<!tpu.dma_semaphore, #tpu.memory_space<semaphore_mem>>)
    %add3A_1174 = arith.constant 1440 : i32
    %add3A_1175 = arith.addi %mul3A_2, %add3A_1174 : i32
    %dma_start3A_1176 = arith.constant 128 : i32
    %dma_start3A_1177 = tpu.memref_slice %arg5[%add3A_1175, %dma_start3A_1176] : memref<64000x256xf32, #tpu.memory_space<hbm>> -> memref<80x128xf32, #tpu.memory_space<hbm>>
    %dma_start3A_1178 = arith.constant 128 : i32
    %dma_start3A_1179 = tpu.memref_slice %arg5[%add3A_1175, %dma_start3A_1178] : memref<64000x256xf32, #tpu.memory_space<hbm>> -> memref<80x128xf32, #tpu.memory_space<hbm>>
    tpu.enqueue_dma source(%arg15 : memref<80x128xf32, #tpu.memory_space<vmem>>) target(%dma_start3A_1179 : memref<80x128xf32, #tpu.memory_space<hbm>>) target_semaphore(%arg20 : memref<!tpu.dma_semaphore, #tpu.memory_space<semaphore_mem>>)
    %add3A_1180 = arith.constant 1520 : i32
    %add3A_1181 = arith.addi %mul3A_2, %add3A_1180 : i32
    %dma_start3A_1182 = arith.constant 128 : i32
    %dma_start3A_1183 = tpu.memref_slice %arg5[%add3A_1181, %dma_start3A_1182] : memref<64000x256xf32, #tpu.memory_space<hbm>> -> memref<80x128xf32, #tpu.memory_space<hbm>>
    %dma_start3A_1184 = arith.constant 128 : i32
    %dma_start3A_1185 = tpu.memref_slice %arg5[%add3A_1181, %dma_start3A_1184] : memref<64000x256xf32, #tpu.memory_space<hbm>> -> memref<80x128xf32, #tpu.memory_space<hbm>>
    tpu.enqueue_dma source(%arg16 : memref<80x128xf32, #tpu.memory_space<vmem>>) target(%dma_start3A_1185 : memref<80x128xf32, #tpu.memory_space<hbm>>) target_semaphore(%arg20 : memref<!tpu.dma_semaphore, #tpu.memory_space<semaphore_mem>>)
    %dma_wait3A_1186 = arith.constant 128 : i32
    %dma_wait3A_1187 = tpu.memref_slice %arg5[%mul3A_2, %dma_wait3A_1186] : memref<64000x256xf32, #tpu.memory_space<hbm>> -> memref<80x128xf32, #tpu.memory_space<hbm>>
    %dma_wait3A_1188 = arith.constant 128 : i32
    %dma_wait3A_1189 = tpu.memref_slice %arg5[%mul3A_2, %dma_wait3A_1188] : memref<64000x256xf32, #tpu.memory_space<hbm>> -> memref<80x128xf32, #tpu.memory_space<hbm>>
    tpu.wait_dma2 semaphore(%arg20 : memref<!tpu.dma_semaphore, #tpu.memory_space<semaphore_mem>>) src(%arg12 : memref<80x128xf32, #tpu.memory_space<vmem>>) dst(%dma_wait3A_1189 : memref<80x128xf32, #tpu.memory_space<hbm>>)
    %dma_wait3A_1190 = arith.constant 128 : i32
    %dma_wait3A_1191 = tpu.memref_slice %arg5[%mul3A_2, %dma_wait3A_1190] : memref<64000x256xf32, #tpu.memory_space<hbm>> -> memref<80x128xf32, #tpu.memory_space<hbm>>
    %dma_wait3A_1192 = arith.constant 128 : i32
    %dma_wait3A_1193 = tpu.memref_slice %arg5[%mul3A_2, %dma_wait3A_1192] : memref<64000x256xf32, #tpu.memory_space<hbm>> -> memref<80x128xf32, #tpu.memory_space<hbm>>
    tpu.wait_dma2 semaphore(%arg20 : memref<!tpu.dma_semaphore, #tpu.memory_space<semaphore_mem>>) src(%arg13 : memref<80x128xf32, #tpu.memory_space<vmem>>) dst(%dma_wait3A_1193 : memref<80x128xf32, #tpu.memory_space<hbm>>)
    %dma_wait3A_1194 = arith.constant 128 : i32
    %dma_wait3A_1195 = tpu.memref_slice %arg5[%mul3A_2, %dma_wait3A_1194] : memref<64000x256xf32, #tpu.memory_space<hbm>> -> memref<80x128xf32, #tpu.memory_space<hbm>>
    %dma_wait3A_1196 = arith.constant 128 : i32
    %dma_wait3A_1197 = tpu.memref_slice %arg5[%mul3A_2, %dma_wait3A_1196] : memref<64000x256xf32, #tpu.memory_space<hbm>> -> memref<80x128xf32, #tpu.memory_space<hbm>>
    tpu.wait_dma2 semaphore(%arg20 : memref<!tpu.dma_semaphore, #tpu.memory_space<semaphore_mem>>) src(%arg14 : memref<80x128xf32, #tpu.memory_space<vmem>>) dst(%dma_wait3A_1197 : memref<80x128xf32, #tpu.memory_space<hbm>>)
    %dma_wait3A_1198 = arith.constant 128 : i32
    %dma_wait3A_1199 = tpu.memref_slice %arg5[%mul3A_2, %dma_wait3A_1198] : memref<64000x256xf32, #tpu.memory_space<hbm>> -> memref<80x128xf32, #tpu.memory_space<hbm>>
    %dma_wait3A_1200 = arith.constant 128 : i32
    %dma_wait3A_1201 = tpu.memref_slice %arg5[%mul3A_2, %dma_wait3A_1200] : memref<64000x256xf32, #tpu.memory_space<hbm>> -> memref<80x128xf32, #tpu.memory_space<hbm>>
    tpu.wait_dma2 semaphore(%arg20 : memref<!tpu.dma_semaphore, #tpu.memory_space<semaphore_mem>>) src(%arg15 : memref<80x128xf32, #tpu.memory_space<vmem>>) dst(%dma_wait3A_1201 : memref<80x128xf32, #tpu.memory_space<hbm>>)
    %dma_wait3A_1202 = arith.constant 128 : i32
    %dma_wait3A_1203 = tpu.memref_slice %arg5[%mul3A_2, %dma_wait3A_1202] : memref<64000x256xf32, #tpu.memory_space<hbm>> -> memref<80x128xf32, #tpu.memory_space<hbm>>
    %dma_wait3A_1204 = arith.constant 128 : i32
    %dma_wait3A_1205 = tpu.memref_slice %arg5[%mul3A_2, %dma_wait3A_1204] : memref<64000x256xf32, #tpu.memory_space<hbm>> -> memref<80x128xf32, #tpu.memory_space<hbm>>
    tpu.wait_dma2 semaphore(%arg20 : memref<!tpu.dma_semaphore, #tpu.memory_space<semaphore_mem>>) src(%arg16 : memref<80x128xf32, #tpu.memory_space<vmem>>) dst(%dma_wait3A_1205 : memref<80x128xf32, #tpu.memory_space<hbm>>)
    %dma_wait3A_1206 = arith.constant 0 : i32
    %dma_wait3A_1207 = arith.constant 0 : i32
    %dma_wait3A_1208 = tpu.memref_slice %arg2[%dma_wait3A_1206, %dma_wait3A_1207] : memref<10000x128xf32, #tpu.memory_space<hbm>> -> memref<80x128xf32, #tpu.memory_space<hbm>>
    %dma_wait3A_1209 = arith.constant 0 : i32
    %dma_wait3A_1210 = arith.constant 0 : i32
    %dma_wait3A_1211 = tpu.memref_slice %arg2[%dma_wait3A_1209, %dma_wait3A_1210] : memref<10000x128xf32, #tpu.memory_space<hbm>> -> memref<80x128xf32, #tpu.memory_space<hbm>>
    tpu.wait_dma2 semaphore(%arg17 : memref<!tpu.dma_semaphore, #tpu.memory_space<semaphore_mem>>) src(%dma_wait3A_1211 : memref<80x128xf32, #tpu.memory_space<hbm>>) dst(%arg7 : memref<80x128xf32, #tpu.memory_space<vmem>>)
    %dma_wait3A_1212 = arith.constant 0 : i32
    %dma_wait3A_1213 = arith.constant 0 : i32
    %dma_wait3A_1214 = tpu.memref_slice %arg2[%dma_wait3A_1212, %dma_wait3A_1213] : memref<10000x128xf32, #tpu.memory_space<hbm>> -> memref<80x128xf32, #tpu.memory_space<hbm>>
    %dma_wait3A_1215 = arith.constant 0 : i32
    %dma_wait3A_1216 = arith.constant 0 : i32
    %dma_wait3A_1217 = tpu.memref_slice %arg2[%dma_wait3A_1215, %dma_wait3A_1216] : memref<10000x128xf32, #tpu.memory_space<hbm>> -> memref<80x128xf32, #tpu.memory_space<hbm>>
    tpu.wait_dma2 semaphore(%arg17 : memref<!tpu.dma_semaphore, #tpu.memory_space<semaphore_mem>>) src(%dma_wait3A_1217 : memref<80x128xf32, #tpu.memory_space<hbm>>) dst(%arg8 : memref<80x128xf32, #tpu.memory_space<vmem>>)
    %dma_wait3A_1218 = arith.constant 0 : i32
    %dma_wait3A_1219 = arith.constant 0 : i32
    %dma_wait3A_1220 = tpu.memref_slice %arg2[%dma_wait3A_1218, %dma_wait3A_1219] : memref<10000x128xf32, #tpu.memory_space<hbm>> -> memref<80x128xf32, #tpu.memory_space<hbm>>
    %dma_wait3A_1221 = arith.constant 0 : i32
    %dma_wait3A_1222 = arith.constant 0 : i32
    %dma_wait3A_1223 = tpu.memref_slice %arg2[%dma_wait3A_1221, %dma_wait3A_1222] : memref<10000x128xf32, #tpu.memory_space<hbm>> -> memref<80x128xf32, #tpu.memory_space<hbm>>
    tpu.wait_dma2 semaphore(%arg17 : memref<!tpu.dma_semaphore, #tpu.memory_space<semaphore_mem>>) src(%dma_wait3A_1223 : memref<80x128xf32, #tpu.memory_space<hbm>>) dst(%arg9 : memref<80x128xf32, #tpu.memory_space<vmem>>)
    %dma_wait3A_1224 = arith.constant 0 : i32
    %dma_wait3A_1225 = arith.constant 0 : i32
    %dma_wait3A_1226 = tpu.memref_slice %arg2[%dma_wait3A_1224, %dma_wait3A_1225] : memref<10000x128xf32, #tpu.memory_space<hbm>> -> memref<80x128xf32, #tpu.memory_space<hbm>>
    %dma_wait3A_1227 = arith.constant 0 : i32
    %dma_wait3A_1228 = arith.constant 0 : i32
    %dma_wait3A_1229 = tpu.memref_slice %arg2[%dma_wait3A_1227, %dma_wait3A_1228] : memref<10000x128xf32, #tpu.memory_space<hbm>> -> memref<80x128xf32, #tpu.memory_space<hbm>>
    tpu.wait_dma2 semaphore(%arg17 : memref<!tpu.dma_semaphore, #tpu.memory_space<semaphore_mem>>) src(%dma_wait3A_1229 : memref<80x128xf32, #tpu.memory_space<hbm>>) dst(%arg10 : memref<80x128xf32, #tpu.memory_space<vmem>>)
    %dma_wait3A_1230 = arith.constant 0 : i32
    %dma_wait3A_1231 = arith.constant 0 : i32
    %dma_wait3A_1232 = tpu.memref_slice %arg2[%dma_wait3A_1230, %dma_wait3A_1231] : memref<10000x128xf32, #tpu.memory_space<hbm>> -> memref<80x128xf32, #tpu.memory_space<hbm>>
    %dma_wait3A_1233 = arith.constant 0 : i32
    %dma_wait3A_1234 = arith.constant 0 : i32
    %dma_wait3A_1235 = tpu.memref_slice %arg2[%dma_wait3A_1233, %dma_wait3A_1234] : memref<10000x128xf32, #tpu.memory_space<hbm>> -> memref<80x128xf32, #tpu.memory_space<hbm>>
    tpu.wait_dma2 semaphore(%arg17 : memref<!tpu.dma_semaphore, #tpu.memory_space<semaphore_mem>>) src(%dma_wait3A_1235 : memref<80x128xf32, #tpu.memory_space<hbm>>) dst(%arg11 : memref<80x128xf32, #tpu.memory_space<vmem>>)
    %add3A_1236 = arith.constant 1600 : i32
    %add3A_1237 = arith.addi %mul3A_2, %add3A_1236 : i32
    %dma_start3A_1238 = arith.constant 128 : i32
    %dma_start3A_1239 = tpu.memref_slice %arg5[%add3A_1237, %dma_start3A_1238] : memref<64000x256xf32, #tpu.memory_space<hbm>> -> memref<80x128xf32, #tpu.memory_space<hbm>>
    %dma_start3A_1240 = arith.constant 128 : i32
    %dma_start3A_1241 = tpu.memref_slice %arg5[%add3A_1237, %dma_start3A_1240] : memref<64000x256xf32, #tpu.memory_space<hbm>> -> memref<80x128xf32, #tpu.memory_space<hbm>>
    tpu.enqueue_dma source(%arg7 : memref<80x128xf32, #tpu.memory_space<vmem>>) target(%dma_start3A_1241 : memref<80x128xf32, #tpu.memory_space<hbm>>) target_semaphore(%arg19 : memref<!tpu.dma_semaphore, #tpu.memory_space<semaphore_mem>>)
    %add3A_1242 = arith.constant 1680 : i32
    %add3A_1243 = arith.addi %mul3A_2, %add3A_1242 : i32
    %dma_start3A_1244 = arith.constant 128 : i32
    %dma_start3A_1245 = tpu.memref_slice %arg5[%add3A_1243, %dma_start3A_1244] : memref<64000x256xf32, #tpu.memory_space<hbm>> -> memref<80x128xf32, #tpu.memory_space<hbm>>
    %dma_start3A_1246 = arith.constant 128 : i32
    %dma_start3A_1247 = tpu.memref_slice %arg5[%add3A_1243, %dma_start3A_1246] : memref<64000x256xf32, #tpu.memory_space<hbm>> -> memref<80x128xf32, #tpu.memory_space<hbm>>
    tpu.enqueue_dma source(%arg8 : memref<80x128xf32, #tpu.memory_space<vmem>>) target(%dma_start3A_1247 : memref<80x128xf32, #tpu.memory_space<hbm>>) target_semaphore(%arg19 : memref<!tpu.dma_semaphore, #tpu.memory_space<semaphore_mem>>)
    %add3A_1248 = arith.constant 1760 : i32
    %add3A_1249 = arith.addi %mul3A_2, %add3A_1248 : i32
    %dma_start3A_1250 = arith.constant 128 : i32
    %dma_start3A_1251 = tpu.memref_slice %arg5[%add3A_1249, %dma_start3A_1250] : memref<64000x256xf32, #tpu.memory_space<hbm>> -> memref<80x128xf32, #tpu.memory_space<hbm>>
    %dma_start3A_1252 = arith.constant 128 : i32
    %dma_start3A_1253 = tpu.memref_slice %arg5[%add3A_1249, %dma_start3A_1252] : memref<64000x256xf32, #tpu.memory_space<hbm>> -> memref<80x128xf32, #tpu.memory_space<hbm>>
    tpu.enqueue_dma source(%arg9 : memref<80x128xf32, #tpu.memory_space<vmem>>) target(%dma_start3A_1253 : memref<80x128xf32, #tpu.memory_space<hbm>>) target_semaphore(%arg19 : memref<!tpu.dma_semaphore, #tpu.memory_space<semaphore_mem>>)
    %add3A_1254 = arith.constant 1840 : i32
    %add3A_1255 = arith.addi %mul3A_2, %add3A_1254 : i32
    %dma_start3A_1256 = arith.constant 128 : i32
    %dma_start3A_1257 = tpu.memref_slice %arg5[%add3A_1255, %dma_start3A_1256] : memref<64000x256xf32, #tpu.memory_space<hbm>> -> memref<80x128xf32, #tpu.memory_space<hbm>>
    %dma_start3A_1258 = arith.constant 128 : i32
    %dma_start3A_1259 = tpu.memref_slice %arg5[%add3A_1255, %dma_start3A_1258] : memref<64000x256xf32, #tpu.memory_space<hbm>> -> memref<80x128xf32, #tpu.memory_space<hbm>>
    tpu.enqueue_dma source(%arg10 : memref<80x128xf32, #tpu.memory_space<vmem>>) target(%dma_start3A_1259 : memref<80x128xf32, #tpu.memory_space<hbm>>) target_semaphore(%arg19 : memref<!tpu.dma_semaphore, #tpu.memory_space<semaphore_mem>>)
    %add3A_1260 = arith.constant 1920 : i32
    %add3A_1261 = arith.addi %mul3A_2, %add3A_1260 : i32
    %dma_start3A_1262 = arith.constant 128 : i32
    %dma_start3A_1263 = tpu.memref_slice %arg5[%add3A_1261, %dma_start3A_1262] : memref<64000x256xf32, #tpu.memory_space<hbm>> -> memref<80x128xf32, #tpu.memory_space<hbm>>
    %dma_start3A_1264 = arith.constant 128 : i32
    %dma_start3A_1265 = tpu.memref_slice %arg5[%add3A_1261, %dma_start3A_1264] : memref<64000x256xf32, #tpu.memory_space<hbm>> -> memref<80x128xf32, #tpu.memory_space<hbm>>
    tpu.enqueue_dma source(%arg11 : memref<80x128xf32, #tpu.memory_space<vmem>>) target(%dma_start3A_1265 : memref<80x128xf32, #tpu.memory_space<hbm>>) target_semaphore(%arg19 : memref<!tpu.dma_semaphore, #tpu.memory_space<semaphore_mem>>)
    %dma_wait3A_1266 = arith.constant 128 : i32
    %dma_wait3A_1267 = tpu.memref_slice %arg5[%mul3A_2, %dma_wait3A_1266] : memref<64000x256xf32, #tpu.memory_space<hbm>> -> memref<80x128xf32, #tpu.memory_space<hbm>>
    %dma_wait3A_1268 = arith.constant 128 : i32
    %dma_wait3A_1269 = tpu.memref_slice %arg5[%mul3A_2, %dma_wait3A_1268] : memref<64000x256xf32, #tpu.memory_space<hbm>> -> memref<80x128xf32, #tpu.memory_space<hbm>>
    tpu.wait_dma2 semaphore(%arg19 : memref<!tpu.dma_semaphore, #tpu.memory_space<semaphore_mem>>) src(%arg7 : memref<80x128xf32, #tpu.memory_space<vmem>>) dst(%dma_wait3A_1269 : memref<80x128xf32, #tpu.memory_space<hbm>>)
    %dma_wait3A_1270 = arith.constant 128 : i32
    %dma_wait3A_1271 = tpu.memref_slice %arg5[%mul3A_2, %dma_wait3A_1270] : memref<64000x256xf32, #tpu.memory_space<hbm>> -> memref<80x128xf32, #tpu.memory_space<hbm>>
    %dma_wait3A_1272 = arith.constant 128 : i32
    %dma_wait3A_1273 = tpu.memref_slice %arg5[%mul3A_2, %dma_wait3A_1272] : memref<64000x256xf32, #tpu.memory_space<hbm>> -> memref<80x128xf32, #tpu.memory_space<hbm>>
    tpu.wait_dma2 semaphore(%arg19 : memref<!tpu.dma_semaphore, #tpu.memory_space<semaphore_mem>>) src(%arg8 : memref<80x128xf32, #tpu.memory_space<vmem>>) dst(%dma_wait3A_1273 : memref<80x128xf32, #tpu.memory_space<hbm>>)
    %dma_wait3A_1274 = arith.constant 128 : i32
    %dma_wait3A_1275 = tpu.memref_slice %arg5[%mul3A_2, %dma_wait3A_1274] : memref<64000x256xf32, #tpu.memory_space<hbm>> -> memref<80x128xf32, #tpu.memory_space<hbm>>
    %dma_wait3A_1276 = arith.constant 128 : i32
    %dma_wait3A_1277 = tpu.memref_slice %arg5[%mul3A_2, %dma_wait3A_1276] : memref<64000x256xf32, #tpu.memory_space<hbm>> -> memref<80x128xf32, #tpu.memory_space<hbm>>
    tpu.wait_dma2 semaphore(%arg19 : memref<!tpu.dma_semaphore, #tpu.memory_space<semaphore_mem>>) src(%arg9 : memref<80x128xf32, #tpu.memory_space<vmem>>) dst(%dma_wait3A_1277 : memref<80x128xf32, #tpu.memory_space<hbm>>)
    %dma_wait3A_1278 = arith.constant 128 : i32
    %dma_wait3A_1279 = tpu.memref_slice %arg5[%mul3A_2, %dma_wait3A_1278] : memref<64000x256xf32, #tpu.memory_space<hbm>> -> memref<80x128xf32, #tpu.memory_space<hbm>>
    %dma_wait3A_1280 = arith.constant 128 : i32
    %dma_wait3A_1281 = tpu.memref_slice %arg5[%mul3A_2, %dma_wait3A_1280] : memref<64000x256xf32, #tpu.memory_space<hbm>> -> memref<80x128xf32, #tpu.memory_space<hbm>>
    tpu.wait_dma2 semaphore(%arg19 : memref<!tpu.dma_semaphore, #tpu.memory_space<semaphore_mem>>) src(%arg10 : memref<80x128xf32, #tpu.memory_space<vmem>>) dst(%dma_wait3A_1281 : memref<80x128xf32, #tpu.memory_space<hbm>>)
    %dma_wait3A_1282 = arith.constant 128 : i32
    %dma_wait3A_1283 = tpu.memref_slice %arg5[%mul3A_2, %dma_wait3A_1282] : memref<64000x256xf32, #tpu.memory_space<hbm>> -> memref<80x128xf32, #tpu.memory_space<hbm>>
    %dma_wait3A_1284 = arith.constant 128 : i32
    %dma_wait3A_1285 = tpu.memref_slice %arg5[%mul3A_2, %dma_wait3A_1284] : memref<64000x256xf32, #tpu.memory_space<hbm>> -> memref<80x128xf32, #tpu.memory_space<hbm>>
    tpu.wait_dma2 semaphore(%arg19 : memref<!tpu.dma_semaphore, #tpu.memory_space<semaphore_mem>>) src(%arg11 : memref<80x128xf32, #tpu.memory_space<vmem>>) dst(%dma_wait3A_1285 : memref<80x128xf32, #tpu.memory_space<hbm>>)
    return
  }
}

</mosaic_0001>

<sc_bundles>
// kernel: _sc_gather.3.cloned.1.call-start
scs
__scs_entry_jumppad:
0x0: {  	(pc) =	sbr.rel $0x88, $3  }
0x1: {  	(tag) =	ssettag $0x0;
	lr =	simm.s32 $0x1  }
0x2: {  	[smem:$0x3F9E] =	sst lr;
	_ =	strace $0xD0000000  }
0x3: {  	_ = 	snop  }
0x4: {  	_ = 	snop  }
0x5: {  	_ = 	snop  }
0x6: {  	_ = 	snop  }
0x7: {  	_ = 	snop  }
__scs_overlays_trampoline_lowered:
0x8: {  	[smem:$0x3FAD] =	sst s0  }
0x9: {  	[smem:$0x3FAE] =	sst s1  }
0xa: {  	[smem:$0x3FAF] =	sst s2  }
0xb: {  	[smem:$0x3FB0] =	sst s3  }
0xc: {  	[smem:$0x3FB1] =	sst s4  }
0xd: {  	[smem:$0x3FB2] =	sst s5  }
0xe: {  	[smem:$0x3FB3] =	sst s6  }
0xf: {  	[smem:$0x3FB4] =	sst s7  }
0x10: {  	[smem:$0x3FB5] =	sst s8  }
0x11: {  	[smem:$0x3FB6] =	sst s9;
	s0 =	simm.s32 @!p0 $0x0  }
0x12: {  	s1 =	sld [smem:$0x3F9C];
	s0 =	simm.s32 @p0 $0x1  }
0x13: {  	[smem:$0x3FB7] =	sst s0;
	s0 =	simm.s32 @!p1 $0x0  }
0x14: {  	s2 =	sld [smem:$0x3F9B];
	s0 =	simm.s32 @p1 $0x1  }
0x15: {  	[smem:$0x3FB8] =	sst s0;
	s0 =	simm.s32 @!p2 $0x0  }
0x16: {  	s3 =	sld [smem:$0x3FDB];
	s0 =	simm.s32 @p2 $0x1  }
0x17: {  	s4 =	simm.s32 $0x1BF5;
	[smem:$0x3FBA] =	sst s0  }
0x18: {  	s0 =	sld [smem:$0x3F9D];
	_ =	swait.ge [sflag:s4], $0x0  }
0x19: {  	s7 =	sld [smem:$0x3F9E]  }
0x1a: {  	s8 =	sadd.s32 $0xFFFFE003, lr  }
0x1b: {  	s9 =	sadd.s32 $0xFFFFFEF7, lr;
	s5 =	simm.s32 $0xFFFFFFFF;
	p2 =	slt.u32 s8, $0xFFFFF086  }
0x1c: {  	p1 =	slt.u32 s9, $0xF7A;
	s5 =	simm.s32 @!p2 $0x0  }
0x1d: {  	s5 =	simm.s32 @p1 $0x1;
	p0 =	seq.s32 s7, s2  }
0x1e: {  	s7 =	smul.u32 @!p0 $0xF7A, s2;
	p2 =	seq.s32 @!p0 s5, $0x0  }
0x1f: {  	s9 =	smul.u32 $0xF7A, s1;
	s8 =	simm.s32 @!p0 $0x1BF5;
	p2 =	por !p2, p0  }
0x20: {  	[sflag:s8] =	ssyncset.s32 @!p0 $0xFFFFF086;
	s6 =	sadd.s32 @!p0 s3, s7;
	s7 =	simm.s32 @!p0 $0x108  }
0x21: {  	s3 =	sadd.s32 s3, s9;
	s6 =	sadd.s32 @!p0 $0x88, s6;
	s7 =	simm.s32 @p2 $0x1082  }
0x22: {  	[simem:s7], [sflag:s8] =	dma.local @!p0 [hbm:s6], $0xF7A  }
0x23: {  	s9 =	sor.u32 $0xD0000000, s2;
	s6 =	simm.s32 $0x108;
	_ =	swait.ge @!p0 [sflag:s8], $0x0  }
0x24: {  	s3 =	sadd.s32 $0x88, s3;
	s6 =	simm.s32 @!p1 $0x1082;
	[sflag:s4] =	ssyncset.s32 $0xFFFFF086  }
0x25: {  	[simem:s6], [sflag:s4] =	dma.local [hbm:s3], $0xF7A  }
0x26: {  	[smem:$0x3F9E] =	sst s1;
	(tag) =	ssettag s2;
	_ =	strace s9  }
0x27: {  	s1 =	sld [smem:$0x3FAE]  }
0x28: {  	s2 =	sld [smem:$0x3FAF]  }
0x29: {  	s4 =	sld [smem:$0x3FB1]  }
0x2a: {  	p0 =	seq.s32 s5, $0x0;
	s5 =	sld [smem:$0x3FB2]  }
0x2b: {  	s6 =	sld [smem:$0x3FB3]  }
0x2c: {  	s7 =	sld [smem:$0x3FB4]  }
0x2d: {  	s3 =	simm.s32 $0x108;
	s8 =	sld [smem:$0x3FB5]  }
0x2e: {  	s3 =	simm.s32 @!p0 $0x1082;
	s9 =	sld [smem:$0x3FB6]  }
0x2f: {  	lr =	sadd.s32 s0, s3;
	s0 =	sld [smem:$0x3FAD]  }
0x30: {  	s3 =	sld [smem:$0x3FB0]  }
0x31: {  	[smem:$0x3FB9] =	sst s10  }
0x32: {  	s10 =	sld [smem:$0x3FB7];
	_ =	sdelay $0x3  }
0x33: {  	p0 =	seq.s32 s10, $0x1;
	s10 =	sld [smem:$0x3FB9];
	_ =	sdelay $0x3  }
0x34: {  	[smem:$0x3FB9] =	sst s10  }
0x35: {  	s10 =	sld [smem:$0x3FB8];
	_ =	sdelay $0x3  }
0x36: {  	p1 =	seq.s32 s10, $0x1;
	s10 =	sld [smem:$0x3FB9];
	_ =	sdelay $0x3  }
0x37: {  	[smem:$0x3FB9] =	sst s10  }
0x38: {  	s10 =	sld [smem:$0x3FBA]  }
0x39: {  	_ = 	snop;
	(pc) =	sbr.ind lr, $3  }
0x3a: {  	_ = 	snop  }
0x3b: {  	_ = 	snop  }
0x3c: {  	p2 =	seq.s32 s10, $0x1;
	s10 =	sld [smem:$0x3FB9]  }
0x3d: {  	_ =	shalt  }
0x3e: {  	_ =	shalt  }
0x3f: {  	_ =	shalt  }
0x40: {  	_ =	shalt  }
0x41: {  	_ =	shalt  }
0x42: {  	_ =	shalt  }
0x43: {  	_ =	shalt  }
0x44: {  	_ =	shalt  }
0x45: {  	_ =	shalt  }
0x46: {  	_ =	shalt  }
0x47: {  	_ =	shalt  }
0x48: {  	_ =	shalt  }
0x49: {  	_ =	shalt  }
0x4a: {  	_ =	shalt  }
0x4b: {  	_ =	shalt  }
0x4c: {  	_ =	shalt  }
0x4d: {  	_ =	shalt  }
0x4e: {  	_ =	shalt  }
0x4f: {  	_ =	shalt  }
0x50: {  	_ =	shalt  }
0x51: {  	_ =	shalt  }
0x52: {  	_ =	shalt  }
0x53: {  	_ =	shalt  }
0x54: {  	_ =	shalt  }
0x55: {  	_ =	shalt  }
0x56: {  	_ =	shalt  }
0x57: {  	_ =	shalt  }
0x58: {  	_ =	shalt  }
0x59: {  	_ =	shalt  }
0x5a: {  	_ =	shalt  }
0x5b: {  	_ =	shalt  }
0x5c: {  	_ =	shalt  }
0x5d: {  	_ =	shalt  }
0x5e: {  	_ =	shalt  }
0x5f: {  	_ =	shalt  }
0x60: {  	_ =	shalt  }
0x61: {  	_ =	shalt  }
0x62: {  	_ =	shalt  }
0x63: {  	_ =	shalt  }
0x64: {  	_ =	shalt  }
0x65: {  	_ =	shalt  }
0x66: {  	_ =	shalt  }
0x67: {  	_ =	shalt  }
0x68: {  	_ =	shalt  }
0x69: {  	_ =	shalt  }
0x6a: {  	_ =	shalt  }
0x6b: {  	_ =	shalt  }
0x6c: {  	_ =	shalt  }
0x6d: {  	_ =	shalt  }
0x6e: {  	_ =	shalt  }
0x6f: {  	_ =	shalt  }
0x70: {  	_ =	shalt  }
0x71: {  	_ =	shalt  }
0x72: {  	_ =	shalt  }
0x73: {  	_ =	shalt  }
0x74: {  	_ =	shalt  }
0x75: {  	_ =	shalt  }
0x76: {  	_ =	shalt  }
0x77: {  	_ =	shalt  }
0x78: {  	_ =	shalt  }
0x79: {  	_ =	shalt  }
0x7a: {  	_ =	shalt  }
0x7b: {  	_ =	shalt  }
0x7c: {  	_ =	shalt  }
0x7d: {  	_ =	shalt  }
0x7e: {  	_ =	shalt  }
0x7f: {  	_ =	shalt  }
0x80: {  	_ =	shalt  }
0x81: {  	_ =	shalt  }
0x82: {  	_ =	shalt  }
0x83: {  	_ =	shalt  }
0x84: {  	_ =	shalt  }
0x85: {  	_ =	shalt  }
0x86: {  	_ =	shalt  }
0x87: {  	_ =	shalt  }
.Lfunc_end0:
.L_simem_size_0:
called_computation_lowered:
.L_overlay_start_0:
0x88: {  	s2 =	sld [smem:$0x3FD9]  }
0x89: {  	s3 =	sld [smem:$0x3FFE];
	_ =	sdelay $0x1  }
0x8a: {  	s1 =	srdreg.scid  }
0x8b: {  	s0 =	sand.u32 $0x1, s1  }
0x8c: {  	s18 =	sshll.u32 s0, $0xA;
	s2 =	sadd.s32 s3, s2  }
0x8d: {  	s2 =	sadd.s32 s2, s18  }
0x8e: {  	[smem:$0x3FC5] =	sst s2  }
0x8f: {  	_ = 	snop  }
0x90: {  	s2 =	sld [smem:$0x3FC9]  }
0x91: {  	s19 =	sld [smem:$0x3FC8]  }
0x92: {  	s4 =	sld [smem:$0x3FC7]  }
0x93: {  	s5 =	sld [smem:$0x3FD0];
	(tm) =	ssettm $0x1  }
0x94: {  	s6 =	sld [smem:$0x3FFB];
	_ =	sdelay $0x3  }
0x95: {  	_ =	strace s6  }
0x96: {  	s6 =	sld [smem:$0x3FFC];
	_ =	sdelay $0x3  }
0x97: {  	_ =	strace s6  }
0x98: {  	s6 =	sld [smem:$0x3FFD];
	_ =	sdelay $0x3  }
0x99: {  	_ =	strace s6  }
0x9a: {  	_ =	strace $0x8FFFFFFF  }
0x9b: {  	s20 =	sld [smem:$0x3FDB];
	_ =	sdelay $0x1  }
0x9c: {  	s7 =	simm.s32 $_scs_section_size  }
0x9d: {  	s8 =	simm.s32 $_size__tile_overlayer_lowered;
	s9 =	simm.s32 $_tile_overlayer_lowered  }
0x9e: {  	s23 =	simm.s32 $0x1BFF;
	s22 =	sshll.u32 s9, $0x1;
	s6 =	sadd.s32 s7, s20  }
0x9f: {  	s10 =	simm.s32 $0x0;
	s21 =	sshll.u32 s8, $0x1;
	s8 =	sadd.s32 s22, s6  }
0xa0: {  	[timem:s10], [sflag:s23] =	dma.local [hbm:s8], s21  }
0xa1: {  	_ =	swait.ge [sflag:s23], s21  }
0xa2: {  	s7 =	ssub.s32 $0x0, s21;
	[sflag:s23] =	ssyncset.done $0x0  }
0xa3: {  	[sflag:s23] =	ssyncadd.s32 s7;
	_ =	sdelay $0x1  }
0xa4: {  	s24 =	simm.s32 $0x1B8B  }
0xa5: {  	_ =	swait.ge [sflag:s24], $0x1  }
0xa6: {  	[sflag:s24] =	ssyncset.done $0x0  }
0xa7: {  	s25 =	simm.s32 $0x1B8E;
	[sflag:s24] =	ssyncadd.s32 $0xFFFFFFFF  }
0xa8: {  	s26 =	simm.s32 $execute0_lowered;
	[smem:$0x3FD2] =	sst s25  }
0xa9: {  	s7 =	sshll.u32 s26, $0x1;
	_ =	strace $0x80000046;
	[dreg:$0x1] =	wrdreg $0xFFFFFFFF  }
0xaa: {  	s28 =	simm.s32 $_size_execute0_lowered;
	s6 =	sadd.s32 s6, s7;
	[dreg:$0x0] =	wrdreg $0x0  }
0xab: {  	s7 =	sshll.u32 s28, $0x1;
	[dreg:$0x2] =	wrdreg s6  }
0xac: {  	[dreg:$0x3] =	wrdreg s7  }
0xad: {  	[dreg:$0x4] =	wrdreg $0xC0  }
0xae: {  	_ =	task [dreg:s10], $0x5FFFF  }
0xaf: {  	[dreg:$0x1] =	wrdreg $0xFFFFFFFF  }
0xb0: {  	[dreg:$0x0] =	wrdreg $0x60  }
0xb1: {  	[dreg:$0x2] =	wrdreg s2  }
0xb2: {  	[dreg:$0x3] =	wrdreg s19  }
0xb3: {  	[dreg:$0x4] =	wrdreg s4  }
0xb4: {  	[dreg:$0x5] =	wrdreg s5  }
0xb5: {  	[dreg:$0x6] =	wrdreg $0x9  }
0xb6: {  	_ =	task.clear_ibuf [dreg:s10], $0x7FFFF;
	_ =	strace $0x90000046  }
0xb7: {  	s29 =	simm.s32 $0x9;
	_ =	strace $0x80000048  }
0xb8: {  	_ =	swait.ge [sflag:s29], $0x1  }
0xb9: {  	[sflag:s29] =	ssyncadd.s32 $0xFFFFFFFF  }
0xba: {  	_ =	strace $0x90000048  }
0xbb: {  	_ =	sfence  }
0xbc: {  	s30 =	sld [smem:$0x0];
	_ =	sdelay $0x2  }
0xbd: {  	s31 =	sshll.u32 s1, $0xD;
	s1 =	sshrl.u32 s1, $0x2  }
0xbe: {  	s3 =	sand.u32 $0x4000, s31;
	s1 =	sadd.s32 s1, s30  }
0xbf: {  	s0 =	sor.u32 s3, s0;
	s1 =	sshll.u32 s1, $0x11  }
0xc0: {  	s0 =	sor.u32 s1, s0  }
0xc1: {  	s0 =	sadd.s32 $0x8F2B, s0  }
0xc2: {  	[sflag:s0] =	ssyncadd.remote.s32 $0x1  }
0xc3: {  	_ =	sfence.sel $0xFFFF  }
0xc4: {  	[dreg:$0x0] =	wrdreg $0xFFFFFFFF;
	(pc) =	sbr.abs _section_cstart, $3  }
0xc5: {  	[dreg:$0x1] =	wrdreg $0xFFFFFFFF  }
0xc6: {  	_ =	task.clear_ibuf [dreg:s10], $0x2FFFF;
	_ =	strace $0x9FFFFFFF  }
0xc7: {  	(tm) =	ssettm $0x7FFFFFFF  }
tec
execute0_lowered:
.L_overlay_start_1:
0x0: {  	(tag) =	ssettag $0x1  }
0x1: {  	s0 =	srdreg.scid;
	s28 =	stileid.u32  }
0x2: {  	s2 =	rddreg [dreg:$0x0];
	s0 =	sand.u32 $0x1, s0;
	s3 =	sshll.u32 s28, $0x1  }
0x3: {  	s1 =	rddreg [dreg:$0x1];
	s3 =	sor.u32 s0, s3  }
0x4: {  	s4 =	rddreg [dreg:$0x2];
	s6 =	smul.u32 $0x7D000, s3  }
0x5: {  	s5 =	rddreg [dreg:$0x3];
	s19 =	simm.s32 $0x0;
	s3 =	smul.u32 $0xFA, s3  }
0x6: {  	[smem:$0x7FF] =	sst s19  }
0x7: {  	_ =	strace $0x80000047;
	s6 =	sshrl.u32 s6, $0x3;
	s7 =	sadd.s32 s1, s3  }
0x8: {  	s3 =	sadd.s32 s4, s3;
	s29 =	sadd.s32 s5, s6;
	[dreg:$0x5] =	wrdreg s7  }
0x9: {  	[dreg:$0x1e] =	wrdreg s3;
	s5 =	sadd.s32 $0xA00, s29  }
0xa: {  	s22 =	sadd.s32 $0x1400, s29;
	[dreg:$0x6] =	wrdreg s5  }
0xb: {  	s23 =	sadd.s32 $0x1E00, s29;
	[dreg:$0x7] =	wrdreg s22  }
0xc: {  	s24 =	sadd.s32 $0x2800, s29;
	[dreg:$0x8] =	wrdreg s23  }
0xd: {  	s25 =	sadd.s32 $0x3200, s29;
	[dreg:$0x9] =	wrdreg s24  }
0xe: {  	s26 =	sadd.s32 $0x3C00, s29;
	[dreg:$0xa] =	wrdreg s25  }
0xf: {  	s1 =	sadd.s32 $0x4600, s29;
	[dreg:$0xb] =	wrdreg s26  }
0x10: {  	s6 =	sadd.s32 $0x5000, s29;
	[dreg:$0xc] =	wrdreg s1  }
0x11: {  	s7 =	sadd.s32 $0x5A00, s29;
	[dreg:$0xd] =	wrdreg s6  }
0x12: {  	s8 =	sadd.s32 $0x6400, s29;
	[dreg:$0xe] =	wrdreg s7  }
0x13: {  	s9 =	sadd.s32 $0x6E00, s29;
	[dreg:$0xf] =	wrdreg s8  }
0x14: {  	s10 =	sadd.s32 $0x7800, s29;
	[dreg:$0x10] =	wrdreg s9  }
0x15: {  	s11 =	sadd.s32 $0x8200, s29;
	[dreg:$0x11] =	wrdreg s10  }
0x16: {  	s12 =	sadd.s32 $0x8C00, s29;
	[dreg:$0x12] =	wrdreg s11  }
0x17: {  	s13 =	sadd.s32 $0x9600, s29;
	[dreg:$0x13] =	wrdreg s12  }
0x18: {  	s14 =	sadd.s32 $0xA000, s29;
	[dreg:$0x14] =	wrdreg s13  }
0x19: {  	s15 =	sadd.s32 $0xAA00, s29;
	[dreg:$0x15] =	wrdreg s14  }
0x1a: {  	s16 =	sadd.s32 $0xB400, s29;
	[dreg:$0x16] =	wrdreg s15  }
0x1b: {  	s17 =	sadd.s32 $0xBE00, s29;
	[dreg:$0x17] =	wrdreg s16  }
0x1c: {  	s18 =	sadd.s32 $0xC800, s29;
	[dreg:$0x18] =	wrdreg s17  }
0x1d: {  	s20 =	sadd.s32 $0xD200, s29;
	[dreg:$0x19] =	wrdreg s18  }
0x1e: {  	s21 =	sadd.s32 $0xDC00, s29;
	[dreg:$0x1a] =	wrdreg s20  }
0x1f: {  	s4 =	sadd.s32 $0x2880, s29;
	[dreg:$0x1b] =	wrdreg s21  }
0x20: {  	s22 =	sadd.s32 $0xE600, s29;
	[smem:$0x7E9] =	sst s4  }
0x21: {  	s23 =	sadd.s32 $0xF000, s29;
	[dreg:$0x1c] =	wrdreg s22  }
0x22: {  	s24 =	sadd.s32 $0x80, s29;
	[dreg:$0x1d] =	wrdreg s23  }
0x23: {  	s25 =	sadd.s32 $0xA80, s29;
	[dreg:$0x1f] =	wrdreg s24  }
0x24: {  	s26 =	sadd.s32 $0x1480, s29;
	[smem:$0x7E6] =	sst s25  }
0x25: {  	s1 =	sadd.s32 $0x1E80, s29;
	[smem:$0x7E7] =	sst s26  }
0x26: {  	s5 =	sadd.s32 $0x3280, s29;
	[smem:$0x7E8] =	sst s1  }
0x27: {  	s6 =	sadd.s32 $0x3C80, s29;
	[smem:$0x7EA] =	sst s5  }
0x28: {  	s7 =	sadd.s32 $0x4680, s29;
	[smem:$0x7EB] =	sst s6  }
0x29: {  	s8 =	sadd.s32 $0x5080, s29;
	[smem:$0x7EC] =	sst s7  }
0x2a: {  	s9 =	sadd.s32 $0x5A80, s29;
	[smem:$0x7ED] =	sst s8  }
0x2b: {  	s10 =	sadd.s32 $0x6480, s29;
	[smem:$0x7EE] =	sst s9  }
0x2c: {  	s11 =	sadd.s32 $0x6E80, s29;
	[smem:$0x7EF] =	sst s10  }
0x2d: {  	s12 =	sadd.s32 $0x7880, s29;
	[smem:$0x7F0] =	sst s11  }
0x2e: {  	s13 =	sadd.s32 $0x8280, s29;
	[smem:$0x7F1] =	sst s12  }
0x2f: {  	s14 =	sadd.s32 $0x8C80, s29;
	[smem:$0x7F2] =	sst s13  }
0x30: {  	s15 =	sadd.s32 $0x9680, s29;
	[smem:$0x7F3] =	sst s14  }
0x31: {  	s16 =	sadd.s32 $0xA080, s29;
	[smem:$0x7F4] =	sst s15  }
0x32: {  	s30 =	simm.s32 $0x3000;
	s17 =	sadd.s32 $0xAA80, s29;
	[smem:$0x7F5] =	sst s16  }
0x33: {  	s31 =	simm.s32 $0x2D0;
	s18 =	sadd.s32 $0xB480, s29;
	[smem:$0x7F6] =	sst s17  }
0x34: {  	p0 =	por $0x0, $0x0;
	s20 =	sadd.s32 $0xBE80, s29;
	[smem:$0x7F7] =	sst s18  }
0x35: {  	s0 =	ssub.s32 $0x2, s0;
	s21 =	sadd.s32 $0xC880, s29;
	[smem:$0x7F8] =	sst s20  }
0x36: {  	s3 =	simm.s32 $0x800;
	s4 =	simm.s32 $0x280;
	[smem:$0x7F9] =	sst s21  }
0x37: {  	s22 =	sadd.s32 $0xD280, s29;
	s23 =	sadd.s32 $0xDC80, s29;
	s24 =	sadd.s32 $0xE680, s29  }
0x38: {  	s25 =	sshrl.u32 s0, $0x1;
	s26 =	sadd.s32 $0xF080, s29;
	s12 =	simm.s32 $0x5  }
0x39: {  	s17 =	simm.s32 $0x50;
	s20 =	simm.s32 $0xA0;
	s5 =	simm.s32 $0x5800  }
0x3a: {  	s6 =	simm.s32 $0x8000;
	s7 =	simm.s32 $0xA800;
	s1 =	simm.s32 $0x1E0  }
0x3b: {  	s13 =	simm.s32 $0xF800;
	s14 =	simm.s32 $0x12000;
	s0 =	ssub.s32 s0, s25  }
0x3c: {  	s15 =	simm.s32 $0x14800;
	s21 =	rddreg [dreg:$0x5];
	s8 =	smax.u32 s0, $0x1  }
0x3d: {  	s16 =	simm.s32 $0x17000;
	[smem:$0x7FA] =	sst s22;
	p1 =	sne.s32 s8, $0x1  }
.Ltmp0:
0x3e: {  	s10 =	simm.s32 $0x1;
	[smem:$0x7FB] =	sst s23;
	(pc) =	sbr.rel @!p1 .LBB2_5-.Ltmp0, $4  }
0x3f: {  	s9 =	simm.s32 $0x400;
	s18 =	simm.s32 $0x2;
	[smem:$0x7FC] =	sst s24  }
0x40: {  	s11 =	simm.s32 $0x4;
	[smem:$0x7FD] =	sst s26;
	s23 =	simm.s32 $0x140  }
0x41: {  	s24 =	simm.s32 $0x190;
	s22 =	simm.s32 $0xD000;
	s25 =	simm.s32 $0x230  }
0x42: {  	s0 =	simm.s32 $0xF0;
	s26 =	sadd.s32 $0xFFFFFFFF, s8;
	s8 =	simm.s32 $0x3  }
0x43: {  	[tilespmem:s19], [sflag:$0x5] =	stream.linear.gather [hbm4b:s21+s19], $0x7D0, $0x38;
	[tilespmem:$0x19800] =	vst v63  }
0x44: {  	_ =	swait.ge [sflag:s12], $0x7D0  }
0x45: {  	[sflag:s12] =	ssyncset.done $0x0  }
0x46: {  	[sflag:s12] =	ssyncadd.s32 $0xFFFFF830  }
0x47: {  	[tilespmem:s3], [sflag:$0x1] =	stream.indirect.gather [hbm4b:s2+s17], $0x80, s19, s17, $0xb8;
	[tilespmem:$0x19800] =	vst v63  }
0x48: {  	_ = 	snop  }
0x49: {  	[tilespmem:s30], [sflag:$0x1] =	stream.indirect.gather [hbm4b:s2+s17], $0x80, s17, s17, $0xb8;
	[tilespmem:$0x19800] =	vst v63  }
0x4a: {  	_ = 	snop  }
0x4b: {  	[tilespmem:s5], [sflag:$0x1] =	stream.indirect.gather [hbm4b:s2+s17], $0x80, s20, s17, $0xb8;
	[tilespmem:$0x19800] =	vst v63  }
0x4c: {  	_ = 	snop  }
0x4d: {  	[tilespmem:s6], [sflag:$0x1] =	stream.indirect.gather [hbm4b:s2+s17], $0x80, s0, s17, $0xb8;
	[tilespmem:$0x19800] =	vst v63  }
0x4e: {  	_ = 	snop  }
0x4f: {  	[tilespmem:s7], [sflag:$0x1] =	stream.indirect.gather [hbm4b:s2+s17], $0x80, s23, s17, $0xb8;
	[tilespmem:$0x19800] =	vst v63  }
0x50: {  	_ = 	snop  }
0x51: {  	[tilespmem:s22], [sflag:$0x2] =	stream.indirect.gather [hbm4b:s2+s17], $0x80, s24, s17, $0xb8;
	[tilespmem:$0x19800] =	vst v63  }
0x52: {  	_ = 	snop  }
0x53: {  	[tilespmem:s13], [sflag:$0x2] =	stream.indirect.gather [hbm4b:s2+s17], $0x80, s1, s17, $0xb8;
	[tilespmem:$0x19800] =	vst v63  }
0x54: {  	_ = 	snop  }
0x55: {  	[tilespmem:s14], [sflag:$0x2] =	stream.indirect.gather [hbm4b:s2+s17], $0x80, s25, s17, $0xb8;
	[tilespmem:$0x19800] =	vst v63  }
0x56: {  	_ = 	snop  }
0x57: {  	[tilespmem:s15], [sflag:$0x2] =	stream.indirect.gather [hbm4b:s2+s17], $0x80, s4, s17, $0xb8;
	[tilespmem:$0x19800] =	vst v63  }
0x58: {  	_ = 	snop  }
0x59: {  	[tilespmem:s16], [sflag:$0x2] =	stream.indirect.gather [hbm4b:s2+s17], $0x80, s31, s17, $0xb8;
	[tilespmem:$0x19800] =	vst v63  }
0x5a: {  	_ =	swait.ge [sflag:s10], $0x2800  }
0x5b: {  	[sflag:s10] =	ssyncset.done $0x0  }
0x5c: {  	[sflag:s10] =	ssyncadd.s32 $0xFFFFD800  }
0x5d: {  	_ =	swait.ge [sflag:s10], $0x2800  }
0x5e: {  	[sflag:s10] =	ssyncset.done $0x0  }
0x5f: {  	[sflag:s10] =	ssyncadd.s32 $0xFFFFD800  }
0x60: {  	_ =	swait.ge [sflag:s10], $0x2800  }
0x61: {  	[sflag:s10] =	ssyncset.done $0x0  }
0x62: {  	[sflag:s10] =	ssyncadd.s32 $0xFFFFD800  }
0x63: {  	_ =	swait.ge [sflag:s10], $0x2800  }
0x64: {  	[sflag:s10] =	ssyncset.done $0x0  }
0x65: {  	[sflag:s10] =	ssyncadd.s32 $0xFFFFD800  }
0x66: {  	_ =	swait.ge [sflag:s10], $0x2800  }
0x67: {  	[sflag:s10] =	ssyncset.done $0x0  }
0x68: {  	s12 =	rddreg [dreg:$0x6];
	[sflag:s10] =	ssyncadd.s32 $0xFFFFD800  }
0x69: {  	[hbm4b:s29+s9] =	stream.strided.scatter [tilespmem:s3], [sflag:$0x3], $0x2800, s3, s9, $0x38;
	[tilespmem:$0x19800] =	vst v63  }
0x6a: {  	[smem:$0x7E5] =	sst s29  }
0x6b: {  	[hbm4b:s12+s9] =	stream.strided.scatter [tilespmem:s30], [sflag:$0x3], $0x2800, s3, s9, $0x38;
	[tilespmem:$0x19800] =	vst v63  }
0x6c: {  	s19 =	rddreg [dreg:$0x7]  }
0x6d: {  	[hbm4b:s19+s9] =	stream.strided.scatter [tilespmem:s5], [sflag:$0x3], $0x2800, s3, s9, $0x38;
	[tilespmem:$0x19800] =	vst v63  }
0x6e: {  	s23 =	rddreg [dreg:$0x8]  }
0x6f: {  	[hbm4b:s23+s9] =	stream.strided.scatter [tilespmem:s6], [sflag:$0x3], $0x2800, s3, s9, $0x38;
	[tilespmem:$0x19800] =	vst v63  }
0x70: {  	s24 =	rddreg [dreg:$0x9]  }
0x71: {  	[hbm4b:s24+s9] =	stream.strided.scatter [tilespmem:s7], [sflag:$0x3], $0x2800, s3, s9, $0x38;
	[tilespmem:$0x19800] =	vst v63  }
0x72: {  	_ =	swait.ge [sflag:s8], $0x2800  }
0x73: {  	[sflag:s8] =	ssyncset.done $0x0  }
0x74: {  	[sflag:s8] =	ssyncadd.s32 $0xFFFFD800  }
0x75: {  	_ =	swait.ge [sflag:s8], $0x2800  }
0x76: {  	[sflag:s8] =	ssyncset.done $0x0  }
0x77: {  	[sflag:s8] =	ssyncadd.s32 $0xFFFFD800  }
0x78: {  	_ =	swait.ge [sflag:s8], $0x2800  }
0x79: {  	[sflag:s8] =	ssyncset.done $0x0  }
0x7a: {  	[sflag:s8] =	ssyncadd.s32 $0xFFFFD800  }
0x7b: {  	_ =	swait.ge [sflag:s8], $0x2800  }
0x7c: {  	[sflag:s8] =	ssyncset.done $0x0  }
0x7d: {  	[sflag:s8] =	ssyncadd.s32 $0xFFFFD800  }
0x7e: {  	_ =	swait.ge [sflag:s8], $0x2800  }
0x7f: {  	[sflag:s8] =	ssyncset.done $0x0  }
0x80: {  	s24 =	simm.s32 $0x320;
	[sflag:s8] =	ssyncadd.s32 $0xFFFFD800  }
0x81: {  	[tilespmem:s3], [sflag:$0x1] =	stream.indirect.gather [hbm4b:s2+s17], $0x80, s24, s17, $0xb8;
	[tilespmem:$0x19800] =	vst v63  }
0x82: {  	s12 =	simm.s32 $0x370  }
0x83: {  	[tilespmem:s30], [sflag:$0x1] =	stream.indirect.gather [hbm4b:s2+s17], $0x80, s12, s17, $0xb8;
	[tilespmem:$0x19800] =	vst v63  }
0x84: {  	s25 =	simm.s32 $0x3C0  }
0x85: {  	[tilespmem:s5], [sflag:$0x1] =	stream.indirect.gather [hbm4b:s2+s17], $0x80, s25, s17, $0xb8;
	[tilespmem:$0x19800] =	vst v63  }
0x86: {  	s25 =	simm.s32 $0x410  }
0x87: {  	[tilespmem:s6], [sflag:$0x1] =	stream.indirect.gather [hbm4b:s2+s17], $0x80, s25, s17, $0xb8;
	[tilespmem:$0x19800] =	vst v63  }
0x88: {  	s28 =	simm.s32 $0x460  }
0x89: {  	[tilespmem:s7], [sflag:$0x1] =	stream.indirect.gather [hbm4b:s2+s17], $0x80, s28, s17, $0xb8;
	[tilespmem:$0x19800] =	vst v63  }
0x8a: {  	_ =	swait.ge [sflag:s18], $0x2800  }
0x8b: {  	[sflag:s18] =	ssyncset.done $0x0  }
0x8c: {  	[sflag:s18] =	ssyncadd.s32 $0xFFFFD800  }
0x8d: {  	_ =	swait.ge [sflag:s18], $0x2800  }
0x8e: {  	[sflag:s18] =	ssyncset.done $0x0  }
0x8f: {  	[sflag:s18] =	ssyncadd.s32 $0xFFFFD800  }
0x90: {  	_ =	swait.ge [sflag:s18], $0x2800  }
0x91: {  	[sflag:s18] =	ssyncset.done $0x0  }
0x92: {  	[sflag:s18] =	ssyncadd.s32 $0xFFFFD800  }
0x93: {  	_ =	swait.ge [sflag:s18], $0x2800  }
0x94: {  	[sflag:s18] =	ssyncset.done $0x0  }
0x95: {  	[sflag:s18] =	ssyncadd.s32 $0xFFFFD800  }
0x96: {  	_ =	swait.ge [sflag:s18], $0x2800  }
0x97: {  	[sflag:s18] =	ssyncset.done $0x0  }
0x98: {  	s29 =	rddreg [dreg:$0xa];
	[sflag:s18] =	ssyncadd.s32 $0xFFFFD800  }
0x99: {  	[hbm4b:s29+s9] =	stream.strided.scatter [tilespmem:s22], [sflag:$0x4], $0x2800, s3, s9, $0x38;
	[tilespmem:$0x19800] =	vst v63  }
0x9a: {  	s0 =	rddreg [dreg:$0xb]  }
0x9b: {  	[hbm4b:s0+s9] =	stream.strided.scatter [tilespmem:s13], [sflag:$0x4], $0x2800, s3, s9, $0x38;
	[tilespmem:$0x19800] =	vst v63  }
0x9c: {  	s1 =	rddreg [dreg:$0xc]  }
0x9d: {  	[hbm4b:s1+s9] =	stream.strided.scatter [tilespmem:s14], [sflag:$0x4], $0x2800, s3, s9, $0x38;
	[tilespmem:$0x19800] =	vst v63  }
0x9e: {  	s4 =	rddreg [dreg:$0xd]  }
0x9f: {  	[hbm4b:s4+s9] =	stream.strided.scatter [tilespmem:s15], [sflag:$0x4], $0x2800, s3, s9, $0x38;
	[tilespmem:$0x19800] =	vst v63  }
0xa0: {  	s19 =	rddreg [dreg:$0xe]  }
0xa1: {  	[hbm4b:s19+s9] =	stream.strided.scatter [tilespmem:s16], [sflag:$0x4], $0x2800, s3, s9, $0x38;
	[tilespmem:$0x19800] =	vst v63  }
0xa2: {  	_ =	swait.ge [sflag:s11], $0x2800  }
0xa3: {  	[sflag:s11] =	ssyncset.done $0x0  }
0xa4: {  	[sflag:s11] =	ssyncadd.s32 $0xFFFFD800  }
0xa5: {  	_ =	swait.ge [sflag:s11], $0x2800  }
0xa6: {  	[sflag:s11] =	ssyncset.done $0x0  }
0xa7: {  	[sflag:s11] =	ssyncadd.s32 $0xFFFFD800  }
0xa8: {  	_ =	swait.ge [sflag:s11], $0x2800  }
0xa9: {  	[sflag:s11] =	ssyncset.done $0x0  }
0xaa: {  	[sflag:s11] =	ssyncadd.s32 $0xFFFFD800  }
0xab: {  	_ =	swait.ge [sflag:s11], $0x2800  }
0xac: {  	[sflag:s11] =	ssyncset.done $0x0  }
0xad: {  	[sflag:s11] =	ssyncadd.s32 $0xFFFFD800  }
0xae: {  	_ =	swait.ge [sflag:s11], $0x2800  }
0xaf: {  	[sflag:s11] =	ssyncset.done $0x0  }
0xb0: {  	s23 =	simm.s32 $0x4B0;
	[sflag:s11] =	ssyncadd.s32 $0xFFFFD800  }
0xb1: {  	[tilespmem:s22], [sflag:$0x2] =	stream.indirect.gather [hbm4b:s2+s17], $0x80, s23, s17, $0xb8;
	[tilespmem:$0x19800] =	vst v63  }
0xb2: {  	s4 =	smov.u32 s26;
	s26 =	simm.s32 $0x500  }
0xb3: {  	[tilespmem:s13], [sflag:$0x2] =	stream.indirect.gather [hbm4b:s2+s17], $0x80, s26, s17, $0xb8;
	[tilespmem:$0x19800] =	vst v63  }
0xb4: {  	s29 =	simm.s32 $0x550  }
0xb5: {  	[tilespmem:s14], [sflag:$0x2] =	stream.indirect.gather [hbm4b:s2+s17], $0x80, s29, s17, $0xb8;
	[tilespmem:$0x19800] =	vst v63  }
0xb6: {  	s16 =	simm.s32 $0x14800;
	s22 =	simm.s32 $0x5A0  }
0xb7: {  	[tilespmem:s16], [sflag:$0x2] =	stream.indirect.gather [hbm4b:s2+s17], $0x80, s22, s17, $0xb8;
	[tilespmem:$0x19800] =	vst v63  }
0xb8: {  	s20 =	simm.s32 $0x17000;
	s28 =	simm.s32 $0x5F0  }
0xb9: {  	[tilespmem:s20], [sflag:$0x2] =	stream.indirect.gather [hbm4b:s2+s17], $0x80, s28, s17, $0xb8;
	[tilespmem:$0x19800] =	vst v63  }
0xba: {  	_ =	swait.ge [sflag:s10], $0x2800  }
0xbb: {  	[sflag:s10] =	ssyncset.done $0x0  }
0xbc: {  	[sflag:s10] =	ssyncadd.s32 $0xFFFFD800  }
0xbd: {  	_ =	swait.ge [sflag:s10], $0x2800  }
0xbe: {  	[sflag:s10] =	ssyncset.done $0x0  }
0xbf: {  	[sflag:s10] =	ssyncadd.s32 $0xFFFFD800  }
0xc0: {  	_ =	swait.ge [sflag:s10], $0x2800  }
0xc1: {  	[sflag:s10] =	ssyncset.done $0x0  }
0xc2: {  	[sflag:s10] =	ssyncadd.s32 $0xFFFFD800  }
0xc3: {  	_ =	swait.ge [sflag:s10], $0x2800  }
0xc4: {  	[sflag:s10] =	ssyncset.done $0x0  }
0xc5: {  	[sflag:s10] =	ssyncadd.s32 $0xFFFFD800  }
0xc6: {  	_ =	swait.ge [sflag:s10], $0x2800  }
0xc7: {  	[sflag:s10] =	ssyncset.done $0x0  }
0xc8: {  	s21 =	rddreg [dreg:$0xf];
	[sflag:s10] =	ssyncadd.s32 $0xFFFFD800  }
0xc9: {  	[hbm4b:s21+s9] =	stream.strided.scatter [tilespmem:s3], [sflag:$0x3], $0x2800, s3, s9, $0x38;
	[tilespmem:$0x19800] =	vst v63  }
0xca: {  	s0 =	rddreg [dreg:$0x10]  }
0xcb: {  	[hbm4b:s0+s9] =	stream.strided.scatter [tilespmem:s30], [sflag:$0x3], $0x2800, s3, s9, $0x38;
	[tilespmem:$0x19800] =	vst v63  }
0xcc: {  	s19 =	rddreg [dreg:$0x11]  }
0xcd: {  	[hbm4b:s19+s9] =	stream.strided.scatter [tilespmem:s5], [sflag:$0x3], $0x2800, s3, s9, $0x38;
	[tilespmem:$0x19800] =	vst v63  }
0xce: {  	s0 =	rddreg [dreg:$0x12]  }
0xcf: {  	[hbm4b:s0+s9] =	stream.strided.scatter [tilespmem:s6], [sflag:$0x3], $0x2800, s3, s9, $0x38;
	[tilespmem:$0x19800] =	vst v63  }
0xd0: {  	s19 =	rddreg [dreg:$0x13]  }
0xd1: {  	[hbm4b:s19+s9] =	stream.strided.scatter [tilespmem:s7], [sflag:$0x3], $0x2800, s3, s9, $0x38;
	[tilespmem:$0x19800] =	vst v63  }
0xd2: {  	_ =	swait.ge [sflag:s8], $0x2800  }
0xd3: {  	[sflag:s8] =	ssyncset.done $0x0  }
0xd4: {  	[sflag:s8] =	ssyncadd.s32 $0xFFFFD800  }
0xd5: {  	_ =	swait.ge [sflag:s8], $0x2800  }
0xd6: {  	[sflag:s8] =	ssyncset.done $0x0  }
0xd7: {  	[sflag:s8] =	ssyncadd.s32 $0xFFFFD800  }
0xd8: {  	_ =	swait.ge [sflag:s8], $0x2800  }
0xd9: {  	[sflag:s8] =	ssyncset.done $0x0  }
0xda: {  	[sflag:s8] =	ssyncadd.s32 $0xFFFFD800  }
0xdb: {  	_ =	swait.ge [sflag:s8], $0x2800  }
0xdc: {  	[sflag:s8] =	ssyncset.done $0x0  }
0xdd: {  	[sflag:s8] =	ssyncadd.s32 $0xFFFFD800  }
0xde: {  	_ =	swait.ge [sflag:s8], $0x2800  }
0xdf: {  	[sflag:s8] =	ssyncset.done $0x0  }
0xe0: {  	s19 =	simm.s32 $0x640;
	[sflag:s8] =	ssyncadd.s32 $0xFFFFD800  }
0xe1: {  	[tilespmem:s3], [sflag:$0x1] =	stream.indirect.gather [hbm4b:s2+s17], $0x80, s19, s17, $0xb8;
	[tilespmem:$0x19800] =	vst v63  }
0xe2: {  	s21 =	simm.s32 $0x690  }
0xe3: {  	[tilespmem:s30], [sflag:$0x1] =	stream.indirect.gather [hbm4b:s2+s17], $0x80, s21, s17, $0xb8;
	[tilespmem:$0x19800] =	vst v63  }
0xe4: {  	s21 =	simm.s32 $0x6E0  }
0xe5: {  	[tilespmem:s5], [sflag:$0x1] =	stream.indirect.gather [hbm4b:s2+s17], $0x80, s21, s17, $0xb8;
	[tilespmem:$0x19800] =	vst v63  }
0xe6: {  	s21 =	simm.s32 $0x730  }
0xe7: {  	[tilespmem:s6], [sflag:$0x1] =	stream.indirect.gather [hbm4b:s2+s17], $0x80, s21, s17, $0xb8;
	[tilespmem:$0x19800] =	vst v63  }
0xe8: {  	s21 =	simm.s32 $0x780  }
0xe9: {  	[tilespmem:s7], [sflag:$0x1] =	stream.indirect.gather [hbm4b:s2+s17], $0x80, s21, s17, $0xb8;
	[tilespmem:$0x19800] =	vst v63  }
0xea: {  	_ =	swait.ge [sflag:s18], $0x2800  }
0xeb: {  	[sflag:s18] =	ssyncset.done $0x0  }
0xec: {  	[sflag:s18] =	ssyncadd.s32 $0xFFFFD800  }
0xed: {  	_ =	swait.ge [sflag:s18], $0x2800  }
0xee: {  	[sflag:s18] =	ssyncset.done $0x0  }
0xef: {  	[sflag:s18] =	ssyncadd.s32 $0xFFFFD800  }
0xf0: {  	_ =	swait.ge [sflag:s18], $0x2800  }
0xf1: {  	[sflag:s18] =	ssyncset.done $0x0  }
0xf2: {  	[sflag:s18] =	ssyncadd.s32 $0xFFFFD800  }
0xf3: {  	_ =	swait.ge [sflag:s18], $0x2800  }
0xf4: {  	[sflag:s18] =	ssyncset.done $0x0  }
0xf5: {  	[sflag:s18] =	ssyncadd.s32 $0xFFFFD800  }
0xf6: {  	_ =	swait.ge [sflag:s18], $0x2800  }
0xf7: {  	[sflag:s18] =	ssyncset.done $0x0  }
0xf8: {  	s13 =	simm.s32 $0xD000;
	s20 =	rddreg [dreg:$0x14];
	[sflag:s18] =	ssyncadd.s32 $0xFFFFD800  }
0xf9: {  	[hbm4b:s20+s9] =	stream.strided.scatter [tilespmem:s13], [sflag:$0x4], $0x2800, s3, s9, $0x38;
	[tilespmem:$0x19800] =	vst v63  }
0xfa: {  	s14 =	simm.s32 $0xF800;
	s21 =	rddreg [dreg:$0x15]  }
0xfb: {  	[hbm4b:s21+s9] =	stream.strided.scatter [tilespmem:s14], [sflag:$0x4], $0x2800, s3, s9, $0x38;
	[tilespmem:$0x19800] =	vst v63  }
0xfc: {  	s15 =	simm.s32 $0x12000;
	s20 =	rddreg [dreg:$0x16]  }
0xfd: {  	[hbm4b:s20+s9] =	stream.strided.scatter [tilespmem:s15], [sflag:$0x4], $0x2800, s3, s9, $0x38;
	[tilespmem:$0x19800] =	vst v63  }
0xfe: {  	s21 =	rddreg [dreg:$0x17]  }
0xff: {  	[hbm4b:s21+s9] =	stream.strided.scatter [tilespmem:s16], [sflag:$0x4], $0x2800, s3, s9, $0x38;
	[tilespmem:$0x19800] =	vst v63  }
0x100: {  	s20 =	rddreg [dreg:$0x18];
	s16 =	simm.s32 $0x17000  }
0x101: {  	[hbm4b:s20+s9] =	stream.strided.scatter [tilespmem:s16], [sflag:$0x4], $0x2800, s3, s9, $0x38;
	[tilespmem:$0x19800] =	vst v63  }
0x102: {  	_ =	swait.ge [sflag:s11], $0x2800  }
0x103: {  	[sflag:s11] =	ssyncset.done $0x0  }
0x104: {  	[sflag:s11] =	ssyncadd.s32 $0xFFFFD800  }
0x105: {  	_ =	swait.ge [sflag:s11], $0x2800  }
0x106: {  	[sflag:s11] =	ssyncset.done $0x0  }
0x107: {  	[sflag:s11] =	ssyncadd.s32 $0xFFFFD800  }
0x108: {  	_ =	swait.ge [sflag:s11], $0x2800  }
0x109: {  	[sflag:s11] =	ssyncset.done $0x0  }
0x10a: {  	[sflag:s11] =	ssyncadd.s32 $0xFFFFD800  }
0x10b: {  	_ =	swait.ge [sflag:s11], $0x2800  }
0x10c: {  	[sflag:s11] =	ssyncset.done $0x0  }
0x10d: {  	[sflag:s11] =	ssyncadd.s32 $0xFFFFD800  }
0x10e: {  	_ =	swait.ge [sflag:s11], $0x2800  }
0x10f: {  	[sflag:s11] =	ssyncset.done $0x0  }
0x110: {  	[sflag:s11] =	ssyncadd.s32 $0xFFFFD800  }
0x111: {  	_ =	swait.ge [sflag:s10], $0x2800  }
0x112: {  	[sflag:s10] =	ssyncset.done $0x0  }
0x113: {  	[sflag:s10] =	ssyncadd.s32 $0xFFFFD800  }
0x114: {  	_ =	swait.ge [sflag:s10], $0x2800  }
0x115: {  	[sflag:s10] =	ssyncset.done $0x0  }
0x116: {  	[sflag:s10] =	ssyncadd.s32 $0xFFFFD800  }
0x117: {  	_ =	swait.ge [sflag:s10], $0x2800  }
0x118: {  	[sflag:s10] =	ssyncset.done $0x0  }
0x119: {  	[sflag:s10] =	ssyncadd.s32 $0xFFFFD800  }
0x11a: {  	_ =	swait.ge [sflag:s10], $0x2800  }
0x11b: {  	[sflag:s10] =	ssyncset.done $0x0  }
0x11c: {  	[sflag:s10] =	ssyncadd.s32 $0xFFFFD800  }
0x11d: {  	_ =	swait.ge [sflag:s10], $0x2800  }
0x11e: {  	[sflag:s10] =	ssyncset.done $0x0  }
0x11f: {  	s20 =	rddreg [dreg:$0x19];
	[sflag:s10] =	ssyncadd.s32 $0xFFFFD800  }
0x120: {  	[hbm4b:s20+s9] =	stream.strided.scatter [tilespmem:s3], [sflag:$0x3], $0x2800, s3, s9, $0x38;
	[tilespmem:$0x19800] =	vst v63  }
0x121: {  	s21 =	rddreg [dreg:$0x1a]  }
0x122: {  	[hbm4b:s21+s9] =	stream.strided.scatter [tilespmem:s30], [sflag:$0x3], $0x2800, s3, s9, $0x38;
	[tilespmem:$0x19800] =	vst v63  }
0x123: {  	s20 =	rddreg [dreg:$0x1b]  }
0x124: {  	[hbm4b:s20+s9] =	stream.strided.scatter [tilespmem:s5], [sflag:$0x3], $0x2800, s3, s9, $0x38;
	[tilespmem:$0x19800] =	vst v63  }
0x125: {  	s21 =	rddreg [dreg:$0x1c]  }
0x126: {  	[hbm4b:s21+s9] =	stream.strided.scatter [tilespmem:s6], [sflag:$0x3], $0x2800, s3, s9, $0x38;
	[tilespmem:$0x19800] =	vst v63  }
0x127: {  	s20 =	rddreg [dreg:$0x1d]  }
0x128: {  	[hbm4b:s20+s9] =	stream.strided.scatter [tilespmem:s7], [sflag:$0x3], $0x2800, s3, s9, $0x38;
	[tilespmem:$0x19800] =	vst v63  }
0x129: {  	_ =	swait.ge [sflag:s8], $0x2800  }
0x12a: {  	[sflag:s8] =	ssyncset.done $0x0  }
0x12b: {  	[sflag:s8] =	ssyncadd.s32 $0xFFFFD800  }
0x12c: {  	_ =	swait.ge [sflag:s8], $0x2800  }
0x12d: {  	[sflag:s8] =	ssyncset.done $0x0  }
0x12e: {  	[sflag:s8] =	ssyncadd.s32 $0xFFFFD800  }
0x12f: {  	_ =	swait.ge [sflag:s8], $0x2800  }
0x130: {  	[sflag:s8] =	ssyncset.done $0x0  }
0x131: {  	[sflag:s8] =	ssyncadd.s32 $0xFFFFD800  }
0x132: {  	_ =	swait.ge [sflag:s8], $0x2800  }
0x133: {  	[sflag:s8] =	ssyncset.done $0x0  }
0x134: {  	[sflag:s8] =	ssyncadd.s32 $0xFFFFD800  }
0x135: {  	_ =	swait.ge [sflag:s8], $0x2800  }
0x136: {  	s1 =	simm.s32 $0x5;
	[sflag:s8] =	ssyncset.done $0x0  }
0x137: {  	s0 =	simm.s32 $0x0;
	s21 =	rddreg [dreg:$0x1e];
	[sflag:s8] =	ssyncadd.s32 $0xFFFFD800  }
0x138: {  	[tilespmem:s0], [sflag:$0x5] =	stream.linear.gather [hbm4b:s21+s0], $0x7D0, $0x38;
	[tilespmem:$0x19800] =	vst v63  }
0x139: {  	_ =	swait.ge [sflag:s1], $0x7D0  }
0x13a: {  	[sflag:s1] =	ssyncset.done $0x0  }
0x13b: {  	[sflag:s1] =	ssyncadd.s32 $0xFFFFF830  }
0x13c: {  	[tilespmem:s3], [sflag:$0x1] =	stream.indirect.gather [hbm4b:s2+s17], $0x80, s0, s17, $0xb8;
	[tilespmem:$0x19800] =	vst v63  }
0x13d: {  	_ = 	snop  }
0x13e: {  	[tilespmem:s30], [sflag:$0x1] =	stream.indirect.gather [hbm4b:s2+s17], $0x80, s17, s17, $0xb8;
	[tilespmem:$0x19800] =	vst v63  }
0x13f: {  	s20 =	simm.s32 $0xA0  }
0x140: {  	[tilespmem:s5], [sflag:$0x1] =	stream.indirect.gather [hbm4b:s2+s17], $0x80, s20, s17, $0xb8;
	[tilespmem:$0x19800] =	vst v63  }
0x141: {  	s21 =	simm.s32 $0xF0  }
0x142: {  	[tilespmem:s6], [sflag:$0x1] =	stream.indirect.gather [hbm4b:s2+s17], $0x80, s21, s17, $0xb8;
	[tilespmem:$0x19800] =	vst v63  }
0x143: {  	s1 =	simm.s32 $0x140  }
0x144: {  	[tilespmem:s7], [sflag:$0x1] =	stream.indirect.gather [hbm4b:s2+s17], $0x80, s1, s17, $0xb8;
	[tilespmem:$0x19800] =	vst v63  }
0x145: {  	s20 =	simm.s32 $0x190  }
0x146: {  	[tilespmem:s13], [sflag:$0x2] =	stream.indirect.gather [hbm4b:s2+s17], $0x80, s20, s17, $0xb8;
	[tilespmem:$0x19800] =	vst v63  }
0x147: {  	s21 =	simm.s32 $0x1E0  }
0x148: {  	[tilespmem:s14], [sflag:$0x2] =	stream.indirect.gather [hbm4b:s2+s17], $0x80, s21, s17, $0xb8;
	[tilespmem:$0x19800] =	vst v63  }
0x149: {  	s1 =	simm.s32 $0x230  }
0x14a: {  	[tilespmem:s15], [sflag:$0x2] =	stream.indirect.gather [hbm4b:s2+s17], $0x80, s1, s17, $0xb8;
	[tilespmem:$0x19800] =	vst v63  }
0x14b: {  	s20 =	simm.s32 $0x280;
	s15 =	simm.s32 $0x14800  }
0x14c: {  	[tilespmem:s15], [sflag:$0x2] =	stream.indirect.gather [hbm4b:s2+s17], $0x80, s20, s17, $0xb8;
	[tilespmem:$0x19800] =	vst v63  }
0x14d: {  	_ = 	snop  }
0x14e: {  	[tilespmem:s16], [sflag:$0x2] =	stream.indirect.gather [hbm4b:s2+s17], $0x80, s31, s17, $0xb8;
	[tilespmem:$0x19800] =	vst v63  }
0x14f: {  	_ =	swait.ge [sflag:s10], $0x2800  }
0x150: {  	[sflag:s10] =	ssyncset.done $0x0  }
0x151: {  	[sflag:s10] =	ssyncadd.s32 $0xFFFFD800  }
0x152: {  	_ =	swait.ge [sflag:s10], $0x2800  }
0x153: {  	[sflag:s10] =	ssyncset.done $0x0  }
0x154: {  	[sflag:s10] =	ssyncadd.s32 $0xFFFFD800  }
0x155: {  	_ =	swait.ge [sflag:s10], $0x2800  }
0x156: {  	[sflag:s10] =	ssyncset.done $0x0  }
0x157: {  	[sflag:s10] =	ssyncadd.s32 $0xFFFFD800  }
0x158: {  	_ =	swait.ge [sflag:s10], $0x2800  }
0x159: {  	[sflag:s10] =	ssyncset.done $0x0  }
0x15a: {  	[sflag:s10] =	ssyncadd.s32 $0xFFFFD800  }
0x15b: {  	_ =	swait.ge [sflag:s10], $0x2800  }
0x15c: {  	s21 =	rddreg [dreg:$0x1f];
	[sflag:s10] =	ssyncset.done $0x0  }
0x15d: {  	s0 =	sld [smem:$0x7E6];
	[sflag:s10] =	ssyncadd.s32 $0xFFFFD800  }
0x15e: {  	[hbm4b:s21+s9] =	stream.strided.scatter [tilespmem:s3], [sflag:$0x3], $0x2800, s3, s9, $0x38;
	[tilespmem:$0x19800] =	vst v63  }
0x15f: {  	s1 =	sld [smem:$0x7E7]  }
0x160: {  	[hbm4b:s0+s9] =	stream.strided.scatter [tilespmem:s30], [sflag:$0x3], $0x2800, s3, s9, $0x38;
	[tilespmem:$0x19800] =	vst v63  }
0x161: {  	s0 =	sld [smem:$0x7E8]  }
0x162: {  	[hbm4b:s1+s9] =	stream.strided.scatter [tilespmem:s5], [sflag:$0x3], $0x2800, s3, s9, $0x38;
	[tilespmem:$0x19800] =	vst v63  }
0x163: {  	s1 =	sld [smem:$0x7E9]  }
0x164: {  	[hbm4b:s0+s9] =	stream.strided.scatter [tilespmem:s6], [sflag:$0x3], $0x2800, s3, s9, $0x38;
	[tilespmem:$0x19800] =	vst v63  }
0x165: {  	_ = 	snop  }
0x166: {  	[hbm4b:s1+s9] =	stream.strided.scatter [tilespmem:s7], [sflag:$0x3], $0x2800, s3, s9, $0x38;
	[tilespmem:$0x19800] =	vst v63  }
0x167: {  	_ =	swait.ge [sflag:s8], $0x2800  }
0x168: {  	[sflag:s8] =	ssyncset.done $0x0  }
0x169: {  	[sflag:s8] =	ssyncadd.s32 $0xFFFFD800  }
0x16a: {  	_ =	swait.ge [sflag:s8], $0x2800  }
0x16b: {  	[sflag:s8] =	ssyncset.done $0x0  }
0x16c: {  	[sflag:s8] =	ssyncadd.s32 $0xFFFFD800  }
0x16d: {  	_ =	swait.ge [sflag:s8], $0x2800  }
0x16e: {  	[sflag:s8] =	ssyncset.done $0x0  }
0x16f: {  	[sflag:s8] =	ssyncadd.s32 $0xFFFFD800  }
0x170: {  	_ =	swait.ge [sflag:s8], $0x2800  }
0x171: {  	[sflag:s8] =	ssyncset.done $0x0  }
0x172: {  	[sflag:s8] =	ssyncadd.s32 $0xFFFFD800  }
0x173: {  	_ =	swait.ge [sflag:s8], $0x2800  }
0x174: {  	[sflag:s8] =	ssyncset.done $0x0  }
0x175: {  	[sflag:s8] =	ssyncadd.s32 $0xFFFFD800  }
0x176: {  	[tilespmem:s3], [sflag:$0x1] =	stream.indirect.gather [hbm4b:s2+s17], $0x80, s24, s17, $0xb8;
	[tilespmem:$0x19800] =	vst v63  }
0x177: {  	_ = 	snop  }
0x178: {  	[tilespmem:s30], [sflag:$0x1] =	stream.indirect.gather [hbm4b:s2+s17], $0x80, s12, s17, $0xb8;
	[tilespmem:$0x19800] =	vst v63  }
0x179: {  	s24 =	simm.s32 $0x3C0  }
0x17a: {  	[tilespmem:s5], [sflag:$0x1] =	stream.indirect.gather [hbm4b:s2+s17], $0x80, s24, s17, $0xb8;
	[tilespmem:$0x19800] =	vst v63  }
0x17b: {  	_ = 	snop  }
0x17c: {  	[tilespmem:s6], [sflag:$0x1] =	stream.indirect.gather [hbm4b:s2+s17], $0x80, s25, s17, $0xb8;
	[tilespmem:$0x19800] =	vst v63  }
0x17d: {  	s25 =	simm.s32 $0x460  }
0x17e: {  	[tilespmem:s7], [sflag:$0x1] =	stream.indirect.gather [hbm4b:s2+s17], $0x80, s25, s17, $0xb8;
	[tilespmem:$0x19800] =	vst v63  }
0x17f: {  	_ =	swait.ge [sflag:s18], $0x2800  }
0x180: {  	[sflag:s18] =	ssyncset.done $0x0  }
0x181: {  	[sflag:s18] =	ssyncadd.s32 $0xFFFFD800  }
0x182: {  	_ =	swait.ge [sflag:s18], $0x2800  }
0x183: {  	[sflag:s18] =	ssyncset.done $0x0  }
0x184: {  	[sflag:s18] =	ssyncadd.s32 $0xFFFFD800  }
0x185: {  	_ =	swait.ge [sflag:s18], $0x2800  }
0x186: {  	[sflag:s18] =	ssyncset.done $0x0  }
0x187: {  	[sflag:s18] =	ssyncadd.s32 $0xFFFFD800  }
0x188: {  	_ =	swait.ge [sflag:s18], $0x2800  }
0x189: {  	[sflag:s18] =	ssyncset.done $0x0  }
0x18a: {  	[sflag:s18] =	ssyncadd.s32 $0xFFFFD800  }
0x18b: {  	_ =	swait.ge [sflag:s18], $0x2800  }
0x18c: {  	s0 =	sld [smem:$0x7EA]  }
0x18d: {  	[sflag:s18] =	ssyncset.done $0x0  }
0x18e: {  	s1 =	sld [smem:$0x7EB];
	[sflag:s18] =	ssyncadd.s32 $0xFFFFD800  }
0x18f: {  	[hbm4b:s0+s9] =	stream.strided.scatter [tilespmem:s13], [sflag:$0x4], $0x2800, s3, s9, $0x38;
	[tilespmem:$0x19800] =	vst v63  }
0x190: {  	s12 =	sld [smem:$0x7EC]  }
0x191: {  	[hbm4b:s1+s9] =	stream.strided.scatter [tilespmem:s14], [sflag:$0x4], $0x2800, s3, s9, $0x38;
	[tilespmem:$0x19800] =	vst v63  }
0x192: {  	s24 =	sld [smem:$0x7ED];
	s14 =	simm.s32 $0x12000  }
0x193: {  	[hbm4b:s12+s9] =	stream.strided.scatter [tilespmem:s14], [sflag:$0x4], $0x2800, s3, s9, $0x38;
	[tilespmem:$0x19800] =	vst v63  }
0x194: {  	s25 =	sld [smem:$0x7EE]  }
0x195: {  	[hbm4b:s24+s9] =	stream.strided.scatter [tilespmem:s15], [sflag:$0x4], $0x2800, s3, s9, $0x38;
	[tilespmem:$0x19800] =	vst v63  }
0x196: {  	_ = 	snop  }
0x197: {  	[hbm4b:s25+s9] =	stream.strided.scatter [tilespmem:s16], [sflag:$0x4], $0x2800, s3, s9, $0x38;
	[tilespmem:$0x19800] =	vst v63  }
0x198: {  	_ =	swait.ge [sflag:s11], $0x2800  }
0x199: {  	[sflag:s11] =	ssyncset.done $0x0  }
0x19a: {  	[sflag:s11] =	ssyncadd.s32 $0xFFFFD800  }
0x19b: {  	_ =	swait.ge [sflag:s11], $0x2800  }
0x19c: {  	[sflag:s11] =	ssyncset.done $0x0  }
0x19d: {  	[sflag:s11] =	ssyncadd.s32 $0xFFFFD800  }
0x19e: {  	_ =	swait.ge [sflag:s11], $0x2800  }
0x19f: {  	[sflag:s11] =	ssyncset.done $0x0  }
0x1a0: {  	[sflag:s11] =	ssyncadd.s32 $0xFFFFD800  }
0x1a1: {  	_ =	swait.ge [sflag:s11], $0x2800  }
0x1a2: {  	[sflag:s11] =	ssyncset.done $0x0  }
0x1a3: {  	[sflag:s11] =	ssyncadd.s32 $0xFFFFD800  }
0x1a4: {  	_ =	swait.ge [sflag:s11], $0x2800  }
0x1a5: {  	[sflag:s11] =	ssyncset.done $0x0  }
0x1a6: {  	[sflag:s11] =	ssyncadd.s32 $0xFFFFD800  }
0x1a7: {  	[tilespmem:s13], [sflag:$0x2] =	stream.indirect.gather [hbm4b:s2+s17], $0x80, s23, s17, $0xb8;
	[tilespmem:$0x19800] =	vst v63  }
0x1a8: {  	s13 =	simm.s32 $0xF800  }
0x1a9: {  	[tilespmem:s13], [sflag:$0x2] =	stream.indirect.gather [hbm4b:s2+s17], $0x80, s26, s17, $0xb8;
	[tilespmem:$0x19800] =	vst v63  }
0x1aa: {  	_ = 	snop  }
0x1ab: {  	[tilespmem:s14], [sflag:$0x2] =	stream.indirect.gather [hbm4b:s2+s17], $0x80, s29, s17, $0xb8;
	[tilespmem:$0x19800] =	vst v63  }
0x1ac: {  	_ = 	snop  }
0x1ad: {  	[tilespmem:s15], [sflag:$0x2] =	stream.indirect.gather [hbm4b:s2+s17], $0x80, s22, s17, $0xb8;
	[tilespmem:$0x19800] =	vst v63  }
0x1ae: {  	_ = 	snop  }
0x1af: {  	[tilespmem:s16], [sflag:$0x2] =	stream.indirect.gather [hbm4b:s2+s17], $0x80, s28, s17, $0xb8;
	[tilespmem:$0x19800] =	vst v63  }
0x1b0: {  	_ =	swait.ge [sflag:s10], $0x2800  }
0x1b1: {  	[sflag:s10] =	ssyncset.done $0x0  }
0x1b2: {  	[sflag:s10] =	ssyncadd.s32 $0xFFFFD800  }
0x1b3: {  	_ =	swait.ge [sflag:s10], $0x2800  }
0x1b4: {  	[sflag:s10] =	ssyncset.done $0x0  }
0x1b5: {  	[sflag:s10] =	ssyncadd.s32 $0xFFFFD800  }
0x1b6: {  	_ =	swait.ge [sflag:s10], $0x2800  }
0x1b7: {  	[sflag:s10] =	ssyncset.done $0x0  }
0x1b8: {  	[sflag:s10] =	ssyncadd.s32 $0xFFFFD800  }
0x1b9: {  	_ =	swait.ge [sflag:s10], $0x2800  }
0x1ba: {  	[sflag:s10] =	ssyncset.done $0x0  }
0x1bb: {  	[sflag:s10] =	ssyncadd.s32 $0xFFFFD800  }
0x1bc: {  	_ =	swait.ge [sflag:s10], $0x2800  }
0x1bd: {  	s0 =	sld [smem:$0x7EF]  }
0x1be: {  	[sflag:s10] =	ssyncset.done $0x0  }
0x1bf: {  	s1 =	sld [smem:$0x7F0];
	[sflag:s10] =	ssyncadd.s32 $0xFFFFD800  }
0x1c0: {  	[hbm4b:s0+s9] =	stream.strided.scatter [tilespmem:s3], [sflag:$0x3], $0x2800, s3, s9, $0x38;
	[tilespmem:$0x19800] =	vst v63  }
0x1c1: {  	s12 =	sld [smem:$0x7F1]  }
0x1c2: {  	[hbm4b:s1+s9] =	stream.strided.scatter [tilespmem:s30], [sflag:$0x3], $0x2800, s3, s9, $0x38;
	[tilespmem:$0x19800] =	vst v63  }
0x1c3: {  	s23 =	sld [smem:$0x7F2]  }
0x1c4: {  	[hbm4b:s12+s9] =	stream.strided.scatter [tilespmem:s5], [sflag:$0x3], $0x2800, s3, s9, $0x38;
	[tilespmem:$0x19800] =	vst v63  }
0x1c5: {  	s24 =	sld [smem:$0x7F3]  }
0x1c6: {  	[hbm4b:s23+s9] =	stream.strided.scatter [tilespmem:s6], [sflag:$0x3], $0x2800, s3, s9, $0x38;
	[tilespmem:$0x19800] =	vst v63  }
0x1c7: {  	_ = 	snop  }
0x1c8: {  	[hbm4b:s24+s9] =	stream.strided.scatter [tilespmem:s7], [sflag:$0x3], $0x2800, s3, s9, $0x38;
	[tilespmem:$0x19800] =	vst v63  }
0x1c9: {  	_ =	swait.ge [sflag:s8], $0x2800  }
0x1ca: {  	[sflag:s8] =	ssyncset.done $0x0  }
0x1cb: {  	[sflag:s8] =	ssyncadd.s32 $0xFFFFD800  }
0x1cc: {  	_ =	swait.ge [sflag:s8], $0x2800  }
0x1cd: {  	[sflag:s8] =	ssyncset.done $0x0  }
0x1ce: {  	[sflag:s8] =	ssyncadd.s32 $0xFFFFD800  }
0x1cf: {  	_ =	swait.ge [sflag:s8], $0x2800  }
0x1d0: {  	[sflag:s8] =	ssyncset.done $0x0  }
0x1d1: {  	[sflag:s8] =	ssyncadd.s32 $0xFFFFD800  }
0x1d2: {  	_ =	swait.ge [sflag:s8], $0x2800  }
0x1d3: {  	[sflag:s8] =	ssyncset.done $0x0  }
0x1d4: {  	[sflag:s8] =	ssyncadd.s32 $0xFFFFD800  }
0x1d5: {  	_ =	swait.ge [sflag:s8], $0x2800  }
0x1d6: {  	[sflag:s8] =	ssyncset.done $0x0  }
0x1d7: {  	[sflag:s8] =	ssyncadd.s32 $0xFFFFD800  }
0x1d8: {  	[tilespmem:s3], [sflag:$0x1] =	stream.indirect.gather [hbm4b:s2+s17], $0x80, s19, s17, $0xb8;
	[tilespmem:$0x19800] =	vst v63  }
0x1d9: {  	s25 =	simm.s32 $0x690  }
0x1da: {  	[tilespmem:s30], [sflag:$0x1] =	stream.indirect.gather [hbm4b:s2+s17], $0x80, s25, s17, $0xb8;
	[tilespmem:$0x19800] =	vst v63  }
0x1db: {  	s26 =	simm.s32 $0x6E0  }
0x1dc: {  	[tilespmem:s5], [sflag:$0x1] =	stream.indirect.gather [hbm4b:s2+s17], $0x80, s26, s17, $0xb8;
	[tilespmem:$0x19800] =	vst v63  }
0x1dd: {  	s28 =	simm.s32 $0x730  }
0x1de: {  	[tilespmem:s6], [sflag:$0x1] =	stream.indirect.gather [hbm4b:s2+s17], $0x80, s28, s17, $0xb8;
	[tilespmem:$0x19800] =	vst v63  }
0x1df: {  	s29 =	simm.s32 $0x780  }
0x1e0: {  	[tilespmem:s7], [sflag:$0x1] =	stream.indirect.gather [hbm4b:s2+s17], $0x80, s29, s17, $0xb8;
	[tilespmem:$0x19800] =	vst v63  }
0x1e1: {  	_ =	swait.ge [sflag:s18], $0x2800  }
0x1e2: {  	[sflag:s18] =	ssyncset.done $0x0  }
0x1e3: {  	[sflag:s18] =	ssyncadd.s32 $0xFFFFD800  }
0x1e4: {  	_ =	swait.ge [sflag:s18], $0x2800  }
0x1e5: {  	[sflag:s18] =	ssyncset.done $0x0  }
0x1e6: {  	[sflag:s18] =	ssyncadd.s32 $0xFFFFD800  }
0x1e7: {  	_ =	swait.ge [sflag:s18], $0x2800  }
0x1e8: {  	[sflag:s18] =	ssyncset.done $0x0  }
0x1e9: {  	[sflag:s18] =	ssyncadd.s32 $0xFFFFD800  }
0x1ea: {  	_ =	swait.ge [sflag:s18], $0x2800  }
0x1eb: {  	[sflag:s18] =	ssyncset.done $0x0  }
0x1ec: {  	[sflag:s18] =	ssyncadd.s32 $0xFFFFD800  }
0x1ed: {  	_ =	swait.ge [sflag:s18], $0x2800  }
0x1ee: {  	s0 =	sld [smem:$0x7F4]  }
0x1ef: {  	[sflag:s18] =	ssyncset.done $0x0  }
0x1f0: {  	s22 =	simm.s32 $0xD000;
	s1 =	sld [smem:$0x7F5];
	[sflag:s18] =	ssyncadd.s32 $0xFFFFD800  }
0x1f1: {  	[hbm4b:s0+s9] =	stream.strided.scatter [tilespmem:s22], [sflag:$0x4], $0x2800, s3, s9, $0x38;
	[tilespmem:$0x19800] =	vst v63  }
0x1f2: {  	s12 =	sld [smem:$0x7F6]  }
0x1f3: {  	[hbm4b:s1+s9] =	stream.strided.scatter [tilespmem:s13], [sflag:$0x4], $0x2800, s3, s9, $0x38;
	[tilespmem:$0x19800] =	vst v63  }
0x1f4: {  	s19 =	sld [smem:$0x7F7]  }
0x1f5: {  	[hbm4b:s12+s9] =	stream.strided.scatter [tilespmem:s14], [sflag:$0x4], $0x2800, s3, s9, $0x38;
	[tilespmem:$0x19800] =	vst v63  }
0x1f6: {  	s23 =	sld [smem:$0x7F8]  }
0x1f7: {  	[hbm4b:s19+s9] =	stream.strided.scatter [tilespmem:s15], [sflag:$0x4], $0x2800, s3, s9, $0x38;
	[tilespmem:$0x19800] =	vst v63  }
0x1f8: {  	_ = 	snop  }
0x1f9: {  	[hbm4b:s23+s9] =	stream.strided.scatter [tilespmem:s16], [sflag:$0x4], $0x2800, s3, s9, $0x38;
	[tilespmem:$0x19800] =	vst v63  }
0x1fa: {  	_ =	swait.ge [sflag:s11], $0x2800  }
0x1fb: {  	[sflag:s11] =	ssyncset.done $0x0  }
0x1fc: {  	[sflag:s11] =	ssyncadd.s32 $0xFFFFD800  }
0x1fd: {  	_ =	swait.ge [sflag:s11], $0x2800  }
0x1fe: {  	[sflag:s11] =	ssyncset.done $0x0  }
0x1ff: {  	[sflag:s11] =	ssyncadd.s32 $0xFFFFD800  }
0x200: {  	_ =	swait.ge [sflag:s11], $0x2800  }
0x201: {  	[sflag:s11] =	ssyncset.done $0x0  }
0x202: {  	[sflag:s11] =	ssyncadd.s32 $0xFFFFD800  }
0x203: {  	_ =	swait.ge [sflag:s11], $0x2800  }
0x204: {  	[sflag:s11] =	ssyncset.done $0x0  }
0x205: {  	[sflag:s11] =	ssyncadd.s32 $0xFFFFD800  }
0x206: {  	_ =	swait.ge [sflag:s11], $0x2800  }
0x207: {  	[sflag:s11] =	ssyncset.done $0x0  }
0x208: {  	[sflag:s11] =	ssyncadd.s32 $0xFFFFD800  }
0x209: {  	_ =	swait.ge [sflag:s10], $0x2800  }
0x20a: {  	[sflag:s10] =	ssyncset.done $0x0  }
0x20b: {  	[sflag:s10] =	ssyncadd.s32 $0xFFFFD800  }
0x20c: {  	_ =	swait.ge [sflag:s10], $0x2800  }
0x20d: {  	[sflag:s10] =	ssyncset.done $0x0  }
0x20e: {  	[sflag:s10] =	ssyncadd.s32 $0xFFFFD800  }
0x20f: {  	_ =	swait.ge [sflag:s10], $0x2800  }
0x210: {  	[sflag:s10] =	ssyncset.done $0x0  }
0x211: {  	[sflag:s10] =	ssyncadd.s32 $0xFFFFD800  }
0x212: {  	_ =	swait.ge [sflag:s10], $0x2800  }
0x213: {  	[sflag:s10] =	ssyncset.done $0x0  }
0x214: {  	[sflag:s10] =	ssyncadd.s32 $0xFFFFD800  }
0x215: {  	_ =	swait.ge [sflag:s10], $0x2800  }
0x216: {  	s24 =	sld [smem:$0x7F9]  }
0x217: {  	[sflag:s10] =	ssyncset.done $0x0  }
0x218: {  	s25 =	sld [smem:$0x7FA];
	[sflag:s10] =	ssyncadd.s32 $0xFFFFD800  }
0x219: {  	[hbm4b:s24+s9] =	stream.strided.scatter [tilespmem:s3], [sflag:$0x3], $0x2800, s3, s9, $0x38;
	[tilespmem:$0x19800] =	vst v63  }
0x21a: {  	s26 =	sld [smem:$0x7FB]  }
0x21b: {  	[hbm4b:s25+s9] =	stream.strided.scatter [tilespmem:s30], [sflag:$0x3], $0x2800, s3, s9, $0x38;
	[tilespmem:$0x19800] =	vst v63  }
0x21c: {  	s28 =	sld [smem:$0x7FC]  }
0x21d: {  	[hbm4b:s26+s9] =	stream.strided.scatter [tilespmem:s5], [sflag:$0x3], $0x2800, s3, s9, $0x38;
	[tilespmem:$0x19800] =	vst v63  }
0x21e: {  	s29 =	sld [smem:$0x7FD]  }
0x21f: {  	[hbm4b:s28+s9] =	stream.strided.scatter [tilespmem:s6], [sflag:$0x3], $0x2800, s3, s9, $0x38;
	[tilespmem:$0x19800] =	vst v63  }
0x220: {  	_ = 	snop  }
0x221: {  	[hbm4b:s29+s9] =	stream.strided.scatter [tilespmem:s7], [sflag:$0x3], $0x2800, s3, s9, $0x38;
	[tilespmem:$0x19800] =	vst v63  }
0x222: {  	_ =	swait.ge [sflag:s8], $0x2800  }
0x223: {  	[sflag:s8] =	ssyncset.done $0x0  }
0x224: {  	[sflag:s8] =	ssyncadd.s32 $0xFFFFD800  }
0x225: {  	_ =	swait.ge [sflag:s8], $0x2800  }
0x226: {  	[sflag:s8] =	ssyncset.done $0x0  }
0x227: {  	[sflag:s8] =	ssyncadd.s32 $0xFFFFD800  }
0x228: {  	_ =	swait.ge [sflag:s8], $0x2800  }
0x229: {  	[sflag:s8] =	ssyncset.done $0x0  }
0x22a: {  	p1 =	sne.s32 s4, $0x1;
	[sflag:s8] =	ssyncadd.s32 $0xFFFFD800  }
.Ltmp1:
0x22b: {  	_ =	swait.ge [sflag:s8], $0x2800;
	(pc) =	sbr.rel @!p1 .LBB2_6-.Ltmp1, $4  }
0x22c: {  	[sflag:s8] =	ssyncset.done $0x0  }
0x22d: {  	[sflag:s8] =	ssyncadd.s32 $0xFFFFD800  }
0x22e: {  	p0 =	por $0x1, $0x1;
	_ =	swait.ge [sflag:s8], $0x2800  }
0x22f: {  	s20 =	sadd.s32 $0xFFFFFFFF, s4;
	s21 =	rddreg [dreg:$0x5];
	[sflag:s8] =	ssyncset.done $0x0  }
0x230: {  	s4 =	simm.s32 $0x0;
	s28 =	simm.s32 $0xA0  }
0x231: {  	s29 =	simm.s32 $0xF0;
	s12 =	simm.s32 $0x140;
	s26 =	simm.s32 $0x190  }
0x232: {  	s23 =	simm.s32 $0x1E0;
	s25 =	simm.s32 $0x230;
	s24 =	simm.s32 $0x280  }
.LBB2_3:
0x233: {  	[sflag:s8] =	ssyncadd.s32 $0xFFFFD800;
	s1 =	simm.s32 $0x5  }
0x234: {  	[tilespmem:s4], [sflag:$0x5] =	stream.linear.gather [hbm4b:s21+s4], $0x7D0, $0x38;
	[tilespmem:$0x19800] =	vst v63  }
0x235: {  	_ =	swait.ge [sflag:s1], $0x7D0  }
0x236: {  	[sflag:s1] =	ssyncset.done $0x0  }
0x237: {  	[sflag:s1] =	ssyncadd.s32 $0xFFFFF830  }
0x238: {  	[tilespmem:s3], [sflag:$0x1] =	stream.indirect.gather [hbm4b:s2+s17], $0x80, s4, s17, $0xb8;
	[tilespmem:$0x19800] =	vst v63  }
0x239: {  	_ = 	snop  }
0x23a: {  	[tilespmem:s30], [sflag:$0x1] =	stream.indirect.gather [hbm4b:s2+s17], $0x80, s17, s17, $0xb8;
	[tilespmem:$0x19800] =	vst v63  }
0x23b: {  	_ = 	snop  }
0x23c: {  	[tilespmem:s5], [sflag:$0x1] =	stream.indirect.gather [hbm4b:s2+s17], $0x80, s28, s17, $0xb8;
	[tilespmem:$0x19800] =	vst v63  }
0x23d: {  	_ = 	snop  }
0x23e: {  	[tilespmem:s6], [sflag:$0x1] =	stream.indirect.gather [hbm4b:s2+s17], $0x80, s29, s17, $0xb8;
	[tilespmem:$0x19800] =	vst v63  }
0x23f: {  	_ = 	snop  }
0x240: {  	[tilespmem:s7], [sflag:$0x1] =	stream.indirect.gather [hbm4b:s2+s17], $0x80, s12, s17, $0xb8;
	[tilespmem:$0x19800] =	vst v63  }
0x241: {  	_ = 	snop  }
0x242: {  	[tilespmem:s22], [sflag:$0x2] =	stream.indirect.gather [hbm4b:s2+s17], $0x80, s26, s17, $0xb8;
	[tilespmem:$0x19800] =	vst v63  }
0x243: {  	_ = 	snop  }
0x244: {  	[tilespmem:s13], [sflag:$0x2] =	stream.indirect.gather [hbm4b:s2+s17], $0x80, s23, s17, $0xb8;
	[tilespmem:$0x19800] =	vst v63  }
0x245: {  	_ = 	snop  }
0x246: {  	[tilespmem:s14], [sflag:$0x2] =	stream.indirect.gather [hbm4b:s2+s17], $0x80, s25, s17, $0xb8;
	[tilespmem:$0x19800] =	vst v63  }
0x247: {  	_ = 	snop  }
0x248: {  	[tilespmem:s15], [sflag:$0x2] =	stream.indirect.gather [hbm4b:s2+s17], $0x80, s24, s17, $0xb8;
	[tilespmem:$0x19800] =	vst v63  }
0x249: {  	_ = 	snop  }
0x24a: {  	[tilespmem:s16], [sflag:$0x2] =	stream.indirect.gather [hbm4b:s2+s17], $0x80, s31, s17, $0xb8;
	[tilespmem:$0x19800] =	vst v63  }
0x24b: {  	_ =	swait.ge [sflag:s10], $0x2800  }
0x24c: {  	[sflag:s10] =	ssyncset.done $0x0  }
0x24d: {  	[sflag:s10] =	ssyncadd.s32 $0xFFFFD800  }
0x24e: {  	_ =	swait.ge [sflag:s10], $0x2800  }
0x24f: {  	[sflag:s10] =	ssyncset.done $0x0  }
0x250: {  	[sflag:s10] =	ssyncadd.s32 $0xFFFFD800  }
0x251: {  	_ =	swait.ge [sflag:s10], $0x2800  }
0x252: {  	[sflag:s10] =	ssyncset.done $0x0  }
0x253: {  	[sflag:s10] =	ssyncadd.s32 $0xFFFFD800  }
0x254: {  	_ =	swait.ge [sflag:s10], $0x2800  }
0x255: {  	[sflag:s10] =	ssyncset.done $0x0  }
0x256: {  	[sflag:s10] =	ssyncadd.s32 $0xFFFFD800  }
0x257: {  	_ =	swait.ge [sflag:s10], $0x2800  }
0x258: {  	s0 =	sld [smem:$0x7E5]  }
0x259: {  	[sflag:s10] =	ssyncset.done $0x0  }
0x25a: {  	[sflag:s10] =	ssyncadd.s32 $0xFFFFD800  }
0x25b: {  	[hbm4b:s0+s9] =	stream.strided.scatter [tilespmem:s3], [sflag:$0x3], $0x2800, s3, s9, $0x38;
	[tilespmem:$0x19800] =	vst v63  }
0x25c: {  	s19 =	rddreg [dreg:$0x6]  }
0x25d: {  	[hbm4b:s19+s9] =	stream.strided.scatter [tilespmem:s30], [sflag:$0x3], $0x2800, s3, s9, $0x38;
	[tilespmem:$0x19800] =	vst v63  }
0x25e: {  	s31 =	rddreg [dreg:$0x7]  }
0x25f: {  	[hbm4b:s31+s9] =	stream.strided.scatter [tilespmem:s5], [sflag:$0x3], $0x2800, s3, s9, $0x38;
	[tilespmem:$0x19800] =	vst v63  }
0x260: {  	s19 =	rddreg [dreg:$0x8]  }
0x261: {  	[hbm4b:s19+s9] =	stream.strided.scatter [tilespmem:s6], [sflag:$0x3], $0x2800, s3, s9, $0x38;
	[tilespmem:$0x19800] =	vst v63  }
0x262: {  	s31 =	rddreg [dreg:$0x9]  }
0x263: {  	[hbm4b:s31+s9] =	stream.strided.scatter [tilespmem:s7], [sflag:$0x3], $0x2800, s3, s9, $0x38;
	[tilespmem:$0x19800] =	vst v63  }
0x264: {  	_ =	swait.ge [sflag:s8], $0x2800  }
0x265: {  	[sflag:s8] =	ssyncset.done $0x0  }
0x266: {  	[sflag:s8] =	ssyncadd.s32 $0xFFFFD800  }
0x267: {  	_ =	swait.ge [sflag:s8], $0x2800  }
0x268: {  	[sflag:s8] =	ssyncset.done $0x0  }
0x269: {  	[sflag:s8] =	ssyncadd.s32 $0xFFFFD800  }
0x26a: {  	_ =	swait.ge [sflag:s8], $0x2800  }
0x26b: {  	[sflag:s8] =	ssyncset.done $0x0  }
0x26c: {  	[sflag:s8] =	ssyncadd.s32 $0xFFFFD800  }
0x26d: {  	_ =	swait.ge [sflag:s8], $0x2800  }
0x26e: {  	[sflag:s8] =	ssyncset.done $0x0  }
0x26f: {  	[sflag:s8] =	ssyncadd.s32 $0xFFFFD800  }
0x270: {  	_ =	swait.ge [sflag:s8], $0x2800  }
0x271: {  	[sflag:s8] =	ssyncset.done $0x0  }
0x272: {  	s21 =	simm.s32 $0x320;
	[sflag:s8] =	ssyncadd.s32 $0xFFFFD800  }
0x273: {  	[tilespmem:s3], [sflag:$0x1] =	stream.indirect.gather [hbm4b:s2+s17], $0x80, s21, s17, $0xb8;
	[tilespmem:$0x19800] =	vst v63  }
0x274: {  	s19 =	simm.s32 $0x370  }
0x275: {  	[tilespmem:s30], [sflag:$0x1] =	stream.indirect.gather [hbm4b:s2+s17], $0x80, s19, s17, $0xb8;
	[tilespmem:$0x19800] =	vst v63  }
0x276: {  	s21 =	simm.s32 $0x3C0  }
0x277: {  	[tilespmem:s5], [sflag:$0x1] =	stream.indirect.gather [hbm4b:s2+s17], $0x80, s21, s17, $0xb8;
	[tilespmem:$0x19800] =	vst v63  }
0x278: {  	s19 =	simm.s32 $0x410  }
0x279: {  	[tilespmem:s6], [sflag:$0x1] =	stream.indirect.gather [hbm4b:s2+s17], $0x80, s19, s17, $0xb8;
	[tilespmem:$0x19800] =	vst v63  }
0x27a: {  	s21 =	simm.s32 $0x460  }
0x27b: {  	[tilespmem:s7], [sflag:$0x1] =	stream.indirect.gather [hbm4b:s2+s17], $0x80, s21, s17, $0xb8;
	[tilespmem:$0x19800] =	vst v63  }
0x27c: {  	_ =	swait.ge [sflag:s18], $0x2800  }
0x27d: {  	[sflag:s18] =	ssyncset.done $0x0  }
0x27e: {  	[sflag:s18] =	ssyncadd.s32 $0xFFFFD800  }
0x27f: {  	_ =	swait.ge [sflag:s18], $0x2800  }
0x280: {  	[sflag:s18] =	ssyncset.done $0x0  }
0x281: {  	[sflag:s18] =	ssyncadd.s32 $0xFFFFD800  }
0x282: {  	_ =	swait.ge [sflag:s18], $0x2800  }
0x283: {  	[sflag:s18] =	ssyncset.done $0x0  }
0x284: {  	[sflag:s18] =	ssyncadd.s32 $0xFFFFD800  }
0x285: {  	_ =	swait.ge [sflag:s18], $0x2800  }
0x286: {  	[sflag:s18] =	ssyncset.done $0x0  }
0x287: {  	[sflag:s18] =	ssyncadd.s32 $0xFFFFD800  }
0x288: {  	_ =	swait.ge [sflag:s18], $0x2800  }
0x289: {  	[sflag:s18] =	ssyncset.done $0x0  }
0x28a: {  	s19 =	rddreg [dreg:$0xa];
	[sflag:s18] =	ssyncadd.s32 $0xFFFFD800  }
0x28b: {  	[hbm4b:s19+s9] =	stream.strided.scatter [tilespmem:s22], [sflag:$0x4], $0x2800, s3, s9, $0x38;
	[tilespmem:$0x19800] =	vst v63  }
0x28c: {  	s31 =	rddreg [dreg:$0xb]  }
0x28d: {  	[hbm4b:s31+s9] =	stream.strided.scatter [tilespmem:s13], [sflag:$0x4], $0x2800, s3, s9, $0x38;
	[tilespmem:$0x19800] =	vst v63  }
0x28e: {  	s0 =	rddreg [dreg:$0xc]  }
0x28f: {  	[hbm4b:s0+s9] =	stream.strided.scatter [tilespmem:s14], [sflag:$0x4], $0x2800, s3, s9, $0x38;
	[tilespmem:$0x19800] =	vst v63  }
0x290: {  	s31 =	rddreg [dreg:$0xd]  }
0x291: {  	[hbm4b:s31+s9] =	stream.strided.scatter [tilespmem:s15], [sflag:$0x4], $0x2800, s3, s9, $0x38;
	[tilespmem:$0x19800] =	vst v63  }
0x292: {  	s19 =	rddreg [dreg:$0xe]  }
0x293: {  	[hbm4b:s19+s9] =	stream.strided.scatter [tilespmem:s16], [sflag:$0x4], $0x2800, s3, s9, $0x38;
	[tilespmem:$0x19800] =	vst v63  }
0x294: {  	_ =	swait.ge [sflag:s11], $0x2800  }
0x295: {  	[sflag:s11] =	ssyncset.done $0x0  }
0x296: {  	[sflag:s11] =	ssyncadd.s32 $0xFFFFD800  }
0x297: {  	_ =	swait.ge [sflag:s11], $0x2800  }
0x298: {  	[sflag:s11] =	ssyncset.done $0x0  }
0x299: {  	[sflag:s11] =	ssyncadd.s32 $0xFFFFD800  }
0x29a: {  	_ =	swait.ge [sflag:s11], $0x2800  }
0x29b: {  	[sflag:s11] =	ssyncset.done $0x0  }
0x29c: {  	[sflag:s11] =	ssyncadd.s32 $0xFFFFD800  }
0x29d: {  	_ =	swait.ge [sflag:s11], $0x2800  }
0x29e: {  	[sflag:s11] =	ssyncset.done $0x0  }
0x29f: {  	[sflag:s11] =	ssyncadd.s32 $0xFFFFD800  }
0x2a0: {  	_ =	swait.ge [sflag:s11], $0x2800  }
0x2a1: {  	[sflag:s11] =	ssyncset.done $0x0  }
0x2a2: {  	s21 =	simm.s32 $0x4B0;
	[sflag:s11] =	ssyncadd.s32 $0xFFFFD800  }
0x2a3: {  	[tilespmem:s22], [sflag:$0x2] =	stream.indirect.gather [hbm4b:s2+s17], $0x80, s21, s17, $0xb8;
	[tilespmem:$0x19800] =	vst v63  }
0x2a4: {  	s15 =	simm.s32 $0x500  }
0x2a5: {  	[tilespmem:s13], [sflag:$0x2] =	stream.indirect.gather [hbm4b:s2+s17], $0x80, s15, s17, $0xb8;
	[tilespmem:$0x19800] =	vst v63  }
0x2a6: {  	s16 =	simm.s32 $0x550  }
0x2a7: {  	[tilespmem:s14], [sflag:$0x2] =	stream.indirect.gather [hbm4b:s2+s17], $0x80, s16, s17, $0xb8;
	[tilespmem:$0x19800] =	vst v63  }
0x2a8: {  	s22 =	simm.s32 $0x5A0;
	s16 =	simm.s32 $0x14800  }
0x2a9: {  	[tilespmem:s16], [sflag:$0x2] =	stream.indirect.gather [hbm4b:s2+s17], $0x80, s22, s17, $0xb8;
	[tilespmem:$0x19800] =	vst v63  }
0x2aa: {  	s0 =	simm.s32 $0x5F0;
	s19 =	simm.s32 $0x17000  }
0x2ab: {  	[tilespmem:s19], [sflag:$0x2] =	stream.indirect.gather [hbm4b:s2+s17], $0x80, s0, s17, $0xb8;
	[tilespmem:$0x19800] =	vst v63  }
0x2ac: {  	_ =	swait.ge [sflag:s10], $0x2800  }
0x2ad: {  	[sflag:s10] =	ssyncset.done $0x0  }
0x2ae: {  	[sflag:s10] =	ssyncadd.s32 $0xFFFFD800  }
0x2af: {  	_ =	swait.ge [sflag:s10], $0x2800  }
0x2b0: {  	[sflag:s10] =	ssyncset.done $0x0  }
0x2b1: {  	[sflag:s10] =	ssyncadd.s32 $0xFFFFD800  }
0x2b2: {  	_ =	swait.ge [sflag:s10], $0x2800  }
0x2b3: {  	[sflag:s10] =	ssyncset.done $0x0  }
0x2b4: {  	[sflag:s10] =	ssyncadd.s32 $0xFFFFD800  }
0x2b5: {  	_ =	swait.ge [sflag:s10], $0x2800  }
0x2b6: {  	[sflag:s10] =	ssyncset.done $0x0  }
0x2b7: {  	[sflag:s10] =	ssyncadd.s32 $0xFFFFD800  }
0x2b8: {  	_ =	swait.ge [sflag:s10], $0x2800  }
0x2b9: {  	[sflag:s10] =	ssyncset.done $0x0  }
0x2ba: {  	s19 =	rddreg [dreg:$0xf];
	[sflag:s10] =	ssyncadd.s32 $0xFFFFD800  }
0x2bb: {  	[hbm4b:s19+s9] =	stream.strided.scatter [tilespmem:s3], [sflag:$0x3], $0x2800, s3, s9, $0x38;
	[tilespmem:$0x19800] =	vst v63  }
0x2bc: {  	s31 =	rddreg [dreg:$0x10]  }
0x2bd: {  	[hbm4b:s31+s9] =	stream.strided.scatter [tilespmem:s30], [sflag:$0x3], $0x2800, s3, s9, $0x38;
	[tilespmem:$0x19800] =	vst v63  }
0x2be: {  	s19 =	rddreg [dreg:$0x11]  }
0x2bf: {  	[hbm4b:s19+s9] =	stream.strided.scatter [tilespmem:s5], [sflag:$0x3], $0x2800, s3, s9, $0x38;
	[tilespmem:$0x19800] =	vst v63  }
0x2c0: {  	s31 =	rddreg [dreg:$0x12]  }
0x2c1: {  	[hbm4b:s31+s9] =	stream.strided.scatter [tilespmem:s6], [sflag:$0x3], $0x2800, s3, s9, $0x38;
	[tilespmem:$0x19800] =	vst v63  }
0x2c2: {  	s19 =	rddreg [dreg:$0x13]  }
0x2c3: {  	[hbm4b:s19+s9] =	stream.strided.scatter [tilespmem:s7], [sflag:$0x3], $0x2800, s3, s9, $0x38;
	[tilespmem:$0x19800] =	vst v63  }
0x2c4: {  	_ =	swait.ge [sflag:s8], $0x2800  }
0x2c5: {  	[sflag:s8] =	ssyncset.done $0x0  }
0x2c6: {  	[sflag:s8] =	ssyncadd.s32 $0xFFFFD800  }
0x2c7: {  	_ =	swait.ge [sflag:s8], $0x2800  }
0x2c8: {  	[sflag:s8] =	ssyncset.done $0x0  }
0x2c9: {  	[sflag:s8] =	ssyncadd.s32 $0xFFFFD800  }
0x2ca: {  	_ =	swait.ge [sflag:s8], $0x2800  }
0x2cb: {  	[sflag:s8] =	ssyncset.done $0x0  }
0x2cc: {  	[sflag:s8] =	ssyncadd.s32 $0xFFFFD800  }
0x2cd: {  	_ =	swait.ge [sflag:s8], $0x2800  }
0x2ce: {  	[sflag:s8] =	ssyncset.done $0x0  }
0x2cf: {  	[sflag:s8] =	ssyncadd.s32 $0xFFFFD800  }
0x2d0: {  	_ =	swait.ge [sflag:s8], $0x2800  }
0x2d1: {  	[sflag:s8] =	ssyncset.done $0x0  }
0x2d2: {  	s19 =	simm.s32 $0x640;
	[sflag:s8] =	ssyncadd.s32 $0xFFFFD800  }
0x2d3: {  	[tilespmem:s3], [sflag:$0x1] =	stream.indirect.gather [hbm4b:s2+s17], $0x80, s19, s17, $0xb8;
	[tilespmem:$0x19800] =	vst v63  }
0x2d4: {  	s21 =	simm.s32 $0x690  }
0x2d5: {  	[tilespmem:s30], [sflag:$0x1] =	stream.indirect.gather [hbm4b:s2+s17], $0x80, s21, s17, $0xb8;
	[tilespmem:$0x19800] =	vst v63  }
0x2d6: {  	s21 =	simm.s32 $0x6E0  }
0x2d7: {  	[tilespmem:s5], [sflag:$0x1] =	stream.indirect.gather [hbm4b:s2+s17], $0x80, s21, s17, $0xb8;
	[tilespmem:$0x19800] =	vst v63  }
0x2d8: {  	s21 =	simm.s32 $0x730  }
0x2d9: {  	[tilespmem:s6], [sflag:$0x1] =	stream.indirect.gather [hbm4b:s2+s17], $0x80, s21, s17, $0xb8;
	[tilespmem:$0x19800] =	vst v63  }
0x2da: {  	s21 =	simm.s32 $0x780  }
0x2db: {  	[tilespmem:s7], [sflag:$0x1] =	stream.indirect.gather [hbm4b:s2+s17], $0x80, s21, s17, $0xb8;
	[tilespmem:$0x19800] =	vst v63  }
0x2dc: {  	_ =	swait.ge [sflag:s18], $0x2800  }
0x2dd: {  	[sflag:s18] =	ssyncset.done $0x0  }
0x2de: {  	[sflag:s18] =	ssyncadd.s32 $0xFFFFD800  }
0x2df: {  	_ =	swait.ge [sflag:s18], $0x2800  }
0x2e0: {  	[sflag:s18] =	ssyncset.done $0x0  }
0x2e1: {  	[sflag:s18] =	ssyncadd.s32 $0xFFFFD800  }
0x2e2: {  	_ =	swait.ge [sflag:s18], $0x2800  }
0x2e3: {  	[sflag:s18] =	ssyncset.done $0x0  }
0x2e4: {  	[sflag:s18] =	ssyncadd.s32 $0xFFFFD800  }
0x2e5: {  	_ =	swait.ge [sflag:s18], $0x2800  }
0x2e6: {  	[sflag:s18] =	ssyncset.done $0x0  }
0x2e7: {  	[sflag:s18] =	ssyncadd.s32 $0xFFFFD800  }
0x2e8: {  	_ =	swait.ge [sflag:s18], $0x2800  }
0x2e9: {  	[sflag:s18] =	ssyncset.done $0x0  }
0x2ea: {  	s13 =	simm.s32 $0xD000;
	s21 =	rddreg [dreg:$0x14];
	[sflag:s18] =	ssyncadd.s32 $0xFFFFD800  }
0x2eb: {  	[hbm4b:s21+s9] =	stream.strided.scatter [tilespmem:s13], [sflag:$0x4], $0x2800, s3, s9, $0x38;
	[tilespmem:$0x19800] =	vst v63  }
0x2ec: {  	s14 =	simm.s32 $0xF800;
	s31 =	rddreg [dreg:$0x15]  }
0x2ed: {  	[hbm4b:s31+s9] =	stream.strided.scatter [tilespmem:s14], [sflag:$0x4], $0x2800, s3, s9, $0x38;
	[tilespmem:$0x19800] =	vst v63  }
0x2ee: {  	s15 =	simm.s32 $0x12000;
	s21 =	rddreg [dreg:$0x16]  }
0x2ef: {  	[hbm4b:s21+s9] =	stream.strided.scatter [tilespmem:s15], [sflag:$0x4], $0x2800, s3, s9, $0x38;
	[tilespmem:$0x19800] =	vst v63  }
0x2f0: {  	s31 =	rddreg [dreg:$0x17]  }
0x2f1: {  	[hbm4b:s31+s9] =	stream.strided.scatter [tilespmem:s16], [sflag:$0x4], $0x2800, s3, s9, $0x38;
	[tilespmem:$0x19800] =	vst v63  }
0x2f2: {  	s21 =	rddreg [dreg:$0x18];
	s16 =	simm.s32 $0x17000  }
0x2f3: {  	[hbm4b:s21+s9] =	stream.strided.scatter [tilespmem:s16], [sflag:$0x4], $0x2800, s3, s9, $0x38;
	[tilespmem:$0x19800] =	vst v63  }
0x2f4: {  	_ =	swait.ge [sflag:s11], $0x2800  }
0x2f5: {  	[sflag:s11] =	ssyncset.done $0x0  }
0x2f6: {  	[sflag:s11] =	ssyncadd.s32 $0xFFFFD800  }
0x2f7: {  	_ =	swait.ge [sflag:s11], $0x2800  }
0x2f8: {  	[sflag:s11] =	ssyncset.done $0x0  }
0x2f9: {  	[sflag:s11] =	ssyncadd.s32 $0xFFFFD800  }
0x2fa: {  	_ =	swait.ge [sflag:s11], $0x2800  }
0x2fb: {  	[sflag:s11] =	ssyncset.done $0x0  }
0x2fc: {  	[sflag:s11] =	ssyncadd.s32 $0xFFFFD800  }
0x2fd: {  	_ =	swait.ge [sflag:s11], $0x2800  }
0x2fe: {  	[sflag:s11] =	ssyncset.done $0x0  }
0x2ff: {  	[sflag:s11] =	ssyncadd.s32 $0xFFFFD800  }
0x300: {  	_ =	swait.ge [sflag:s11], $0x2800  }
0x301: {  	[sflag:s11] =	ssyncset.done $0x0  }
0x302: {  	[sflag:s11] =	ssyncadd.s32 $0xFFFFD800  }
0x303: {  	_ =	swait.ge [sflag:s10], $0x2800  }
0x304: {  	[sflag:s10] =	ssyncset.done $0x0  }
0x305: {  	[sflag:s10] =	ssyncadd.s32 $0xFFFFD800  }
0x306: {  	_ =	swait.ge [sflag:s10], $0x2800  }
0x307: {  	[sflag:s10] =	ssyncset.done $0x0  }
0x308: {  	[sflag:s10] =	ssyncadd.s32 $0xFFFFD800  }
0x309: {  	_ =	swait.ge [sflag:s10], $0x2800  }
0x30a: {  	[sflag:s10] =	ssyncset.done $0x0  }
0x30b: {  	[sflag:s10] =	ssyncadd.s32 $0xFFFFD800  }
0x30c: {  	_ =	swait.ge [sflag:s10], $0x2800  }
0x30d: {  	[sflag:s10] =	ssyncset.done $0x0  }
0x30e: {  	[sflag:s10] =	ssyncadd.s32 $0xFFFFD800  }
0x30f: {  	_ =	swait.ge [sflag:s10], $0x2800  }
0x310: {  	[sflag:s10] =	ssyncset.done $0x0  }
0x311: {  	s21 =	rddreg [dreg:$0x19];
	[sflag:s10] =	ssyncadd.s32 $0xFFFFD800  }
0x312: {  	[hbm4b:s21+s9] =	stream.strided.scatter [tilespmem:s3], [sflag:$0x3], $0x2800, s3, s9, $0x38;
	[tilespmem:$0x19800] =	vst v63  }
0x313: {  	s31 =	rddreg [dreg:$0x1a]  }
0x314: {  	[hbm4b:s31+s9] =	stream.strided.scatter [tilespmem:s30], [sflag:$0x3], $0x2800, s3, s9, $0x38;
	[tilespmem:$0x19800] =	vst v63  }
0x315: {  	s21 =	rddreg [dreg:$0x1b]  }
0x316: {  	[hbm4b:s21+s9] =	stream.strided.scatter [tilespmem:s5], [sflag:$0x3], $0x2800, s3, s9, $0x38;
	[tilespmem:$0x19800] =	vst v63  }
0x317: {  	s31 =	rddreg [dreg:$0x1c]  }
0x318: {  	[hbm4b:s31+s9] =	stream.strided.scatter [tilespmem:s6], [sflag:$0x3], $0x2800, s3, s9, $0x38;
	[tilespmem:$0x19800] =	vst v63  }
0x319: {  	s21 =	rddreg [dreg:$0x1d]  }
0x31a: {  	[hbm4b:s21+s9] =	stream.strided.scatter [tilespmem:s7], [sflag:$0x3], $0x2800, s3, s9, $0x38;
	[tilespmem:$0x19800] =	vst v63  }
0x31b: {  	_ =	swait.ge [sflag:s8], $0x2800  }
0x31c: {  	[sflag:s8] =	ssyncset.done $0x0  }
0x31d: {  	[sflag:s8] =	ssyncadd.s32 $0xFFFFD800  }
0x31e: {  	_ =	swait.ge [sflag:s8], $0x2800  }
0x31f: {  	[sflag:s8] =	ssyncset.done $0x0  }
0x320: {  	[sflag:s8] =	ssyncadd.s32 $0xFFFFD800  }
0x321: {  	_ =	swait.ge [sflag:s8], $0x2800  }
0x322: {  	[sflag:s8] =	ssyncset.done $0x0  }
0x323: {  	[sflag:s8] =	ssyncadd.s32 $0xFFFFD800  }
0x324: {  	_ =	swait.ge [sflag:s8], $0x2800  }
0x325: {  	[sflag:s8] =	ssyncset.done $0x0  }
0x326: {  	[sflag:s8] =	ssyncadd.s32 $0xFFFFD800  }
0x327: {  	_ =	swait.ge [sflag:s8], $0x2800  }
0x328: {  	[sflag:s8] =	ssyncset.done $0x0  }
0x329: {  	s21 =	rddreg [dreg:$0x1e];
	[sflag:s8] =	ssyncadd.s32 $0xFFFFD800  }
0x32a: {  	[tilespmem:s4], [sflag:$0x5] =	stream.linear.gather [hbm4b:s21+s4], $0x7D0, $0x38;
	[tilespmem:$0x19800] =	vst v63  }
0x32b: {  	_ =	swait.ge [sflag:s1], $0x7D0  }
0x32c: {  	[sflag:s1] =	ssyncset.done $0x0  }
0x32d: {  	[sflag:s1] =	ssyncadd.s32 $0xFFFFF830  }
0x32e: {  	[tilespmem:s3], [sflag:$0x1] =	stream.indirect.gather [hbm4b:s2+s17], $0x80, s4, s17, $0xb8;
	[tilespmem:$0x19800] =	vst v63  }
0x32f: {  	_ = 	snop  }
0x330: {  	[tilespmem:s30], [sflag:$0x1] =	stream.indirect.gather [hbm4b:s2+s17], $0x80, s17, s17, $0xb8;
	[tilespmem:$0x19800] =	vst v63  }
0x331: {  	_ = 	snop  }
0x332: {  	[tilespmem:s5], [sflag:$0x1] =	stream.indirect.gather [hbm4b:s2+s17], $0x80, s28, s17, $0xb8;
	[tilespmem:$0x19800] =	vst v63  }
0x333: {  	_ = 	snop  }
0x334: {  	[tilespmem:s6], [sflag:$0x1] =	stream.indirect.gather [hbm4b:s2+s17], $0x80, s29, s17, $0xb8;
	[tilespmem:$0x19800] =	vst v63  }
0x335: {  	_ = 	snop  }
0x336: {  	[tilespmem:s7], [sflag:$0x1] =	stream.indirect.gather [hbm4b:s2+s17], $0x80, s12, s17, $0xb8;
	[tilespmem:$0x19800] =	vst v63  }
0x337: {  	_ = 	snop  }
0x338: {  	[tilespmem:s13], [sflag:$0x2] =	stream.indirect.gather [hbm4b:s2+s17], $0x80, s26, s17, $0xb8;
	[tilespmem:$0x19800] =	vst v63  }
0x339: {  	_ = 	snop  }
0x33a: {  	[tilespmem:s14], [sflag:$0x2] =	stream.indirect.gather [hbm4b:s2+s17], $0x80, s23, s17, $0xb8;
	[tilespmem:$0x19800] =	vst v63  }
0x33b: {  	_ = 	snop  }
0x33c: {  	[tilespmem:s15], [sflag:$0x2] =	stream.indirect.gather [hbm4b:s2+s17], $0x80, s25, s17, $0xb8;
	[tilespmem:$0x19800] =	vst v63  }
0x33d: {  	s15 =	simm.s32 $0x14800  }
0x33e: {  	[tilespmem:s15], [sflag:$0x2] =	stream.indirect.gather [hbm4b:s2+s17], $0x80, s24, s17, $0xb8;
	[tilespmem:$0x19800] =	vst v63  }
0x33f: {  	s1 =	simm.s32 $0x2D0  }
0x340: {  	[tilespmem:s16], [sflag:$0x2] =	stream.indirect.gather [hbm4b:s2+s17], $0x80, s1, s17, $0xb8;
	[tilespmem:$0x19800] =	vst v63  }
0x341: {  	_ =	swait.ge [sflag:s10], $0x2800  }
0x342: {  	[sflag:s10] =	ssyncset.done $0x0  }
0x343: {  	[sflag:s10] =	ssyncadd.s32 $0xFFFFD800  }
0x344: {  	_ =	swait.ge [sflag:s10], $0x2800  }
0x345: {  	[sflag:s10] =	ssyncset.done $0x0  }
0x346: {  	[sflag:s10] =	ssyncadd.s32 $0xFFFFD800  }
0x347: {  	_ =	swait.ge [sflag:s10], $0x2800  }
0x348: {  	[sflag:s10] =	ssyncset.done $0x0  }
0x349: {  	[sflag:s10] =	ssyncadd.s32 $0xFFFFD800  }
0x34a: {  	_ =	swait.ge [sflag:s10], $0x2800  }
0x34b: {  	[sflag:s10] =	ssyncset.done $0x0  }
0x34c: {  	[sflag:s10] =	ssyncadd.s32 $0xFFFFD800  }
0x34d: {  	_ =	swait.ge [sflag:s10], $0x2800  }
0x34e: {  	s1 =	rddreg [dreg:$0x1f];
	[sflag:s10] =	ssyncset.done $0x0  }
0x34f: {  	s31 =	sld [smem:$0x7E6];
	[sflag:s10] =	ssyncadd.s32 $0xFFFFD800  }
0x350: {  	[hbm4b:s1+s9] =	stream.strided.scatter [tilespmem:s3], [sflag:$0x3], $0x2800, s3, s9, $0x38;
	[tilespmem:$0x19800] =	vst v63  }
0x351: {  	s1 =	sld [smem:$0x7E7]  }
0x352: {  	[hbm4b:s31+s9] =	stream.strided.scatter [tilespmem:s30], [sflag:$0x3], $0x2800, s3, s9, $0x38;
	[tilespmem:$0x19800] =	vst v63  }
0x353: {  	s31 =	sld [smem:$0x7E8]  }
0x354: {  	[hbm4b:s1+s9] =	stream.strided.scatter [tilespmem:s5], [sflag:$0x3], $0x2800, s3, s9, $0x38;
	[tilespmem:$0x19800] =	vst v63  }
0x355: {  	s1 =	sld [smem:$0x7E9]  }
0x356: {  	[hbm4b:s31+s9] =	stream.strided.scatter [tilespmem:s6], [sflag:$0x3], $0x2800, s3, s9, $0x38;
	[tilespmem:$0x19800] =	vst v63  }
0x357: {  	_ = 	snop  }
0x358: {  	[hbm4b:s1+s9] =	stream.strided.scatter [tilespmem:s7], [sflag:$0x3], $0x2800, s3, s9, $0x38;
	[tilespmem:$0x19800] =	vst v63  }
0x359: {  	_ =	swait.ge [sflag:s8], $0x2800  }
0x35a: {  	[sflag:s8] =	ssyncset.done $0x0  }
0x35b: {  	[sflag:s8] =	ssyncadd.s32 $0xFFFFD800  }
0x35c: {  	_ =	swait.ge [sflag:s8], $0x2800  }
0x35d: {  	[sflag:s8] =	ssyncset.done $0x0  }
0x35e: {  	[sflag:s8] =	ssyncadd.s32 $0xFFFFD800  }
0x35f: {  	_ =	swait.ge [sflag:s8], $0x2800  }
0x360: {  	[sflag:s8] =	ssyncset.done $0x0  }
0x361: {  	[sflag:s8] =	ssyncadd.s32 $0xFFFFD800  }
0x362: {  	_ =	swait.ge [sflag:s8], $0x2800  }
0x363: {  	[sflag:s8] =	ssyncset.done $0x0  }
0x364: {  	[sflag:s8] =	ssyncadd.s32 $0xFFFFD800  }
0x365: {  	_ =	swait.ge [sflag:s8], $0x2800  }
0x366: {  	[sflag:s8] =	ssyncset.done $0x0  }
0x367: {  	s21 =	simm.s32 $0x320;
	[sflag:s8] =	ssyncadd.s32 $0xFFFFD800  }
0x368: {  	[tilespmem:s3], [sflag:$0x1] =	stream.indirect.gather [hbm4b:s2+s17], $0x80, s21, s17, $0xb8;
	[tilespmem:$0x19800] =	vst v63  }
0x369: {  	s21 =	simm.s32 $0x370  }
0x36a: {  	[tilespmem:s30], [sflag:$0x1] =	stream.indirect.gather [hbm4b:s2+s17], $0x80, s21, s17, $0xb8;
	[tilespmem:$0x19800] =	vst v63  }
0x36b: {  	s21 =	simm.s32 $0x3C0  }
0x36c: {  	[tilespmem:s5], [sflag:$0x1] =	stream.indirect.gather [hbm4b:s2+s17], $0x80, s21, s17, $0xb8;
	[tilespmem:$0x19800] =	vst v63  }
0x36d: {  	s21 =	simm.s32 $0x410  }
0x36e: {  	[tilespmem:s6], [sflag:$0x1] =	stream.indirect.gather [hbm4b:s2+s17], $0x80, s21, s17, $0xb8;
	[tilespmem:$0x19800] =	vst v63  }
0x36f: {  	s21 =	simm.s32 $0x460  }
0x370: {  	[tilespmem:s7], [sflag:$0x1] =	stream.indirect.gather [hbm4b:s2+s17], $0x80, s21, s17, $0xb8;
	[tilespmem:$0x19800] =	vst v63  }
0x371: {  	_ =	swait.ge [sflag:s18], $0x2800  }
0x372: {  	[sflag:s18] =	ssyncset.done $0x0  }
0x373: {  	[sflag:s18] =	ssyncadd.s32 $0xFFFFD800  }
0x374: {  	_ =	swait.ge [sflag:s18], $0x2800  }
0x375: {  	[sflag:s18] =	ssyncset.done $0x0  }
0x376: {  	[sflag:s18] =	ssyncadd.s32 $0xFFFFD800  }
0x377: {  	_ =	swait.ge [sflag:s18], $0x2800  }
0x378: {  	[sflag:s18] =	ssyncset.done $0x0  }
0x379: {  	[sflag:s18] =	ssyncadd.s32 $0xFFFFD800  }
0x37a: {  	_ =	swait.ge [sflag:s18], $0x2800  }
0x37b: {  	[sflag:s18] =	ssyncset.done $0x0  }
0x37c: {  	[sflag:s18] =	ssyncadd.s32 $0xFFFFD800  }
0x37d: {  	_ =	swait.ge [sflag:s18], $0x2800  }
0x37e: {  	s1 =	sld [smem:$0x7EA]  }
0x37f: {  	[sflag:s18] =	ssyncset.done $0x0  }
0x380: {  	s31 =	sld [smem:$0x7EB];
	[sflag:s18] =	ssyncadd.s32 $0xFFFFD800  }
0x381: {  	[hbm4b:s1+s9] =	stream.strided.scatter [tilespmem:s13], [sflag:$0x4], $0x2800, s3, s9, $0x38;
	[tilespmem:$0x19800] =	vst v63  }
0x382: {  	s1 =	sld [smem:$0x7EC]  }
0x383: {  	[hbm4b:s31+s9] =	stream.strided.scatter [tilespmem:s14], [sflag:$0x4], $0x2800, s3, s9, $0x38;
	[tilespmem:$0x19800] =	vst v63  }
0x384: {  	s14 =	simm.s32 $0x12000;
	s31 =	sld [smem:$0x7ED]  }
0x385: {  	[hbm4b:s1+s9] =	stream.strided.scatter [tilespmem:s14], [sflag:$0x4], $0x2800, s3, s9, $0x38;
	[tilespmem:$0x19800] =	vst v63  }
0x386: {  	s1 =	sld [smem:$0x7EE]  }
0x387: {  	[hbm4b:s31+s9] =	stream.strided.scatter [tilespmem:s15], [sflag:$0x4], $0x2800, s3, s9, $0x38;
	[tilespmem:$0x19800] =	vst v63  }
0x388: {  	_ = 	snop  }
0x389: {  	[hbm4b:s1+s9] =	stream.strided.scatter [tilespmem:s16], [sflag:$0x4], $0x2800, s3, s9, $0x38;
	[tilespmem:$0x19800] =	vst v63  }
0x38a: {  	_ =	swait.ge [sflag:s11], $0x2800  }
0x38b: {  	[sflag:s11] =	ssyncset.done $0x0  }
0x38c: {  	[sflag:s11] =	ssyncadd.s32 $0xFFFFD800  }
0x38d: {  	_ =	swait.ge [sflag:s11], $0x2800  }
0x38e: {  	[sflag:s11] =	ssyncset.done $0x0  }
0x38f: {  	[sflag:s11] =	ssyncadd.s32 $0xFFFFD800  }
0x390: {  	_ =	swait.ge [sflag:s11], $0x2800  }
0x391: {  	[sflag:s11] =	ssyncset.done $0x0  }
0x392: {  	[sflag:s11] =	ssyncadd.s32 $0xFFFFD800  }
0x393: {  	_ =	swait.ge [sflag:s11], $0x2800  }
0x394: {  	[sflag:s11] =	ssyncset.done $0x0  }
0x395: {  	[sflag:s11] =	ssyncadd.s32 $0xFFFFD800  }
0x396: {  	_ =	swait.ge [sflag:s11], $0x2800  }
0x397: {  	[sflag:s11] =	ssyncset.done $0x0  }
0x398: {  	s21 =	simm.s32 $0x4B0;
	[sflag:s11] =	ssyncadd.s32 $0xFFFFD800  }
0x399: {  	[tilespmem:s13], [sflag:$0x2] =	stream.indirect.gather [hbm4b:s2+s17], $0x80, s21, s17, $0xb8;
	[tilespmem:$0x19800] =	vst v63  }
0x39a: {  	s13 =	simm.s32 $0xF800;
	s21 =	simm.s32 $0x500  }
0x39b: {  	[tilespmem:s13], [sflag:$0x2] =	stream.indirect.gather [hbm4b:s2+s17], $0x80, s21, s17, $0xb8;
	[tilespmem:$0x19800] =	vst v63  }
0x39c: {  	s21 =	simm.s32 $0x550  }
0x39d: {  	[tilespmem:s14], [sflag:$0x2] =	stream.indirect.gather [hbm4b:s2+s17], $0x80, s21, s17, $0xb8;
	[tilespmem:$0x19800] =	vst v63  }
0x39e: {  	_ = 	snop  }
0x39f: {  	[tilespmem:s15], [sflag:$0x2] =	stream.indirect.gather [hbm4b:s2+s17], $0x80, s22, s17, $0xb8;
	[tilespmem:$0x19800] =	vst v63  }
0x3a0: {  	_ = 	snop  }
0x3a1: {  	[tilespmem:s16], [sflag:$0x2] =	stream.indirect.gather [hbm4b:s2+s17], $0x80, s0, s17, $0xb8;
	[tilespmem:$0x19800] =	vst v63  }
0x3a2: {  	_ =	swait.ge [sflag:s10], $0x2800  }
0x3a3: {  	[sflag:s10] =	ssyncset.done $0x0  }
0x3a4: {  	[sflag:s10] =	ssyncadd.s32 $0xFFFFD800  }
0x3a5: {  	_ =	swait.ge [sflag:s10], $0x2800  }
0x3a6: {  	[sflag:s10] =	ssyncset.done $0x0  }
0x3a7: {  	[sflag:s10] =	ssyncadd.s32 $0xFFFFD800  }
0x3a8: {  	_ =	swait.ge [sflag:s10], $0x2800  }
0x3a9: {  	[sflag:s10] =	ssyncset.done $0x0  }
0x3aa: {  	[sflag:s10] =	ssyncadd.s32 $0xFFFFD800  }
0x3ab: {  	_ =	swait.ge [sflag:s10], $0x2800  }
0x3ac: {  	[sflag:s10] =	ssyncset.done $0x0  }
0x3ad: {  	[sflag:s10] =	ssyncadd.s32 $0xFFFFD800  }
0x3ae: {  	_ =	swait.ge [sflag:s10], $0x2800  }
0x3af: {  	s1 =	sld [smem:$0x7EF]  }
0x3b0: {  	[sflag:s10] =	ssyncset.done $0x0  }
0x3b1: {  	s31 =	sld [smem:$0x7F0];
	[sflag:s10] =	ssyncadd.s32 $0xFFFFD800  }
0x3b2: {  	[hbm4b:s1+s9] =	stream.strided.scatter [tilespmem:s3], [sflag:$0x3], $0x2800, s3, s9, $0x38;
	[tilespmem:$0x19800] =	vst v63  }
0x3b3: {  	s0 =	sld [smem:$0x7F1]  }
0x3b4: {  	[hbm4b:s31+s9] =	stream.strided.scatter [tilespmem:s30], [sflag:$0x3], $0x2800, s3, s9, $0x38;
	[tilespmem:$0x19800] =	vst v63  }
0x3b5: {  	s31 =	sld [smem:$0x7F2]  }
0x3b6: {  	[hbm4b:s0+s9] =	stream.strided.scatter [tilespmem:s5], [sflag:$0x3], $0x2800, s3, s9, $0x38;
	[tilespmem:$0x19800] =	vst v63  }
0x3b7: {  	s1 =	sld [smem:$0x7F3]  }
0x3b8: {  	[hbm4b:s31+s9] =	stream.strided.scatter [tilespmem:s6], [sflag:$0x3], $0x2800, s3, s9, $0x38;
	[tilespmem:$0x19800] =	vst v63  }
0x3b9: {  	_ = 	snop  }
0x3ba: {  	[hbm4b:s1+s9] =	stream.strided.scatter [tilespmem:s7], [sflag:$0x3], $0x2800, s3, s9, $0x38;
	[tilespmem:$0x19800] =	vst v63  }
0x3bb: {  	_ =	swait.ge [sflag:s8], $0x2800  }
0x3bc: {  	[sflag:s8] =	ssyncset.done $0x0  }
0x3bd: {  	[sflag:s8] =	ssyncadd.s32 $0xFFFFD800  }
0x3be: {  	_ =	swait.ge [sflag:s8], $0x2800  }
0x3bf: {  	[sflag:s8] =	ssyncset.done $0x0  }
0x3c0: {  	[sflag:s8] =	ssyncadd.s32 $0xFFFFD800  }
0x3c1: {  	_ =	swait.ge [sflag:s8], $0x2800  }
0x3c2: {  	[sflag:s8] =	ssyncset.done $0x0  }
0x3c3: {  	[sflag:s8] =	ssyncadd.s32 $0xFFFFD800  }
0x3c4: {  	_ =	swait.ge [sflag:s8], $0x2800  }
0x3c5: {  	[sflag:s8] =	ssyncset.done $0x0  }
0x3c6: {  	[sflag:s8] =	ssyncadd.s32 $0xFFFFD800  }
0x3c7: {  	_ =	swait.ge [sflag:s8], $0x2800  }
0x3c8: {  	[sflag:s8] =	ssyncset.done $0x0  }
0x3c9: {  	[sflag:s8] =	ssyncadd.s32 $0xFFFFD800  }
0x3ca: {  	[tilespmem:s3], [sflag:$0x1] =	stream.indirect.gather [hbm4b:s2+s17], $0x80, s19, s17, $0xb8;
	[tilespmem:$0x19800] =	vst v63  }
0x3cb: {  	s21 =	simm.s32 $0x690  }
0x3cc: {  	[tilespmem:s30], [sflag:$0x1] =	stream.indirect.gather [hbm4b:s2+s17], $0x80, s21, s17, $0xb8;
	[tilespmem:$0x19800] =	vst v63  }
0x3cd: {  	s1 =	simm.s32 $0x6E0  }
0x3ce: {  	[tilespmem:s5], [sflag:$0x1] =	stream.indirect.gather [hbm4b:s2+s17], $0x80, s1, s17, $0xb8;
	[tilespmem:$0x19800] =	vst v63  }
0x3cf: {  	s19 =	simm.s32 $0x730  }
0x3d0: {  	[tilespmem:s6], [sflag:$0x1] =	stream.indirect.gather [hbm4b:s2+s17], $0x80, s19, s17, $0xb8;
	[tilespmem:$0x19800] =	vst v63  }
0x3d1: {  	s21 =	simm.s32 $0x780  }
0x3d2: {  	[tilespmem:s7], [sflag:$0x1] =	stream.indirect.gather [hbm4b:s2+s17], $0x80, s21, s17, $0xb8;
	[tilespmem:$0x19800] =	vst v63  }
0x3d3: {  	_ =	swait.ge [sflag:s18], $0x2800  }
0x3d4: {  	[sflag:s18] =	ssyncset.done $0x0  }
0x3d5: {  	[sflag:s18] =	ssyncadd.s32 $0xFFFFD800  }
0x3d6: {  	_ =	swait.ge [sflag:s18], $0x2800  }
0x3d7: {  	[sflag:s18] =	ssyncset.done $0x0  }
0x3d8: {  	[sflag:s18] =	ssyncadd.s32 $0xFFFFD800  }
0x3d9: {  	_ =	swait.ge [sflag:s18], $0x2800  }
0x3da: {  	[sflag:s18] =	ssyncset.done $0x0  }
0x3db: {  	[sflag:s18] =	ssyncadd.s32 $0xFFFFD800  }
0x3dc: {  	_ =	swait.ge [sflag:s18], $0x2800  }
0x3dd: {  	[sflag:s18] =	ssyncset.done $0x0  }
0x3de: {  	[sflag:s18] =	ssyncadd.s32 $0xFFFFD800  }
0x3df: {  	_ =	swait.ge [sflag:s18], $0x2800  }
0x3e0: {  	s0 =	sld [smem:$0x7F4]  }
0x3e1: {  	[sflag:s18] =	ssyncset.done $0x0  }
0x3e2: {  	s22 =	simm.s32 $0xD000;
	s31 =	sld [smem:$0x7F5];
	[sflag:s18] =	ssyncadd.s32 $0xFFFFD800  }
0x3e3: {  	[hbm4b:s0+s9] =	stream.strided.scatter [tilespmem:s22], [sflag:$0x4], $0x2800, s3, s9, $0x38;
	[tilespmem:$0x19800] =	vst v63  }
0x3e4: {  	s1 =	sld [smem:$0x7F6]  }
0x3e5: {  	[hbm4b:s31+s9] =	stream.strided.scatter [tilespmem:s13], [sflag:$0x4], $0x2800, s3, s9, $0x38;
	[tilespmem:$0x19800] =	vst v63  }
0x3e6: {  	s31 =	sld [smem:$0x7F7]  }
0x3e7: {  	[hbm4b:s1+s9] =	stream.strided.scatter [tilespmem:s14], [sflag:$0x4], $0x2800, s3, s9, $0x38;
	[tilespmem:$0x19800] =	vst v63  }
0x3e8: {  	s19 =	sld [smem:$0x7F8]  }
0x3e9: {  	[hbm4b:s31+s9] =	stream.strided.scatter [tilespmem:s15], [sflag:$0x4], $0x2800, s3, s9, $0x38;
	[tilespmem:$0x19800] =	vst v63  }
0x3ea: {  	_ = 	snop  }
0x3eb: {  	[hbm4b:s19+s9] =	stream.strided.scatter [tilespmem:s16], [sflag:$0x4], $0x2800, s3, s9, $0x38;
	[tilespmem:$0x19800] =	vst v63  }
0x3ec: {  	_ =	swait.ge [sflag:s11], $0x2800  }
0x3ed: {  	[sflag:s11] =	ssyncset.done $0x0  }
0x3ee: {  	[sflag:s11] =	ssyncadd.s32 $0xFFFFD800  }
0x3ef: {  	_ =	swait.ge [sflag:s11], $0x2800  }
0x3f0: {  	[sflag:s11] =	ssyncset.done $0x0  }
0x3f1: {  	[sflag:s11] =	ssyncadd.s32 $0xFFFFD800  }
0x3f2: {  	_ =	swait.ge [sflag:s11], $0x2800  }
0x3f3: {  	[sflag:s11] =	ssyncset.done $0x0  }
0x3f4: {  	[sflag:s11] =	ssyncadd.s32 $0xFFFFD800  }
0x3f5: {  	_ =	swait.ge [sflag:s11], $0x2800  }
0x3f6: {  	[sflag:s11] =	ssyncset.done $0x0  }
0x3f7: {  	[sflag:s11] =	ssyncadd.s32 $0xFFFFD800  }
0x3f8: {  	_ =	swait.ge [sflag:s11], $0x2800  }
0x3f9: {  	[sflag:s11] =	ssyncset.done $0x0  }
0x3fa: {  	[sflag:s11] =	ssyncadd.s32 $0xFFFFD800  }
0x3fb: {  	_ =	swait.ge [sflag:s10], $0x2800  }
0x3fc: {  	[sflag:s10] =	ssyncset.done $0x0  }
0x3fd: {  	[sflag:s10] =	ssyncadd.s32 $0xFFFFD800  }
0x3fe: {  	_ =	swait.ge [sflag:s10], $0x2800  }
0x3ff: {  	[sflag:s10] =	ssyncset.done $0x0  }
0x400: {  	[sflag:s10] =	ssyncadd.s32 $0xFFFFD800  }
0x401: {  	_ =	swait.ge [sflag:s10], $0x2800  }
0x402: {  	[sflag:s10] =	ssyncset.done $0x0  }
0x403: {  	[sflag:s10] =	ssyncadd.s32 $0xFFFFD800  }
0x404: {  	_ =	swait.ge [sflag:s10], $0x2800  }
0x405: {  	[sflag:s10] =	ssyncset.done $0x0  }
0x406: {  	[sflag:s10] =	ssyncadd.s32 $0xFFFFD800  }
0x407: {  	_ =	swait.ge [sflag:s10], $0x2800  }
0x408: {  	s0 =	sld [smem:$0x7F9]  }
0x409: {  	[sflag:s10] =	ssyncset.done $0x0  }
0x40a: {  	s31 =	sld [smem:$0x7FA];
	[sflag:s10] =	ssyncadd.s32 $0xFFFFD800  }
0x40b: {  	[hbm4b:s0+s9] =	stream.strided.scatter [tilespmem:s3], [sflag:$0x3], $0x2800, s3, s9, $0x38;
	[tilespmem:$0x19800] =	vst v63  }
0x40c: {  	s1 =	sld [smem:$0x7FB]  }
0x40d: {  	[hbm4b:s31+s9] =	stream.strided.scatter [tilespmem:s30], [sflag:$0x3], $0x2800, s3, s9, $0x38;
	[tilespmem:$0x19800] =	vst v63  }
0x40e: {  	s31 =	sld [smem:$0x7FC]  }
0x40f: {  	[hbm4b:s1+s9] =	stream.strided.scatter [tilespmem:s5], [sflag:$0x3], $0x2800, s3, s9, $0x38;
	[tilespmem:$0x19800] =	vst v63  }
0x410: {  	s19 =	sld [smem:$0x7FD]  }
0x411: {  	[hbm4b:s31+s9] =	stream.strided.scatter [tilespmem:s6], [sflag:$0x3], $0x2800, s3, s9, $0x38;
	[tilespmem:$0x19800] =	vst v63  }
0x412: {  	_ = 	snop  }
0x413: {  	[hbm4b:s19+s9] =	stream.strided.scatter [tilespmem:s7], [sflag:$0x3], $0x2800, s3, s9, $0x38;
	[tilespmem:$0x19800] =	vst v63  }
0x414: {  	_ =	swait.ge [sflag:s8], $0x2800  }
0x415: {  	[sflag:s8] =	ssyncset.done $0x0  }
0x416: {  	[sflag:s8] =	ssyncadd.s32 $0xFFFFD800  }
0x417: {  	_ =	swait.ge [sflag:s8], $0x2800  }
0x418: {  	[sflag:s8] =	ssyncset.done $0x0  }
0x419: {  	[sflag:s8] =	ssyncadd.s32 $0xFFFFD800  }
0x41a: {  	_ =	swait.ge [sflag:s8], $0x2800  }
0x41b: {  	[sflag:s8] =	ssyncset.done $0x0  }
0x41c: {  	p1 =	sne.s32 s20, $0x1;
	[sflag:s8] =	ssyncadd.s32 $0xFFFFD800  }
.Ltmp2:
0x41d: {  	_ =	swait.ge [sflag:s8], $0x2800;
	(pc) =	sbr.rel @p1 .LBB2_3-.Ltmp2, $4  }
0x41e: {  	[sflag:s8] =	ssyncset.done $0x0  }
0x41f: {  	[sflag:s8] =	ssyncadd.s32 $0xFFFFD800  }
0x420: {  	s20 =	sadd.s32 $0xFFFFFFFF, s20;
	_ =	swait.ge [sflag:s8], $0x2800  }
0x421: {  	s31 =	simm.s32 $0x2D0;
	s21 =	rddreg [dreg:$0x5];
	[sflag:s8] =	ssyncset.done $0x0  }
0x422: {  	s28 =	stileid.u32;
	s20 =	simm.s32 $0xA0  }
0x423: {  	s0 =	simm.s32 $0xF0;
	s23 =	simm.s32 $0x140;
	s24 =	simm.s32 $0x190  }
0x424: {  	s1 =	simm.s32 $0x1E0;
	s25 =	simm.s32 $0x230;
	s4 =	simm.s32 $0x280  }
0x425: {  	s29 =	sld [smem:$0x7E5];
	s19 =	simm.s32 $0x0;
	s12 =	simm.s32 $0x5  }
.LBB2_5:
0x426: {  	[sflag:s8] =	ssyncadd.s32 @p0 $0xFFFFD800  }
0x427: {  	[tilespmem:s19], [sflag:$0x5] =	stream.linear.gather [hbm4b:s21+s19], $0x7D0, $0x38;
	[tilespmem:$0x19800] =	vst v63  }
0x428: {  	_ =	swait.ge [sflag:s12], $0x7D0  }
0x429: {  	[sflag:s12] =	ssyncset.done $0x0  }
0x42a: {  	[sflag:s12] =	ssyncadd.s32 $0xFFFFF830  }
0x42b: {  	[tilespmem:s3], [sflag:$0x1] =	stream.indirect.gather [hbm4b:s2+s17], $0x80, s19, s17, $0xb8;
	[tilespmem:$0x19800] =	vst v63  }
0x42c: {  	_ = 	snop  }
0x42d: {  	[tilespmem:s30], [sflag:$0x1] =	stream.indirect.gather [hbm4b:s2+s17], $0x80, s17, s17, $0xb8;
	[tilespmem:$0x19800] =	vst v63  }
0x42e: {  	_ = 	snop  }
0x42f: {  	[tilespmem:s5], [sflag:$0x1] =	stream.indirect.gather [hbm4b:s2+s17], $0x80, s20, s17, $0xb8;
	[tilespmem:$0x19800] =	vst v63  }
0x430: {  	_ = 	snop  }
0x431: {  	[tilespmem:s6], [sflag:$0x1] =	stream.indirect.gather [hbm4b:s2+s17], $0x80, s0, s17, $0xb8;
	[tilespmem:$0x19800] =	vst v63  }
0x432: {  	_ = 	snop  }
0x433: {  	[tilespmem:s7], [sflag:$0x1] =	stream.indirect.gather [hbm4b:s2+s17], $0x80, s23, s17, $0xb8;
	[tilespmem:$0x19800] =	vst v63  }
0x434: {  	_ = 	snop  }
0x435: {  	[tilespmem:s22], [sflag:$0x2] =	stream.indirect.gather [hbm4b:s2+s17], $0x80, s24, s17, $0xb8;
	[tilespmem:$0x19800] =	vst v63  }
0x436: {  	_ = 	snop  }
0x437: {  	[tilespmem:s13], [sflag:$0x2] =	stream.indirect.gather [hbm4b:s2+s17], $0x80, s1, s17, $0xb8;
	[tilespmem:$0x19800] =	vst v63  }
0x438: {  	_ = 	snop  }
0x439: {  	[tilespmem:s14], [sflag:$0x2] =	stream.indirect.gather [hbm4b:s2+s17], $0x80, s25, s17, $0xb8;
	[tilespmem:$0x19800] =	vst v63  }
0x43a: {  	_ = 	snop  }
0x43b: {  	[tilespmem:s15], [sflag:$0x2] =	stream.indirect.gather [hbm4b:s2+s17], $0x80, s4, s17, $0xb8;
	[tilespmem:$0x19800] =	vst v63  }
0x43c: {  	_ = 	snop  }
0x43d: {  	[tilespmem:s16], [sflag:$0x2] =	stream.indirect.gather [hbm4b:s2+s17], $0x80, s31, s17, $0xb8;
	[tilespmem:$0x19800] =	vst v63  }
0x43e: {  	_ =	swait.ge [sflag:s10], $0x2800  }
0x43f: {  	[sflag:s10] =	ssyncset.done $0x0  }
0x440: {  	[sflag:s10] =	ssyncadd.s32 $0xFFFFD800  }
0x441: {  	_ =	swait.ge [sflag:s10], $0x2800  }
0x442: {  	[sflag:s10] =	ssyncset.done $0x0  }
0x443: {  	[sflag:s10] =	ssyncadd.s32 $0xFFFFD800  }
0x444: {  	_ =	swait.ge [sflag:s10], $0x2800  }
0x445: {  	[sflag:s10] =	ssyncset.done $0x0  }
0x446: {  	[sflag:s10] =	ssyncadd.s32 $0xFFFFD800  }
0x447: {  	_ =	swait.ge [sflag:s10], $0x2800  }
0x448: {  	[sflag:s10] =	ssyncset.done $0x0  }
0x449: {  	[sflag:s10] =	ssyncadd.s32 $0xFFFFD800  }
0x44a: {  	_ =	swait.ge [sflag:s10], $0x2800  }
0x44b: {  	[sflag:s10] =	ssyncset.done $0x0  }
0x44c: {  	[sflag:s10] =	ssyncadd.s32 $0xFFFFD800  }
0x44d: {  	[hbm4b:s29+s9] =	stream.strided.scatter [tilespmem:s3], [sflag:$0x3], $0x2800, s3, s9, $0x38;
	[tilespmem:$0x19800] =	vst v63  }
0x44e: {  	s26 =	rddreg [dreg:$0x6]  }
0x44f: {  	[hbm4b:s26+s9] =	stream.strided.scatter [tilespmem:s30], [sflag:$0x3], $0x2800, s3, s9, $0x38;
	[tilespmem:$0x19800] =	vst v63  }
0x450: {  	s31 =	rddreg [dreg:$0x7]  }
0x451: {  	[hbm4b:s31+s9] =	stream.strided.scatter [tilespmem:s5], [sflag:$0x3], $0x2800, s3, s9, $0x38;
	[tilespmem:$0x19800] =	vst v63  }
0x452: {  	s0 =	rddreg [dreg:$0x8]  }
0x453: {  	[hbm4b:s0+s9] =	stream.strided.scatter [tilespmem:s6], [sflag:$0x3], $0x2800, s3, s9, $0x38;
	[tilespmem:$0x19800] =	vst v63  }
0x454: {  	s4 =	rddreg [dreg:$0x9]  }
0x455: {  	[hbm4b:s4+s9] =	stream.strided.scatter [tilespmem:s7], [sflag:$0x3], $0x2800, s3, s9, $0x38;
	[tilespmem:$0x19800] =	vst v63  }
0x456: {  	_ =	swait.ge [sflag:s8], $0x2800  }
0x457: {  	[sflag:s8] =	ssyncset.done $0x0  }
0x458: {  	[sflag:s8] =	ssyncadd.s32 $0xFFFFD800  }
0x459: {  	_ =	swait.ge [sflag:s8], $0x2800  }
0x45a: {  	[sflag:s8] =	ssyncset.done $0x0  }
0x45b: {  	[sflag:s8] =	ssyncadd.s32 $0xFFFFD800  }
0x45c: {  	_ =	swait.ge [sflag:s8], $0x2800  }
0x45d: {  	[sflag:s8] =	ssyncset.done $0x0  }
0x45e: {  	[sflag:s8] =	ssyncadd.s32 $0xFFFFD800  }
0x45f: {  	_ =	swait.ge [sflag:s8], $0x2800  }
0x460: {  	[sflag:s8] =	ssyncset.done $0x0  }
0x461: {  	[sflag:s8] =	ssyncadd.s32 $0xFFFFD800  }
0x462: {  	_ =	swait.ge [sflag:s8], $0x2800  }
0x463: {  	[sflag:s8] =	ssyncset.done $0x0  }
0x464: {  	s21 =	simm.s32 $0x320;
	[sflag:s8] =	ssyncadd.s32 $0xFFFFD800  }
0x465: {  	[tilespmem:s3], [sflag:$0x1] =	stream.indirect.gather [hbm4b:s2+s17], $0x80, s21, s17, $0xb8;
	[tilespmem:$0x19800] =	vst v63  }
0x466: {  	s23 =	simm.s32 $0x370  }
0x467: {  	[tilespmem:s30], [sflag:$0x1] =	stream.indirect.gather [hbm4b:s2+s17], $0x80, s23, s17, $0xb8;
	[tilespmem:$0x19800] =	vst v63  }
0x468: {  	s24 =	simm.s32 $0x3C0  }
0x469: {  	[tilespmem:s5], [sflag:$0x1] =	stream.indirect.gather [hbm4b:s2+s17], $0x80, s24, s17, $0xb8;
	[tilespmem:$0x19800] =	vst v63  }
0x46a: {  	s25 =	simm.s32 $0x410  }
0x46b: {  	[tilespmem:s6], [sflag:$0x1] =	stream.indirect.gather [hbm4b:s2+s17], $0x80, s25, s17, $0xb8;
	[tilespmem:$0x19800] =	vst v63  }
0x46c: {  	s26 =	simm.s32 $0x460  }
0x46d: {  	[tilespmem:s7], [sflag:$0x1] =	stream.indirect.gather [hbm4b:s2+s17], $0x80, s26, s17, $0xb8;
	[tilespmem:$0x19800] =	vst v63  }
0x46e: {  	_ =	swait.ge [sflag:s18], $0x2800  }
0x46f: {  	[sflag:s18] =	ssyncset.done $0x0  }
0x470: {  	[sflag:s18] =	ssyncadd.s32 $0xFFFFD800  }
0x471: {  	_ =	swait.ge [sflag:s18], $0x2800  }
0x472: {  	[sflag:s18] =	ssyncset.done $0x0  }
0x473: {  	[sflag:s18] =	ssyncadd.s32 $0xFFFFD800  }
0x474: {  	_ =	swait.ge [sflag:s18], $0x2800  }
0x475: {  	[sflag:s18] =	ssyncset.done $0x0  }
0x476: {  	[sflag:s18] =	ssyncadd.s32 $0xFFFFD800  }
0x477: {  	_ =	swait.ge [sflag:s18], $0x2800  }
0x478: {  	[sflag:s18] =	ssyncset.done $0x0  }
0x479: {  	[sflag:s18] =	ssyncadd.s32 $0xFFFFD800  }
0x47a: {  	_ =	swait.ge [sflag:s18], $0x2800  }
0x47b: {  	[sflag:s18] =	ssyncset.done $0x0  }
0x47c: {  	s29 =	rddreg [dreg:$0xa];
	[sflag:s18] =	ssyncadd.s32 $0xFFFFD800  }
0x47d: {  	[hbm4b:s29+s9] =	stream.strided.scatter [tilespmem:s22], [sflag:$0x4], $0x2800, s3, s9, $0x38;
	[tilespmem:$0x19800] =	vst v63  }
0x47e: {  	s31 =	rddreg [dreg:$0xb]  }
0x47f: {  	[hbm4b:s31+s9] =	stream.strided.scatter [tilespmem:s13], [sflag:$0x4], $0x2800, s3, s9, $0x38;
	[tilespmem:$0x19800] =	vst v63  }
0x480: {  	s0 =	rddreg [dreg:$0xc]  }
0x481: {  	[hbm4b:s0+s9] =	stream.strided.scatter [tilespmem:s14], [sflag:$0x4], $0x2800, s3, s9, $0x38;
	[tilespmem:$0x19800] =	vst v63  }
0x482: {  	s4 =	rddreg [dreg:$0xd]  }
0x483: {  	[hbm4b:s4+s9] =	stream.strided.scatter [tilespmem:s15], [sflag:$0x4], $0x2800, s3, s9, $0x38;
	[tilespmem:$0x19800] =	vst v63  }
0x484: {  	s21 =	rddreg [dreg:$0xe]  }
0x485: {  	[hbm4b:s21+s9] =	stream.strided.scatter [tilespmem:s16], [sflag:$0x4], $0x2800, s3, s9, $0x38;
	[tilespmem:$0x19800] =	vst v63  }
0x486: {  	_ =	swait.ge [sflag:s11], $0x2800  }
0x487: {  	[sflag:s11] =	ssyncset.done $0x0  }
0x488: {  	[sflag:s11] =	ssyncadd.s32 $0xFFFFD800  }
0x489: {  	_ =	swait.ge [sflag:s11], $0x2800  }
0x48a: {  	[sflag:s11] =	ssyncset.done $0x0  }
0x48b: {  	[sflag:s11] =	ssyncadd.s32 $0xFFFFD800  }
0x48c: {  	_ =	swait.ge [sflag:s11], $0x2800  }
0x48d: {  	[sflag:s11] =	ssyncset.done $0x0  }
0x48e: {  	[sflag:s11] =	ssyncadd.s32 $0xFFFFD800  }
0x48f: {  	_ =	swait.ge [sflag:s11], $0x2800  }
0x490: {  	[sflag:s11] =	ssyncset.done $0x0  }
0x491: {  	[sflag:s11] =	ssyncadd.s32 $0xFFFFD800  }
0x492: {  	_ =	swait.ge [sflag:s11], $0x2800  }
0x493: {  	[sflag:s11] =	ssyncset.done $0x0  }
0x494: {  	s23 =	simm.s32 $0x4B0;
	[sflag:s11] =	ssyncadd.s32 $0xFFFFD800  }
0x495: {  	[tilespmem:s22], [sflag:$0x2] =	stream.indirect.gather [hbm4b:s2+s17], $0x80, s23, s17, $0xb8;
	[tilespmem:$0x19800] =	vst v63  }
0x496: {  	s29 =	simm.s32 $0x500  }
0x497: {  	[tilespmem:s13], [sflag:$0x2] =	stream.indirect.gather [hbm4b:s2+s17], $0x80, s29, s17, $0xb8;
	[tilespmem:$0x19800] =	vst v63  }
0x498: {  	s4 =	simm.s32 $0x550  }
0x499: {  	[tilespmem:s14], [sflag:$0x2] =	stream.indirect.gather [hbm4b:s2+s17], $0x80, s4, s17, $0xb8;
	[tilespmem:$0x19800] =	vst v63  }
0x49a: {  	s24 =	simm.s32 $0x5A0  }
0x49b: {  	[tilespmem:s15], [sflag:$0x2] =	stream.indirect.gather [hbm4b:s2+s17], $0x80, s24, s17, $0xb8;
	[tilespmem:$0x19800] =	vst v63  }
0x49c: {  	s25 =	simm.s32 $0x5F0  }
0x49d: {  	[tilespmem:s16], [sflag:$0x2] =	stream.indirect.gather [hbm4b:s2+s17], $0x80, s25, s17, $0xb8;
	[tilespmem:$0x19800] =	vst v63  }
0x49e: {  	_ =	swait.ge [sflag:s10], $0x2800  }
0x49f: {  	[sflag:s10] =	ssyncset.done $0x0  }
0x4a0: {  	[sflag:s10] =	ssyncadd.s32 $0xFFFFD800  }
0x4a1: {  	_ =	swait.ge [sflag:s10], $0x2800  }
0x4a2: {  	[sflag:s10] =	ssyncset.done $0x0  }
0x4a3: {  	[sflag:s10] =	ssyncadd.s32 $0xFFFFD800  }
0x4a4: {  	_ =	swait.ge [sflag:s10], $0x2800  }
0x4a5: {  	[sflag:s10] =	ssyncset.done $0x0  }
0x4a6: {  	[sflag:s10] =	ssyncadd.s32 $0xFFFFD800  }
0x4a7: {  	_ =	swait.ge [sflag:s10], $0x2800  }
0x4a8: {  	[sflag:s10] =	ssyncset.done $0x0  }
0x4a9: {  	[sflag:s10] =	ssyncadd.s32 $0xFFFFD800  }
0x4aa: {  	_ =	swait.ge [sflag:s10], $0x2800  }
0x4ab: {  	[sflag:s10] =	ssyncset.done $0x0  }
0x4ac: {  	s26 =	rddreg [dreg:$0xf];
	[sflag:s10] =	ssyncadd.s32 $0xFFFFD800  }
0x4ad: {  	[hbm4b:s26+s9] =	stream.strided.scatter [tilespmem:s3], [sflag:$0x3], $0x2800, s3, s9, $0x38;
	[tilespmem:$0x19800] =	vst v63  }
0x4ae: {  	s31 =	rddreg [dreg:$0x10]  }
0x4af: {  	[hbm4b:s31+s9] =	stream.strided.scatter [tilespmem:s30], [sflag:$0x3], $0x2800, s3, s9, $0x38;
	[tilespmem:$0x19800] =	vst v63  }
0x4b0: {  	s0 =	rddreg [dreg:$0x11]  }
0x4b1: {  	[hbm4b:s0+s9] =	stream.strided.scatter [tilespmem:s5], [sflag:$0x3], $0x2800, s3, s9, $0x38;
	[tilespmem:$0x19800] =	vst v63  }
0x4b2: {  	s21 =	rddreg [dreg:$0x12]  }
0x4b3: {  	[hbm4b:s21+s9] =	stream.strided.scatter [tilespmem:s6], [sflag:$0x3], $0x2800, s3, s9, $0x38;
	[tilespmem:$0x19800] =	vst v63  }
0x4b4: {  	s23 =	rddreg [dreg:$0x13]  }
0x4b5: {  	[hbm4b:s23+s9] =	stream.strided.scatter [tilespmem:s7], [sflag:$0x3], $0x2800, s3, s9, $0x38;
	[tilespmem:$0x19800] =	vst v63  }
0x4b6: {  	_ =	swait.ge [sflag:s8], $0x2800  }
0x4b7: {  	[sflag:s8] =	ssyncset.done $0x0  }
0x4b8: {  	[sflag:s8] =	ssyncadd.s32 $0xFFFFD800  }
0x4b9: {  	_ =	swait.ge [sflag:s8], $0x2800  }
0x4ba: {  	[sflag:s8] =	ssyncset.done $0x0  }
0x4bb: {  	[sflag:s8] =	ssyncadd.s32 $0xFFFFD800  }
0x4bc: {  	_ =	swait.ge [sflag:s8], $0x2800  }
0x4bd: {  	[sflag:s8] =	ssyncset.done $0x0  }
0x4be: {  	[sflag:s8] =	ssyncadd.s32 $0xFFFFD800  }
0x4bf: {  	_ =	swait.ge [sflag:s8], $0x2800  }
0x4c0: {  	[sflag:s8] =	ssyncset.done $0x0  }
0x4c1: {  	[sflag:s8] =	ssyncadd.s32 $0xFFFFD800  }
0x4c2: {  	_ =	swait.ge [sflag:s8], $0x2800  }
0x4c3: {  	[sflag:s8] =	ssyncset.done $0x0  }
0x4c4: {  	s24 =	simm.s32 $0x640;
	[sflag:s8] =	ssyncadd.s32 $0xFFFFD800  }
0x4c5: {  	[tilespmem:s3], [sflag:$0x1] =	stream.indirect.gather [hbm4b:s2+s17], $0x80, s24, s17, $0xb8;
	[tilespmem:$0x19800] =	vst v63  }
0x4c6: {  	s25 =	simm.s32 $0x690  }
0x4c7: {  	[tilespmem:s30], [sflag:$0x1] =	stream.indirect.gather [hbm4b:s2+s17], $0x80, s25, s17, $0xb8;
	[tilespmem:$0x19800] =	vst v63  }
0x4c8: {  	s26 =	simm.s32 $0x6E0  }
0x4c9: {  	[tilespmem:s5], [sflag:$0x1] =	stream.indirect.gather [hbm4b:s2+s17], $0x80, s26, s17, $0xb8;
	[tilespmem:$0x19800] =	vst v63  }
0x4ca: {  	s31 =	simm.s32 $0x730  }
0x4cb: {  	[tilespmem:s6], [sflag:$0x1] =	stream.indirect.gather [hbm4b:s2+s17], $0x80, s31, s17, $0xb8;
	[tilespmem:$0x19800] =	vst v63  }
0x4cc: {  	s20 =	simm.s32 $0x780  }
0x4cd: {  	[tilespmem:s7], [sflag:$0x1] =	stream.indirect.gather [hbm4b:s2+s17], $0x80, s20, s17, $0xb8;
	[tilespmem:$0x19800] =	vst v63  }
0x4ce: {  	_ =	swait.ge [sflag:s18], $0x2800  }
0x4cf: {  	[sflag:s18] =	ssyncset.done $0x0  }
0x4d0: {  	[sflag:s18] =	ssyncadd.s32 $0xFFFFD800  }
0x4d1: {  	_ =	swait.ge [sflag:s18], $0x2800  }
0x4d2: {  	[sflag:s18] =	ssyncset.done $0x0  }
0x4d3: {  	[sflag:s18] =	ssyncadd.s32 $0xFFFFD800  }
0x4d4: {  	_ =	swait.ge [sflag:s18], $0x2800  }
0x4d5: {  	[sflag:s18] =	ssyncset.done $0x0  }
0x4d6: {  	[sflag:s18] =	ssyncadd.s32 $0xFFFFD800  }
0x4d7: {  	_ =	swait.ge [sflag:s18], $0x2800  }
0x4d8: {  	[sflag:s18] =	ssyncset.done $0x0  }
0x4d9: {  	[sflag:s18] =	ssyncadd.s32 $0xFFFFD800  }
0x4da: {  	_ =	swait.ge [sflag:s18], $0x2800  }
0x4db: {  	[sflag:s18] =	ssyncset.done $0x0  }
0x4dc: {  	s1 =	rddreg [dreg:$0x14];
	[sflag:s18] =	ssyncadd.s32 $0xFFFFD800  }
0x4dd: {  	[hbm4b:s1+s9] =	stream.strided.scatter [tilespmem:s22], [sflag:$0x4], $0x2800, s3, s9, $0x38;
	[tilespmem:$0x19800] =	vst v63  }
0x4de: {  	s20 =	rddreg [dreg:$0x15]  }
0x4df: {  	[hbm4b:s20+s9] =	stream.strided.scatter [tilespmem:s13], [sflag:$0x4], $0x2800, s3, s9, $0x38;
	[tilespmem:$0x19800] =	vst v63  }
0x4e0: {  	s1 =	rddreg [dreg:$0x16]  }
0x4e1: {  	[hbm4b:s1+s9] =	stream.strided.scatter [tilespmem:s14], [sflag:$0x4], $0x2800, s3, s9, $0x38;
	[tilespmem:$0x19800] =	vst v63  }
0x4e2: {  	s20 =	rddreg [dreg:$0x17]  }
0x4e3: {  	[hbm4b:s20+s9] =	stream.strided.scatter [tilespmem:s15], [sflag:$0x4], $0x2800, s3, s9, $0x38;
	[tilespmem:$0x19800] =	vst v63  }
0x4e4: {  	s1 =	rddreg [dreg:$0x18]  }
0x4e5: {  	[hbm4b:s1+s9] =	stream.strided.scatter [tilespmem:s16], [sflag:$0x4], $0x2800, s3, s9, $0x38;
	[tilespmem:$0x19800] =	vst v63  }
0x4e6: {  	_ =	swait.ge [sflag:s11], $0x2800  }
0x4e7: {  	[sflag:s11] =	ssyncset.done $0x0  }
0x4e8: {  	[sflag:s11] =	ssyncadd.s32 $0xFFFFD800  }
0x4e9: {  	_ =	swait.ge [sflag:s11], $0x2800  }
0x4ea: {  	[sflag:s11] =	ssyncset.done $0x0  }
0x4eb: {  	[sflag:s11] =	ssyncadd.s32 $0xFFFFD800  }
0x4ec: {  	_ =	swait.ge [sflag:s11], $0x2800  }
0x4ed: {  	[sflag:s11] =	ssyncset.done $0x0  }
0x4ee: {  	[sflag:s11] =	ssyncadd.s32 $0xFFFFD800  }
0x4ef: {  	_ =	swait.ge [sflag:s11], $0x2800  }
0x4f0: {  	[sflag:s11] =	ssyncset.done $0x0  }
0x4f1: {  	[sflag:s11] =	ssyncadd.s32 $0xFFFFD800  }
0x4f2: {  	_ =	swait.ge [sflag:s11], $0x2800  }
0x4f3: {  	[sflag:s11] =	ssyncset.done $0x0  }
0x4f4: {  	[sflag:s11] =	ssyncadd.s32 $0xFFFFD800  }
0x4f5: {  	_ =	swait.ge [sflag:s10], $0x2800  }
0x4f6: {  	[sflag:s10] =	ssyncset.done $0x0  }
0x4f7: {  	[sflag:s10] =	ssyncadd.s32 $0xFFFFD800  }
0x4f8: {  	_ =	swait.ge [sflag:s10], $0x2800  }
0x4f9: {  	[sflag:s10] =	ssyncset.done $0x0  }
0x4fa: {  	[sflag:s10] =	ssyncadd.s32 $0xFFFFD800  }
0x4fb: {  	_ =	swait.ge [sflag:s10], $0x2800  }
0x4fc: {  	[sflag:s10] =	ssyncset.done $0x0  }
0x4fd: {  	[sflag:s10] =	ssyncadd.s32 $0xFFFFD800  }
0x4fe: {  	_ =	swait.ge [sflag:s10], $0x2800  }
0x4ff: {  	[sflag:s10] =	ssyncset.done $0x0  }
0x500: {  	[sflag:s10] =	ssyncadd.s32 $0xFFFFD800  }
0x501: {  	_ =	swait.ge [sflag:s10], $0x2800  }
0x502: {  	[sflag:s10] =	ssyncset.done $0x0  }
0x503: {  	s1 =	rddreg [dreg:$0x19];
	[sflag:s10] =	ssyncadd.s32 $0xFFFFD800  }
0x504: {  	[hbm4b:s1+s9] =	stream.strided.scatter [tilespmem:s3], [sflag:$0x3], $0x2800, s3, s9, $0x38;
	[tilespmem:$0x19800] =	vst v63  }
0x505: {  	s20 =	rddreg [dreg:$0x1a]  }
0x506: {  	[hbm4b:s20+s9] =	stream.strided.scatter [tilespmem:s30], [sflag:$0x3], $0x2800, s3, s9, $0x38;
	[tilespmem:$0x19800] =	vst v63  }
0x507: {  	s1 =	rddreg [dreg:$0x1b]  }
0x508: {  	[hbm4b:s1+s9] =	stream.strided.scatter [tilespmem:s5], [sflag:$0x3], $0x2800, s3, s9, $0x38;
	[tilespmem:$0x19800] =	vst v63  }
0x509: {  	s20 =	rddreg [dreg:$0x1c]  }
0x50a: {  	[hbm4b:s20+s9] =	stream.strided.scatter [tilespmem:s6], [sflag:$0x3], $0x2800, s3, s9, $0x38;
	[tilespmem:$0x19800] =	vst v63  }
0x50b: {  	s1 =	rddreg [dreg:$0x1d]  }
0x50c: {  	[hbm4b:s1+s9] =	stream.strided.scatter [tilespmem:s7], [sflag:$0x3], $0x2800, s3, s9, $0x38;
	[tilespmem:$0x19800] =	vst v63  }
0x50d: {  	_ =	swait.ge [sflag:s8], $0x2800  }
0x50e: {  	[sflag:s8] =	ssyncset.done $0x0  }
0x50f: {  	[sflag:s8] =	ssyncadd.s32 $0xFFFFD800  }
0x510: {  	_ =	swait.ge [sflag:s8], $0x2800  }
0x511: {  	[sflag:s8] =	ssyncset.done $0x0  }
0x512: {  	[sflag:s8] =	ssyncadd.s32 $0xFFFFD800  }
0x513: {  	_ =	swait.ge [sflag:s8], $0x2800  }
0x514: {  	[sflag:s8] =	ssyncset.done $0x0  }
0x515: {  	[sflag:s8] =	ssyncadd.s32 $0xFFFFD800  }
0x516: {  	_ =	swait.ge [sflag:s8], $0x2800  }
0x517: {  	[sflag:s8] =	ssyncset.done $0x0  }
0x518: {  	[sflag:s8] =	ssyncadd.s32 $0xFFFFD800  }
0x519: {  	_ =	swait.ge [sflag:s8], $0x2800  }
0x51a: {  	[sflag:s8] =	ssyncset.done $0x0  }
0x51b: {  	s20 =	rddreg [dreg:$0x1e];
	[sflag:s8] =	ssyncadd.s32 $0xFFFFD800  }
0x51c: {  	[tilespmem:s19], [sflag:$0x5] =	stream.linear.gather [hbm4b:s20+s19], $0x7D0, $0x38;
	[tilespmem:$0x19800] =	vst v63  }
0x51d: {  	_ =	swait.ge [sflag:s12], $0x7D0  }
0x51e: {  	[sflag:s12] =	ssyncset.done $0x0  }
0x51f: {  	[sflag:s12] =	ssyncadd.s32 $0xFFFFF830  }
0x520: {  	[tilespmem:s3], [sflag:$0x1] =	stream.indirect.gather [hbm4b:s2+s17], $0x80, s19, s17, $0xb8;
	[tilespmem:$0x19800] =	vst v63  }
0x521: {  	_ = 	snop  }
0x522: {  	[tilespmem:s30], [sflag:$0x1] =	stream.indirect.gather [hbm4b:s2+s17], $0x80, s17, s17, $0xb8;
	[tilespmem:$0x19800] =	vst v63  }
0x523: {  	s20 =	simm.s32 $0xA0  }
0x524: {  	[tilespmem:s5], [sflag:$0x1] =	stream.indirect.gather [hbm4b:s2+s17], $0x80, s20, s17, $0xb8;
	[tilespmem:$0x19800] =	vst v63  }
0x525: {  	s0 =	simm.s32 $0xF0  }
0x526: {  	[tilespmem:s6], [sflag:$0x1] =	stream.indirect.gather [hbm4b:s2+s17], $0x80, s0, s17, $0xb8;
	[tilespmem:$0x19800] =	vst v63  }
0x527: {  	s21 =	simm.s32 $0x140  }
0x528: {  	[tilespmem:s7], [sflag:$0x1] =	stream.indirect.gather [hbm4b:s2+s17], $0x80, s21, s17, $0xb8;
	[tilespmem:$0x19800] =	vst v63  }
0x529: {  	s23 =	simm.s32 $0x190  }
0x52a: {  	[tilespmem:s22], [sflag:$0x2] =	stream.indirect.gather [hbm4b:s2+s17], $0x80, s23, s17, $0xb8;
	[tilespmem:$0x19800] =	vst v63  }
0x52b: {  	s24 =	simm.s32 $0x1E0  }
0x52c: {  	[tilespmem:s13], [sflag:$0x2] =	stream.indirect.gather [hbm4b:s2+s17], $0x80, s24, s17, $0xb8;
	[tilespmem:$0x19800] =	vst v63  }
0x52d: {  	s25 =	simm.s32 $0x230  }
0x52e: {  	[tilespmem:s14], [sflag:$0x2] =	stream.indirect.gather [hbm4b:s2+s17], $0x80, s25, s17, $0xb8;
	[tilespmem:$0x19800] =	vst v63  }
0x52f: {  	s31 =	simm.s32 $0x280  }
0x530: {  	[tilespmem:s15], [sflag:$0x2] =	stream.indirect.gather [hbm4b:s2+s17], $0x80, s31, s17, $0xb8;
	[tilespmem:$0x19800] =	vst v63  }
0x531: {  	s26 =	simm.s32 $0x2D0  }
0x532: {  	[tilespmem:s16], [sflag:$0x2] =	stream.indirect.gather [hbm4b:s2+s17], $0x80, s26, s17, $0xb8;
	[tilespmem:$0x19800] =	vst v63  }
0x533: {  	_ =	swait.ge [sflag:s10], $0x2800  }
0x534: {  	[sflag:s10] =	ssyncset.done $0x0  }
0x535: {  	[sflag:s10] =	ssyncadd.s32 $0xFFFFD800  }
0x536: {  	_ =	swait.ge [sflag:s10], $0x2800  }
0x537: {  	[sflag:s10] =	ssyncset.done $0x0  }
0x538: {  	[sflag:s10] =	ssyncadd.s32 $0xFFFFD800  }
0x539: {  	_ =	swait.ge [sflag:s10], $0x2800  }
0x53a: {  	[sflag:s10] =	ssyncset.done $0x0  }
0x53b: {  	[sflag:s10] =	ssyncadd.s32 $0xFFFFD800  }
0x53c: {  	_ =	swait.ge [sflag:s10], $0x2800  }
0x53d: {  	[sflag:s10] =	ssyncset.done $0x0  }
0x53e: {  	[sflag:s10] =	ssyncadd.s32 $0xFFFFD800  }
0x53f: {  	_ =	swait.ge [sflag:s10], $0x2800  }
0x540: {  	s23 =	rddreg [dreg:$0x1f];
	[sflag:s10] =	ssyncset.done $0x0  }
0x541: {  	s24 =	sld [smem:$0x7E6];
	[sflag:s10] =	ssyncadd.s32 $0xFFFFD800  }
0x542: {  	[hbm4b:s23+s9] =	stream.strided.scatter [tilespmem:s3], [sflag:$0x3], $0x2800, s3, s9, $0x38;
	[tilespmem:$0x19800] =	vst v63  }
0x543: {  	s25 =	sld [smem:$0x7E7]  }
0x544: {  	[hbm4b:s24+s9] =	stream.strided.scatter [tilespmem:s30], [sflag:$0x3], $0x2800, s3, s9, $0x38;
	[tilespmem:$0x19800] =	vst v63  }
0x545: {  	s26 =	sld [smem:$0x7E8]  }
0x546: {  	[hbm4b:s25+s9] =	stream.strided.scatter [tilespmem:s5], [sflag:$0x3], $0x2800, s3, s9, $0x38;
	[tilespmem:$0x19800] =	vst v63  }
0x547: {  	s31 =	sld [smem:$0x7E9]  }
0x548: {  	[hbm4b:s26+s9] =	stream.strided.scatter [tilespmem:s6], [sflag:$0x3], $0x2800, s3, s9, $0x38;
	[tilespmem:$0x19800] =	vst v63  }
0x549: {  	_ = 	snop  }
0x54a: {  	[hbm4b:s31+s9] =	stream.strided.scatter [tilespmem:s7], [sflag:$0x3], $0x2800, s3, s9, $0x38;
	[tilespmem:$0x19800] =	vst v63  }
0x54b: {  	_ =	swait.ge [sflag:s8], $0x2800  }
0x54c: {  	[sflag:s8] =	ssyncset.done $0x0  }
0x54d: {  	[sflag:s8] =	ssyncadd.s32 $0xFFFFD800  }
0x54e: {  	_ =	swait.ge [sflag:s8], $0x2800  }
0x54f: {  	[sflag:s8] =	ssyncset.done $0x0  }
0x550: {  	[sflag:s8] =	ssyncadd.s32 $0xFFFFD800  }
0x551: {  	_ =	swait.ge [sflag:s8], $0x2800  }
0x552: {  	[sflag:s8] =	ssyncset.done $0x0  }
0x553: {  	[sflag:s8] =	ssyncadd.s32 $0xFFFFD800  }
0x554: {  	_ =	swait.ge [sflag:s8], $0x2800  }
0x555: {  	[sflag:s8] =	ssyncset.done $0x0  }
0x556: {  	[sflag:s8] =	ssyncadd.s32 $0xFFFFD800  }
0x557: {  	_ =	swait.ge [sflag:s8], $0x2800  }
0x558: {  	[sflag:s8] =	ssyncset.done $0x0  }
0x559: {  	s12 =	simm.s32 $0x320;
	[sflag:s8] =	ssyncadd.s32 $0xFFFFD800  }
0x55a: {  	[tilespmem:s3], [sflag:$0x1] =	stream.indirect.gather [hbm4b:s2+s17], $0x80, s12, s17, $0xb8;
	[tilespmem:$0x19800] =	vst v63  }
0x55b: {  	s19 =	simm.s32 $0x370  }
0x55c: {  	[tilespmem:s30], [sflag:$0x1] =	stream.indirect.gather [hbm4b:s2+s17], $0x80, s19, s17, $0xb8;
	[tilespmem:$0x19800] =	vst v63  }
0x55d: {  	s20 =	simm.s32 $0x3C0  }
0x55e: {  	[tilespmem:s5], [sflag:$0x1] =	stream.indirect.gather [hbm4b:s2+s17], $0x80, s20, s17, $0xb8;
	[tilespmem:$0x19800] =	vst v63  }
0x55f: {  	s21 =	simm.s32 $0x410  }
0x560: {  	[tilespmem:s6], [sflag:$0x1] =	stream.indirect.gather [hbm4b:s2+s17], $0x80, s21, s17, $0xb8;
	[tilespmem:$0x19800] =	vst v63  }
0x561: {  	s23 =	simm.s32 $0x460  }
0x562: {  	[tilespmem:s7], [sflag:$0x1] =	stream.indirect.gather [hbm4b:s2+s17], $0x80, s23, s17, $0xb8;
	[tilespmem:$0x19800] =	vst v63  }
0x563: {  	_ =	swait.ge [sflag:s18], $0x2800  }
0x564: {  	[sflag:s18] =	ssyncset.done $0x0  }
0x565: {  	[sflag:s18] =	ssyncadd.s32 $0xFFFFD800  }
0x566: {  	_ =	swait.ge [sflag:s18], $0x2800  }
0x567: {  	[sflag:s18] =	ssyncset.done $0x0  }
0x568: {  	[sflag:s18] =	ssyncadd.s32 $0xFFFFD800  }
0x569: {  	_ =	swait.ge [sflag:s18], $0x2800  }
0x56a: {  	[sflag:s18] =	ssyncset.done $0x0  }
0x56b: {  	[sflag:s18] =	ssyncadd.s32 $0xFFFFD800  }
0x56c: {  	_ =	swait.ge [sflag:s18], $0x2800  }
0x56d: {  	[sflag:s18] =	ssyncset.done $0x0  }
0x56e: {  	[sflag:s18] =	ssyncadd.s32 $0xFFFFD800  }
0x56f: {  	_ =	swait.ge [sflag:s18], $0x2800  }
0x570: {  	s24 =	sld [smem:$0x7EA]  }
0x571: {  	[sflag:s18] =	ssyncset.done $0x0  }
0x572: {  	s25 =	sld [smem:$0x7EB];
	[sflag:s18] =	ssyncadd.s32 $0xFFFFD800  }
0x573: {  	[hbm4b:s24+s9] =	stream.strided.scatter [tilespmem:s22], [sflag:$0x4], $0x2800, s3, s9, $0x38;
	[tilespmem:$0x19800] =	vst v63  }
0x574: {  	s26 =	sld [smem:$0x7EC]  }
0x575: {  	[hbm4b:s25+s9] =	stream.strided.scatter [tilespmem:s13], [sflag:$0x4], $0x2800, s3, s9, $0x38;
	[tilespmem:$0x19800] =	vst v63  }
0x576: {  	s31 =	sld [smem:$0x7ED]  }
0x577: {  	[hbm4b:s26+s9] =	stream.strided.scatter [tilespmem:s14], [sflag:$0x4], $0x2800, s3, s9, $0x38;
	[tilespmem:$0x19800] =	vst v63  }
0x578: {  	s12 =	sld [smem:$0x7EE]  }
0x579: {  	[hbm4b:s31+s9] =	stream.strided.scatter [tilespmem:s15], [sflag:$0x4], $0x2800, s3, s9, $0x38;
	[tilespmem:$0x19800] =	vst v63  }
0x57a: {  	_ = 	snop  }
0x57b: {  	[hbm4b:s12+s9] =	stream.strided.scatter [tilespmem:s16], [sflag:$0x4], $0x2800, s3, s9, $0x38;
	[tilespmem:$0x19800] =	vst v63  }
0x57c: {  	_ =	swait.ge [sflag:s11], $0x2800  }
0x57d: {  	[sflag:s11] =	ssyncset.done $0x0  }
0x57e: {  	[sflag:s11] =	ssyncadd.s32 $0xFFFFD800  }
0x57f: {  	_ =	swait.ge [sflag:s11], $0x2800  }
0x580: {  	[sflag:s11] =	ssyncset.done $0x0  }
0x581: {  	[sflag:s11] =	ssyncadd.s32 $0xFFFFD800  }
0x582: {  	_ =	swait.ge [sflag:s11], $0x2800  }
0x583: {  	[sflag:s11] =	ssyncset.done $0x0  }
0x584: {  	[sflag:s11] =	ssyncadd.s32 $0xFFFFD800  }
0x585: {  	_ =	swait.ge [sflag:s11], $0x2800  }
0x586: {  	[sflag:s11] =	ssyncset.done $0x0  }
0x587: {  	[sflag:s11] =	ssyncadd.s32 $0xFFFFD800  }
0x588: {  	_ =	swait.ge [sflag:s11], $0x2800  }
0x589: {  	[sflag:s11] =	ssyncset.done $0x0  }
0x58a: {  	s19 =	simm.s32 $0x4B0;
	[sflag:s11] =	ssyncadd.s32 $0xFFFFD800  }
0x58b: {  	[tilespmem:s22], [sflag:$0x2] =	stream.indirect.gather [hbm4b:s2+s17], $0x80, s19, s17, $0xb8;
	[tilespmem:$0x19800] =	vst v63  }
0x58c: {  	_ = 	snop  }
0x58d: {  	[tilespmem:s13], [sflag:$0x2] =	stream.indirect.gather [hbm4b:s2+s17], $0x80, s29, s17, $0xb8;
	[tilespmem:$0x19800] =	vst v63  }
0x58e: {  	_ = 	snop  }
0x58f: {  	[tilespmem:s14], [sflag:$0x2] =	stream.indirect.gather [hbm4b:s2+s17], $0x80, s4, s17, $0xb8;
	[tilespmem:$0x19800] =	vst v63  }
0x590: {  	s20 =	simm.s32 $0x5A0  }
0x591: {  	[tilespmem:s15], [sflag:$0x2] =	stream.indirect.gather [hbm4b:s2+s17], $0x80, s20, s17, $0xb8;
	[tilespmem:$0x19800] =	vst v63  }
0x592: {  	s21 =	simm.s32 $0x5F0  }
0x593: {  	[tilespmem:s16], [sflag:$0x2] =	stream.indirect.gather [hbm4b:s2+s17], $0x80, s21, s17, $0xb8;
	[tilespmem:$0x19800] =	vst v63  }
0x594: {  	_ =	swait.ge [sflag:s10], $0x2800  }
0x595: {  	[sflag:s10] =	ssyncset.done $0x0  }
0x596: {  	[sflag:s10] =	ssyncadd.s32 $0xFFFFD800  }
0x597: {  	_ =	swait.ge [sflag:s10], $0x2800  }
0x598: {  	[sflag:s10] =	ssyncset.done $0x0  }
0x599: {  	[sflag:s10] =	ssyncadd.s32 $0xFFFFD800  }
0x59a: {  	_ =	swait.ge [sflag:s10], $0x2800  }
0x59b: {  	[sflag:s10] =	ssyncset.done $0x0  }
0x59c: {  	[sflag:s10] =	ssyncadd.s32 $0xFFFFD800  }
0x59d: {  	_ =	swait.ge [sflag:s10], $0x2800  }
0x59e: {  	[sflag:s10] =	ssyncset.done $0x0  }
0x59f: {  	[sflag:s10] =	ssyncadd.s32 $0xFFFFD800  }
0x5a0: {  	_ =	swait.ge [sflag:s10], $0x2800  }
0x5a1: {  	s23 =	sld [smem:$0x7EF]  }
0x5a2: {  	[sflag:s10] =	ssyncset.done $0x0  }
0x5a3: {  	s24 =	sld [smem:$0x7F0];
	[sflag:s10] =	ssyncadd.s32 $0xFFFFD800  }
0x5a4: {  	[hbm4b:s23+s9] =	stream.strided.scatter [tilespmem:s3], [sflag:$0x3], $0x2800, s3, s9, $0x38;
	[tilespmem:$0x19800] =	vst v63  }
0x5a5: {  	s25 =	sld [smem:$0x7F1]  }
0x5a6: {  	[hbm4b:s24+s9] =	stream.strided.scatter [tilespmem:s30], [sflag:$0x3], $0x2800, s3, s9, $0x38;
	[tilespmem:$0x19800] =	vst v63  }
0x5a7: {  	s26 =	sld [smem:$0x7F2]  }
0x5a8: {  	[hbm4b:s25+s9] =	stream.strided.scatter [tilespmem:s5], [sflag:$0x3], $0x2800, s3, s9, $0x38;
	[tilespmem:$0x19800] =	vst v63  }
0x5a9: {  	s29 =	sld [smem:$0x7F3]  }
0x5aa: {  	[hbm4b:s26+s9] =	stream.strided.scatter [tilespmem:s6], [sflag:$0x3], $0x2800, s3, s9, $0x38;
	[tilespmem:$0x19800] =	vst v63  }
0x5ab: {  	_ = 	snop  }
0x5ac: {  	[hbm4b:s29+s9] =	stream.strided.scatter [tilespmem:s7], [sflag:$0x3], $0x2800, s3, s9, $0x38;
	[tilespmem:$0x19800] =	vst v63  }
0x5ad: {  	_ =	swait.ge [sflag:s8], $0x2800  }
0x5ae: {  	[sflag:s8] =	ssyncset.done $0x0  }
0x5af: {  	[sflag:s8] =	ssyncadd.s32 $0xFFFFD800  }
0x5b0: {  	_ =	swait.ge [sflag:s8], $0x2800  }
0x5b1: {  	[sflag:s8] =	ssyncset.done $0x0  }
0x5b2: {  	[sflag:s8] =	ssyncadd.s32 $0xFFFFD800  }
0x5b3: {  	_ =	swait.ge [sflag:s8], $0x2800  }
0x5b4: {  	[sflag:s8] =	ssyncset.done $0x0  }
0x5b5: {  	[sflag:s8] =	ssyncadd.s32 $0xFFFFD800  }
0x5b6: {  	_ =	swait.ge [sflag:s8], $0x2800  }
0x5b7: {  	[sflag:s8] =	ssyncset.done $0x0  }
0x5b8: {  	[sflag:s8] =	ssyncadd.s32 $0xFFFFD800  }
0x5b9: {  	_ =	swait.ge [sflag:s8], $0x2800  }
0x5ba: {  	[sflag:s8] =	ssyncset.done $0x0  }
0x5bb: {  	s31 =	simm.s32 $0x640;
	[sflag:s8] =	ssyncadd.s32 $0xFFFFD800  }
0x5bc: {  	[tilespmem:s3], [sflag:$0x1] =	stream.indirect.gather [hbm4b:s2+s17], $0x80, s31, s17, $0xb8;
	[tilespmem:$0x19800] =	vst v63  }
0x5bd: {  	s1 =	simm.s32 $0x690  }
0x5be: {  	[tilespmem:s30], [sflag:$0x1] =	stream.indirect.gather [hbm4b:s2+s17], $0x80, s1, s17, $0xb8;
	[tilespmem:$0x19800] =	vst v63  }
0x5bf: {  	s4 =	simm.s32 $0x6E0  }
0x5c0: {  	[tilespmem:s5], [sflag:$0x1] =	stream.indirect.gather [hbm4b:s2+s17], $0x80, s4, s17, $0xb8;
	[tilespmem:$0x19800] =	vst v63  }
0x5c1: {  	s12 =	simm.s32 $0x730  }
0x5c2: {  	[tilespmem:s6], [sflag:$0x1] =	stream.indirect.gather [hbm4b:s2+s17], $0x80, s12, s17, $0xb8;
	[tilespmem:$0x19800] =	vst v63  }
0x5c3: {  	s19 =	simm.s32 $0x780  }
0x5c4: {  	[tilespmem:s7], [sflag:$0x1] =	stream.indirect.gather [hbm4b:s2+s17], $0x80, s19, s17, $0xb8;
	[tilespmem:$0x19800] =	vst v63  }
0x5c5: {  	_ =	swait.ge [sflag:s18], $0x2800  }
0x5c6: {  	[sflag:s18] =	ssyncset.done $0x0  }
0x5c7: {  	[sflag:s18] =	ssyncadd.s32 $0xFFFFD800  }
0x5c8: {  	_ =	swait.ge [sflag:s18], $0x2800  }
0x5c9: {  	[sflag:s18] =	ssyncset.done $0x0  }
0x5ca: {  	[sflag:s18] =	ssyncadd.s32 $0xFFFFD800  }
0x5cb: {  	_ =	swait.ge [sflag:s18], $0x2800  }
0x5cc: {  	[sflag:s18] =	ssyncset.done $0x0  }
0x5cd: {  	[sflag:s18] =	ssyncadd.s32 $0xFFFFD800  }
0x5ce: {  	_ =	swait.ge [sflag:s18], $0x2800  }
0x5cf: {  	[sflag:s18] =	ssyncset.done $0x0  }
0x5d0: {  	[sflag:s18] =	ssyncadd.s32 $0xFFFFD800  }
0x5d1: {  	_ =	swait.ge [sflag:s18], $0x2800  }
0x5d2: {  	s20 =	sld [smem:$0x7F4]  }
0x5d3: {  	[sflag:s18] =	ssyncset.done $0x0  }
0x5d4: {  	s21 =	sld [smem:$0x7F5];
	[sflag:s18] =	ssyncadd.s32 $0xFFFFD800  }
0x5d5: {  	[hbm4b:s20+s9] =	stream.strided.scatter [tilespmem:s22], [sflag:$0x4], $0x2800, s3, s9, $0x38;
	[tilespmem:$0x19800] =	vst v63  }
0x5d6: {  	s22 =	sld [smem:$0x7F6]  }
0x5d7: {  	[hbm4b:s21+s9] =	stream.strided.scatter [tilespmem:s13], [sflag:$0x4], $0x2800, s3, s9, $0x38;
	[tilespmem:$0x19800] =	vst v63  }
0x5d8: {  	s23 =	sld [smem:$0x7F7]  }
0x5d9: {  	[hbm4b:s22+s9] =	stream.strided.scatter [tilespmem:s14], [sflag:$0x4], $0x2800, s3, s9, $0x38;
	[tilespmem:$0x19800] =	vst v63  }
0x5da: {  	s24 =	sld [smem:$0x7F8]  }
0x5db: {  	[hbm4b:s23+s9] =	stream.strided.scatter [tilespmem:s15], [sflag:$0x4], $0x2800, s3, s9, $0x38;
	[tilespmem:$0x19800] =	vst v63  }
0x5dc: {  	_ = 	snop  }
0x5dd: {  	[hbm4b:s24+s9] =	stream.strided.scatter [tilespmem:s16], [sflag:$0x4], $0x2800, s3, s9, $0x38;
	[tilespmem:$0x19800] =	vst v63  }
0x5de: {  	_ =	swait.ge [sflag:s11], $0x2800  }
0x5df: {  	[sflag:s11] =	ssyncset.done $0x0  }
0x5e0: {  	[sflag:s11] =	ssyncadd.s32 $0xFFFFD800  }
0x5e1: {  	_ =	swait.ge [sflag:s11], $0x2800  }
0x5e2: {  	[sflag:s11] =	ssyncset.done $0x0  }
0x5e3: {  	[sflag:s11] =	ssyncadd.s32 $0xFFFFD800  }
0x5e4: {  	_ =	swait.ge [sflag:s11], $0x2800  }
0x5e5: {  	[sflag:s11] =	ssyncset.done $0x0  }
0x5e6: {  	[sflag:s11] =	ssyncadd.s32 $0xFFFFD800  }
0x5e7: {  	_ =	swait.ge [sflag:s11], $0x2800  }
0x5e8: {  	[sflag:s11] =	ssyncset.done $0x0  }
0x5e9: {  	[sflag:s11] =	ssyncadd.s32 $0xFFFFD800  }
0x5ea: {  	_ =	swait.ge [sflag:s11], $0x2800  }
0x5eb: {  	[sflag:s11] =	ssyncset.done $0x0  }
0x5ec: {  	[sflag:s11] =	ssyncadd.s32 $0xFFFFD800  }
0x5ed: {  	_ =	swait.ge [sflag:s10], $0x2800  }
0x5ee: {  	[sflag:s10] =	ssyncset.done $0x0  }
0x5ef: {  	[sflag:s10] =	ssyncadd.s32 $0xFFFFD800  }
0x5f0: {  	_ =	swait.ge [sflag:s10], $0x2800  }
0x5f1: {  	[sflag:s10] =	ssyncset.done $0x0  }
0x5f2: {  	[sflag:s10] =	ssyncadd.s32 $0xFFFFD800  }
0x5f3: {  	_ =	swait.ge [sflag:s10], $0x2800  }
0x5f4: {  	[sflag:s10] =	ssyncset.done $0x0  }
0x5f5: {  	[sflag:s10] =	ssyncadd.s32 $0xFFFFD800  }
0x5f6: {  	_ =	swait.ge [sflag:s10], $0x2800  }
0x5f7: {  	[sflag:s10] =	ssyncset.done $0x0  }
0x5f8: {  	[sflag:s10] =	ssyncadd.s32 $0xFFFFD800  }
0x5f9: {  	_ =	swait.ge [sflag:s10], $0x2800  }
0x5fa: {  	s25 =	sld [smem:$0x7F9]  }
0x5fb: {  	[sflag:s10] =	ssyncset.done $0x0  }
0x5fc: {  	s26 =	sld [smem:$0x7FA];
	[sflag:s10] =	ssyncadd.s32 $0xFFFFD800  }
0x5fd: {  	[hbm4b:s25+s9] =	stream.strided.scatter [tilespmem:s3], [sflag:$0x3], $0x2800, s3, s9, $0x38;
	[tilespmem:$0x19800] =	vst v63  }
0x5fe: {  	s29 =	sld [smem:$0x7FB]  }
0x5ff: {  	[hbm4b:s26+s9] =	stream.strided.scatter [tilespmem:s30], [sflag:$0x3], $0x2800, s3, s9, $0x38;
	[tilespmem:$0x19800] =	vst v63  }
0x600: {  	s30 =	sld [smem:$0x7FC]  }
0x601: {  	[hbm4b:s29+s9] =	stream.strided.scatter [tilespmem:s5], [sflag:$0x3], $0x2800, s3, s9, $0x38;
	[tilespmem:$0x19800] =	vst v63  }
0x602: {  	s31 =	sld [smem:$0x7FD]  }
0x603: {  	[hbm4b:s30+s9] =	stream.strided.scatter [tilespmem:s6], [sflag:$0x3], $0x2800, s3, s9, $0x38;
	[tilespmem:$0x19800] =	vst v63  }
0x604: {  	_ = 	snop  }
0x605: {  	[hbm4b:s31+s9] =	stream.strided.scatter [tilespmem:s7], [sflag:$0x3], $0x2800, s3, s9, $0x38;
	[tilespmem:$0x19800] =	vst v63  }
0x606: {  	_ =	swait.ge [sflag:s8], $0x2800  }
0x607: {  	[sflag:s8] =	ssyncset.done $0x0  }
0x608: {  	[sflag:s8] =	ssyncadd.s32 $0xFFFFD800  }
0x609: {  	_ =	swait.ge [sflag:s8], $0x2800  }
0x60a: {  	[sflag:s8] =	ssyncset.done $0x0  }
0x60b: {  	[sflag:s8] =	ssyncadd.s32 $0xFFFFD800  }
0x60c: {  	_ =	swait.ge [sflag:s8], $0x2800  }
0x60d: {  	[sflag:s8] =	ssyncset.done $0x0  }
0x60e: {  	[sflag:s8] =	ssyncadd.s32 $0xFFFFD800  }
0x60f: {  	_ =	swait.ge [sflag:s8], $0x2800  }
0x610: {  	[sflag:s8] =	ssyncset.done $0x0  }
0x611: {  	[sflag:s8] =	ssyncadd.s32 $0xFFFFD800  }
0x612: {  	_ =	swait.ge [sflag:s8], $0x2800  }
0x613: {  	[sflag:s8] =	ssyncset.done $0x0  }
0x614: {  	[sflag:s8] =	ssyncadd.s32 $0xFFFFD800  }
0x615: {  	_ =	sfence.sel $0x180000  }
0x616: {  	[bflag:$0x0] =	sbarrier.arrive $0xFFFF  }
0x617: {  	_ =	strace $0x90000047  }
0x618: {  	[bflag:$0x2] =	sbarrier.arrive $0xFFFF  }
0x619: {  	p0 =	sne.s32 s28, $0x0;
	s0 =	rddreg [dreg:$0x4]  }
0x61a: {  	s0 =	sadd.s32 @!p0 $0x100000, s0  }
0x61b: {  	[sflag:s0] =	ssyncadd.tile.s32 @!p0 $0x1;
	_ =	shalt  }
.LBB2_6:
.Ltmp3:
0x61c: {  	(pc) =	sbr.rel .LBB2_5-.Ltmp3, $4  }
0x61d: {  	s28 =	stileid.u32;
	s20 =	simm.s32 $0xA0  }
0x61e: {  	s0 =	simm.s32 $0xF0;
	s23 =	simm.s32 $0x140;
	s24 =	simm.s32 $0x190  }
0x61f: {  	s1 =	simm.s32 $0x1E0;
	s25 =	simm.s32 $0x230;
	s4 =	simm.s32 $0x280  }
0x620: {  	s29 =	sld [smem:$0x7E5];
	s19 =	simm.s32 $0x0;
	s12 =	simm.s32 $0x5  }
.Lfunc_end2:
_tile_overlayer_lowered:
.L_overlay_start_2:
0x621: {  	(tag) =	ssettag $0x2  }
0x622: {  	s0 =	rddreg [dreg:$0x0];
	s2 =	stileid.u32  }
0x623: {  	s1 =	rddreg [dreg:$0x1];
	p0 =	sne.s32 s2, $0x0  }
0x624: {  	s3 =	rddreg [dreg:$0x2];
	[bflag:$0x3] =	sbarrier.arrive $0xFFFF;
	s2 =	simm.s32 @!p0 $0x1C05  }
0x625: {  	[timem:s3], [sflag:s2] =	dma.local @!p0 [hbm:s0], s1  }
0x626: {  	s0 =	simm.s32 @!p0 $0x5  }
0x627: {  	_ =	swait.ge @!p0 [sflag:s0], s1  }
0x628: {  	s1 =	ssub.s32 @!p0 $0x0, s1;
	[sflag:s0] =	ssyncset.done @!p0 $0x0  }
0x629: {  	[sflag:s0] =	ssyncadd.s32 @!p0 s1  }
0x62a: {  	[bflag:$0x3] =	sbarrier.arrive $0xFFFF  }
0x62b: {  	_ =	shalt  }

</sc_bundles>
